<compile_context>
chip_gen: v7x
topology: tpu7x:2x2x1
jax: 0.10.2.dev20260603
libtpu: 0.0.44.dev20260713+nightly
codegen_flags: <defaults>
</compile_context>

<pallas_src>
import functools

import jax
import jax.numpy as jnp
from jax import lax
from jax.experimental import pallas as pl
from jax.experimental.pallas import tpu as pltpu
from jax.experimental.pallas import tpu_sc as plsc

NC = 2
NS = 16
CH = 80
DUMMY = 64
LANES = 16
NR = 3
NI = 4
UNROLL = 12


def _sc_aggregate(n, d, src, dst, node_feat, zeros2d, zeros1d):
    n_tiles = NC * NS
    e_pad = src.shape[0]
    ept = e_pad // n_tiles
    n_chunks = ept // CH
    n_blocks = n_chunks // UNROLL
    tail = n_chunks - n_blocks * UNROLL
    n_pad = zeros2d.shape[0]
    n_hist = zeros1d.shape[0]
    zstripe = ((n_pad + NS - 1) // NS + 7) // 8 * 8
    zlast = n_pad - (NS - 1) * zstripe
    stripe = ((n + NS - 1) // NS + 7) // 8 * 8
    last = n - (NS - 1) * stripe

    mesh = plsc.VectorSubcoreMesh(
        core_axis_name="c", subcore_axis_name="s",
        num_cores=NC, num_subcores=NS)

    @functools.partial(
        pl.kernel,
        out_type=(
            jax.ShapeDtypeStruct((NC * n, d), jnp.float32),
            jax.ShapeDtypeStruct((n_tiles * n,), jnp.float32),
        ),
        mesh=mesh,
        scratch_types=[
            [pltpu.VMEM((CH,), jnp.int32) for _ in range(NI)],
            [pltpu.VMEM((CH,), jnp.int32) for _ in range(NI)],
            [pltpu.VMEM((CH, d), jnp.float32) for _ in range(NR)],
            pltpu.VMEM((n_hist,), jnp.float32),
            pltpu.VMEM_SHARED((n_pad, d), jnp.float32),
            [pltpu.SemaphoreType.DMA for _ in range(NI)],
            [pltpu.SemaphoreType.DMA for _ in range(NI)],
            [pltpu.SemaphoreType.DMA for _ in range(NR)],
        ],
        compiler_params=pltpu.CompilerParams(needs_layout_passes=False),
    )
    def sc_agg(src_hbm, dst_hbm, nf_hbm, z2_hbm, z1_hbm, out_hbm, deg_hbm,
               src_bufs, dst_bufs, rows_bufs, deg_v, agg_sh,
               ssems, dsems, gsems):
        cid = lax.axis_index("c")
        sid = lax.axis_index("s")
        wid = cid * NS + sid

        pltpu.sync_copy(z1_hbm, deg_v)

        @pl.when(sid < NS - 1)
        def _():
            pltpu.sync_copy(z2_hbm.at[pl.ds(sid * zstripe, zstripe)],
                            agg_sh.at[pl.ds(sid * zstripe, zstripe)])

        @pl.when(sid == NS - 1)
        def _():
            pltpu.sync_copy(z2_hbm.at[pl.ds((NS - 1) * zstripe, zlast)],
                            agg_sh.at[pl.ds((NS - 1) * zstripe, zlast)])

        plsc.subcore_barrier()

        ones16 = jnp.ones((LANES,), jnp.float32)

        def idxload(i, q):
            base = pl.multiple_of(wid * ept + i * CH, 8)
            pltpu.async_copy(src_hbm.at[pl.ds(base, CH)], src_bufs[q],
                             ssems[q])
            pltpu.async_copy(dst_hbm.at[pl.ds(base, CH)], dst_bufs[q],
                             dsems[q])

        def idxwait(q):
            pltpu.make_async_copy(src_hbm.at[pl.ds(0, CH)], src_bufs[q],
                                  ssems[q]).wait()
            pltpu.make_async_copy(dst_hbm.at[pl.ds(0, CH)], dst_bufs[q],
                                  dsems[q]).wait()

        def gather(q, r):
            pltpu.async_copy(nf_hbm.at[src_bufs[q]], rows_bufs[r], gsems[r])

        def gwait(r):
            pltpu.make_async_copy(nf_hbm.at[src_bufs[0]], rows_bufs[r],
                                  gsems[r]).wait()

        def deg_update(q):
            for k in range(CH // LANES):
                idx = dst_bufs[q][pl.ds(k * LANES, LANES)]
                plsc.addupdate_scatter(deg_v, [idx], ones16)

        def chunk_body(i, b):
            qi, ri = b % NI, b % NR

            @pl.when(i + NR < n_chunks)
            def _():
                idxload(i + NR, (b + NR) % NI)

            @pl.when(i + 2 < n_chunks)
            def _():
                idxwait((b + 2) % NI)
                gather((b + 2) % NI, (b + 2) % NR)

            deg_update(qi)
            gwait(ri)
            pltpu.sync_copy(rows_bufs[ri], agg_sh.at[dst_bufs[qi]], add=True)

        for b in range(NR):
            idxload(b, b)
        for b in range(2):
            idxwait(b)
            gather(b, b)

        def block(t, carry):
            i0 = t * UNROLL
            for b in range(UNROLL):
                chunk_body(i0 + b, b)
            return carry

        lax.fori_loop(0, n_blocks, block, 0)

        for b in range(tail):
            chunk_body(n_blocks * UNROLL + b, b)

        pltpu.sync_copy(deg_v.at[pl.ds(0, n)], deg_hbm.at[pl.ds(wid * n, n)])

        plsc.subcore_barrier()

        @pl.when(sid < NS - 1)
        def _():
            pltpu.sync_copy(agg_sh.at[pl.ds(sid * stripe, stripe)],
                            out_hbm.at[pl.ds(cid * n + sid * stripe, stripe)])

        @pl.when(sid == NS - 1)
        def _():
            pltpu.sync_copy(
                agg_sh.at[pl.ds((NS - 1) * stripe, last)],
                out_hbm.at[pl.ds(cid * n + (NS - 1) * stripe, last)])

    return sc_agg(src, dst, node_feat, zeros2d, zeros1d)


def _mlp(node_feat, partials, deg_t, w1a, w1b, b1, w2, b2):
    n, d = node_feat.shape
    n_tiles = deg_t.shape[1]
    blk = 1000
    grid = n // blk

    def body(nf_ref, p0_ref, p1_ref, deg_ref, w1a_ref, w1b_ref, b1_ref,
             w2_ref, b2_ref, out_ref):
        agg = p0_ref[...] + p1_ref[...]
        deg = jnp.sum(deg_ref[...], axis=1, keepdims=True)
        agg = agg / jnp.maximum(deg, 1.0)
        h = jnp.dot(nf_ref[...], w1a_ref[...],
                    preferred_element_type=jnp.float32)
        h += jnp.dot(agg, w1b_ref[...], preferred_element_type=jnp.float32)
        h = jnp.maximum(h + b1_ref[...], 0.0)
        h2 = jnp.dot(h, w2_ref[...], preferred_element_type=jnp.float32)
        out_ref[...] = jnp.maximum(h2 + b2_ref[...], 0.0)

    return pl.pallas_call(
        body,
        grid=(grid,),
        in_specs=[
            pl.BlockSpec((blk, d), lambda i: (i, 0)),
            pl.BlockSpec((blk, d), lambda i: (i, 0)),
            pl.BlockSpec((blk, d), lambda i: (i + grid, 0)),
            pl.BlockSpec((blk, n_tiles), lambda i: (i, 0)),
            pl.BlockSpec((d, d), lambda i: (0, 0)),
            pl.BlockSpec((d, d), lambda i: (0, 0)),
            pl.BlockSpec((1, d), lambda i: (0, 0)),
            pl.BlockSpec((d, d), lambda i: (0, 0)),
            pl.BlockSpec((1, d), lambda i: (0, 0)),
        ],
        out_specs=pl.BlockSpec((blk, d), lambda i: (i, 0)),
        out_shape=jax.ShapeDtypeStruct((n, d), jnp.float32),
    )(node_feat, partials, partials, deg_t, w1a, w1b, b1, w2, b2)


@jax.jit
def kernel(node_feat, edge_index, W1, b1, W2, b2):
    n, d = node_feat.shape
    e = edge_index.shape[1]
    n_tiles = NC * NS
    ept = e // n_tiles
    ept_pad = (ept + CH - 1) // CH * CH
    tile_pad = ept_pad - ept

    if tile_pad:
        pad_src = jnp.broadcast_to(
            jnp.arange(tile_pad, dtype=jnp.int32) % n, (n_tiles, tile_pad))
        pad_dst = jnp.broadcast_to(
            n + (jnp.arange(tile_pad, dtype=jnp.int32) % max(DUMMY, 1)),
            (n_tiles, tile_pad))
        src = jnp.concatenate(
            [edge_index[0].reshape(n_tiles, ept), pad_src], axis=1).reshape(-1)
        dst = jnp.concatenate(
            [edge_index[1].reshape(n_tiles, ept), pad_dst], axis=1).reshape(-1)
    else:
        src = edge_index[0]
        dst = edge_index[1]

    n_padded = n + DUMMY
    n_hist = (n_padded + 7) // 8 * 8
    assert tile_pad == 0 or DUMMY > 0
    zeros2d = jnp.zeros((n_padded, d), node_feat.dtype)
    zeros1d = jnp.zeros((n_hist,), node_feat.dtype)

    partials, deg32 = _sc_aggregate(n, d, src, dst, node_feat, zeros2d,
                                    zeros1d)
    deg_t = deg32.reshape(n_tiles, n).T

    w1t = W1.T
    w1a = w1t[:d]
    w1b = w1t[d:]
    w2t = W2.T
    return _mlp(node_feat, partials, deg_t, w1a, w1b, b1.reshape(1, -1),
                w2t, b2.reshape(1, -1))

# --- scband reference (transcript-rebuilt; emitter-appended) ---
"""Pipeline reference for scband-edge-gnnlayer-44006234914855 (READ-ONLY COPY).

The authoritative reference and input builder live on the scoring server;
editing this copy changes nothing except your own understanding.
"""

import jax, jax.numpy as jnp
import numpy as np

N_NODES = 10000
N_EDGES = 320000
D_FEAT = 128
HIDDEN = 128


def setup_inputs(seed: int = 0) -> dict:
    key = jax.random.key(seed)
    k1, k2, k3, k4, k5, k6 = jax.random.split(key, 6)
    node_feat = jax.random.normal(k1, (N_NODES, D_FEAT), dtype=jnp.float32)
    edge_index = jax.random.randint(k2, (2, N_EDGES), 0, N_NODES, dtype=jnp.int32)
    # LazyLinear materializes to in_features = 2*D_FEAT (cat of node_feat and agg)
    in1 = 2 * D_FEAT
    W1 = jax.random.normal(k3, (HIDDEN, in1), dtype=jnp.float32) / np.sqrt(in1)
    b1 = jax.random.normal(k4, (HIDDEN,), dtype=jnp.float32) * 0.01
    W2 = jax.random.normal(k5, (HIDDEN, HIDDEN), dtype=jnp.float32) / np.sqrt(HIDDEN)
    b2 = jax.random.normal(k6, (HIDDEN,), dtype=jnp.float32) * 0.01
    return {"node_feat": node_feat, "edge_index": edge_index, "W1": W1, "b1": b1, "W2": W2, "b2": b2}


def reference(node_feat, edge_index, W1, b1, W2, b2):
    # eval-mode forward: dropout is identity
    src = edge_index[0]
    dst = edge_index[1]
    n = node_feat.shape[0]
    # agg.index_add_(0, dst, node_feat[src])
    agg = jax.ops.segment_sum(node_feat[src], dst, num_segments=n)
    # degree via scatter-add of ones
    deg = jax.ops.segment_sum(jnp.ones(dst.shape[0], dtype=node_feat.dtype), dst, num_segments=n)
    agg = agg / jnp.clip(deg, 1.0, None)[:, None]
    h = jnp.concatenate([node_feat, agg], axis=-1)
    h = jax.nn.relu(h @ W1.T + b1)
    h = jax.nn.relu(h @ W2.T + b2)
    return h

if __name__ == "__main__":
    import jax
    _d = setup_inputs()
    print(jax.jit(kernel)(*tuple(_d.values())))

</pallas_src>

<mosaic_0001>
#map = affine_map<(d0, d1) -> (0)>
#map1 = affine_map<(d0, d1) -> (0, 0)>
module attributes {stable_mosaic.version = 14 : i64} {
  func.func @sc_agg(%arg0: i32, %arg1: i32, %arg2: memref<320000xi32, #tpu.memory_space<hbm>>, %arg3: memref<320000xi32, #tpu.memory_space<hbm>>, %arg4: memref<10000x128xf32, #tpu.memory_space<hbm>>, %arg5: memref<10064x128xf32, #tpu.memory_space<hbm>>, %arg6: memref<10064xf32, #tpu.memory_space<hbm>>, %arg7: memref<20000x128xf32, #tpu.memory_space<hbm>>, %arg8: memref<320000xf32, #tpu.memory_space<hbm>>, %arg9: memref<80xi32, #tpu.memory_space<vmem>>, %arg10: memref<80xi32, #tpu.memory_space<vmem>>, %arg11: memref<80xi32, #tpu.memory_space<vmem>>, %arg12: memref<80xi32, #tpu.memory_space<vmem>>, %arg13: memref<80xi32, #tpu.memory_space<vmem>>, %arg14: memref<80xi32, #tpu.memory_space<vmem>>, %arg15: memref<80xi32, #tpu.memory_space<vmem>>, %arg16: memref<80xi32, #tpu.memory_space<vmem>>, %arg17: memref<80x128xf32, #tpu.memory_space<vmem>>, %arg18: memref<80x128xf32, #tpu.memory_space<vmem>>, %arg19: memref<80x128xf32, #tpu.memory_space<vmem>>, %arg20: memref<10064xf32, #tpu.memory_space<vmem>>, %arg21: memref<10064x128xf32, #tpu.memory_space<vmem_shared>>, %arg22: memref<!tpu.dma_semaphore, #tpu.memory_space<semaphore_mem>>, %arg23: memref<!tpu.dma_semaphore, #tpu.memory_space<semaphore_mem>>, %arg24: memref<!tpu.dma_semaphore, #tpu.memory_space<semaphore_mem>>, %arg25: memref<!tpu.dma_semaphore, #tpu.memory_space<semaphore_mem>>, %arg26: memref<!tpu.dma_semaphore, #tpu.memory_space<semaphore_mem>>, %arg27: memref<!tpu.dma_semaphore, #tpu.memory_space<semaphore_mem>>, %arg28: memref<!tpu.dma_semaphore, #tpu.memory_space<semaphore_mem>>, %arg29: memref<!tpu.dma_semaphore, #tpu.memory_space<semaphore_mem>>, %arg30: memref<!tpu.dma_semaphore, #tpu.memory_space<semaphore_mem>>, %arg31: memref<!tpu.dma_semaphore, #tpu.memory_space<semaphore_mem>>, %arg32: memref<!tpu.dma_semaphore, #tpu.memory_space<semaphore_mem>>) attributes {dimension_semantics = [#tpu.dimension_semantics<core_parallel>, #tpu.dimension_semantics<subcore_parallel>], iteration_bounds = array<i64: 2, 16>, scalar_prefetch = 0 : i64, scratch_operands = 24 : i64, tpu.core_type = #tpu.core_type<sc_vector_subcore>, window_params = [{transform_indices = #map}, {transform_indices = #map}, {transform_indices = #map1}, {transform_indices = #map1}, {transform_indices = #map}, {transform_indices = #map1}, {transform_indices = #map}]} {
    %mul3A = arith.constant 16 : i32
    %mul3A_0 = arith.muli %arg0, %mul3A : i32
    %add3A = arith.addi %mul3A_0, %arg1 : i32
    "tpu.region"() ({
      %run_scoped3A = tpu.sem_alloc : memref<!tpu.dma_semaphore, #tpu.memory_space<semaphore_mem>>
      tpu.enqueue_dma source(%arg6 : memref<10064xf32, #tpu.memory_space<hbm>>) target(%arg20 : memref<10064xf32, #tpu.memory_space<vmem>>) target_semaphore(%run_scoped3A : memref<!tpu.dma_semaphore, #tpu.memory_space<semaphore_mem>>)
      tpu.wait_dma2 semaphore(%run_scoped3A : memref<!tpu.dma_semaphore, #tpu.memory_space<semaphore_mem>>) src(%arg6 : memref<10064xf32, #tpu.memory_space<hbm>>) dst(%arg20 : memref<10064xf32, #tpu.memory_space<vmem>>)
      tpu.yield
    }) : () -> ()
    %lt3A = arith.constant 15 : i32
    %lt3A_1 = arith.cmpi slt, %arg1, %lt3A : i32
    %convert_element_type3A = arith.extui %lt3A_1 : i1 to i32
    %cond3A = arith.constant 0 : i32
    %cond3A_2 = arith.cmpi ne, %convert_element_type3A, %cond3A : i32
    scf.if %cond3A_2 {
      %mul3A_187 = arith.constant 632 : i32
      %mul3A_188 = arith.muli %arg1, %mul3A_187 : i32
      %mul3A_189 = arith.constant 632 : i32
      %mul3A_190 = arith.muli %arg1, %mul3A_189 : i32
      "tpu.region"() ({
        %run_scoped3A = tpu.sem_alloc : memref<!tpu.dma_semaphore, #tpu.memory_space<semaphore_mem>>
        %dma_start3A_191 = arith.constant 0 : i32
        %dma_start3A_192 = tpu.memref_slice %arg21[%mul3A_190, %dma_start3A_191] : memref<10064x128xf32, #tpu.memory_space<vmem_shared>> -> memref<632x128xf32, #tpu.memory_space<vmem_shared>>
        %dma_start3A_193 = arith.constant 0 : i32
        %dma_start3A_194 = tpu.memref_slice %arg5[%mul3A_188, %dma_start3A_193] : memref<10064x128xf32, #tpu.memory_space<hbm>> -> memref<632x128xf32, #tpu.memory_space<hbm>>
        tpu.enqueue_dma source(%dma_start3A_194 : memref<632x128xf32, #tpu.memory_space<hbm>>) target(%dma_start3A_192 : memref<632x128xf32, #tpu.memory_space<vmem_shared>>) target_semaphore(%run_scoped3A : memref<!tpu.dma_semaphore, #tpu.memory_space<semaphore_mem>>)
        %dma_wait3A_195 = arith.constant 0 : i32
        %dma_wait3A_196 = tpu.memref_slice %arg21[%mul3A_190, %dma_wait3A_195] : memref<10064x128xf32, #tpu.memory_space<vmem_shared>> -> memref<632x128xf32, #tpu.memory_space<vmem_shared>>
        %dma_wait3A_197 = arith.constant 0 : i32
        %dma_wait3A_198 = tpu.memref_slice %arg5[%mul3A_188, %dma_wait3A_197] : memref<10064x128xf32, #tpu.memory_space<hbm>> -> memref<632x128xf32, #tpu.memory_space<hbm>>
        tpu.wait_dma2 semaphore(%run_scoped3A : memref<!tpu.dma_semaphore, #tpu.memory_space<semaphore_mem>>) src(%dma_wait3A_198 : memref<632x128xf32, #tpu.memory_space<hbm>>) dst(%dma_wait3A_196 : memref<632x128xf32, #tpu.memory_space<vmem_shared>>)
        tpu.yield
      }) : () -> ()
    } else {
    }
    %eq3A = arith.constant 15 : i32
    %eq3A_3 = arith.cmpi eq, %arg1, %eq3A : i32
    %convert_element_type3A_4 = arith.extui %eq3A_3 : i1 to i32
    %cond3A_5 = arith.constant 0 : i32
    %cond3A_6 = arith.cmpi ne, %convert_element_type3A_4, %cond3A_5 : i32
    scf.if %cond3A_6 {
      "tpu.region"() ({
        %run_scoped3A = tpu.sem_alloc : memref<!tpu.dma_semaphore, #tpu.memory_space<semaphore_mem>>
        %dma_start3A_187 = arith.constant 9480 : i32
        %dma_start3A_188 = arith.constant 0 : i32
        %dma_start3A_189 = tpu.memref_slice %arg21[%dma_start3A_187, %dma_start3A_188] : memref<10064x128xf32, #tpu.memory_space<vmem_shared>> -> memref<584x128xf32, #tpu.memory_space<vmem_shared>>
        %dma_start3A_190 = arith.constant 9480 : i32
        %dma_start3A_191 = arith.constant 0 : i32
        %dma_start3A_192 = tpu.memref_slice %arg5[%dma_start3A_190, %dma_start3A_191] : memref<10064x128xf32, #tpu.memory_space<hbm>> -> memref<584x128xf32, #tpu.memory_space<hbm>>
        tpu.enqueue_dma source(%dma_start3A_192 : memref<584x128xf32, #tpu.memory_space<hbm>>) target(%dma_start3A_189 : memref<584x128xf32, #tpu.memory_space<vmem_shared>>) target_semaphore(%run_scoped3A : memref<!tpu.dma_semaphore, #tpu.memory_space<semaphore_mem>>)
        %dma_wait3A_193 = arith.constant 9480 : i32
        %dma_wait3A_194 = arith.constant 0 : i32
        %dma_wait3A_195 = tpu.memref_slice %arg21[%dma_wait3A_193, %dma_wait3A_194] : memref<10064x128xf32, #tpu.memory_space<vmem_shared>> -> memref<584x128xf32, #tpu.memory_space<vmem_shared>>
        %dma_wait3A_196 = arith.constant 9480 : i32
        %dma_wait3A_197 = arith.constant 0 : i32
        %dma_wait3A_198 = tpu.memref_slice %arg5[%dma_wait3A_196, %dma_wait3A_197] : memref<10064x128xf32, #tpu.memory_space<hbm>> -> memref<584x128xf32, #tpu.memory_space<hbm>>
        tpu.wait_dma2 semaphore(%run_scoped3A : memref<!tpu.dma_semaphore, #tpu.memory_space<semaphore_mem>>) src(%dma_wait3A_198 : memref<584x128xf32, #tpu.memory_space<hbm>>) dst(%dma_wait3A_195 : memref<584x128xf32, #tpu.memory_space<vmem_shared>>)
        tpu.yield
      }) : () -> ()
    } else {
    }
    %barrier3A = arith.constant 0 : index
    tpu.barrier barrier_id(%barrier3A)
    %broadcast_in_dim3A = arith.constant 1.000000e+00 : f32
    %broadcast_in_dim3A_7 = vector.broadcast %broadcast_in_dim3A : f32 to vector<16xf32>
    %mul3A_8 = arith.constant 10000 : i32
    %mul3A_9 = arith.muli %add3A, %mul3A_8 : i32
    %add3A_10 = arith.constant 0 : i32
    %add3A_11 = arith.addi %mul3A_9, %add3A_10 : i32
    %multiple_of3A = tpu.assume_multiple %add3A_11, 8 : i32
    %dma_start3A = tpu.memref_slice %arg2[%multiple_of3A] : memref<320000xi32, #tpu.memory_space<hbm>> -> memref<80xi32, #tpu.memory_space<hbm>>
    %dma_start3A_12 = tpu.memref_slice %arg2[%multiple_of3A] : memref<320000xi32, #tpu.memory_space<hbm>> -> memref<80xi32, #tpu.memory_space<hbm>>
    tpu.enqueue_dma source(%dma_start3A_12 : memref<80xi32, #tpu.memory_space<hbm>>) target(%arg9 : memref<80xi32, #tpu.memory_space<vmem>>) target_semaphore(%arg22 : memref<!tpu.dma_semaphore, #tpu.memory_space<semaphore_mem>>)
    %dma_start3A_13 = tpu.memref_slice %arg3[%multiple_of3A] : memref<320000xi32, #tpu.memory_space<hbm>> -> memref<80xi32, #tpu.memory_space<hbm>>
    %dma_start3A_14 = tpu.memref_slice %arg3[%multiple_of3A] : memref<320000xi32, #tpu.memory_space<hbm>> -> memref<80xi32, #tpu.memory_space<hbm>>
    tpu.enqueue_dma source(%dma_start3A_14 : memref<80xi32, #tpu.memory_space<hbm>>) target(%arg13 : memref<80xi32, #tpu.memory_space<vmem>>) target_semaphore(%arg26 : memref<!tpu.dma_semaphore, #tpu.memory_space<semaphore_mem>>)
    %mul3A_15 = arith.constant 10000 : i32
    %mul3A_16 = arith.muli %add3A, %mul3A_15 : i32
    %add3A_17 = arith.constant 80 : i32
    %add3A_18 = arith.addi %mul3A_16, %add3A_17 : i32
    %multiple_of3A_19 = tpu.assume_multiple %add3A_18, 8 : i32
    %dma_start3A_20 = tpu.memref_slice %arg2[%multiple_of3A_19] : memref<320000xi32, #tpu.memory_space<hbm>> -> memref<80xi32, #tpu.memory_space<hbm>>
    %dma_start3A_21 = tpu.memref_slice %arg2[%multiple_of3A_19] : memref<320000xi32, #tpu.memory_space<hbm>> -> memref<80xi32, #tpu.memory_space<hbm>>
    tpu.enqueue_dma source(%dma_start3A_21 : memref<80xi32, #tpu.memory_space<hbm>>) target(%arg10 : memref<80xi32, #tpu.memory_space<vmem>>) target_semaphore(%arg23 : memref<!tpu.dma_semaphore, #tpu.memory_space<semaphore_mem>>)
    %dma_start3A_22 = tpu.memref_slice %arg3[%multiple_of3A_19] : memref<320000xi32, #tpu.memory_space<hbm>> -> memref<80xi32, #tpu.memory_space<hbm>>
    %dma_start3A_23 = tpu.memref_slice %arg3[%multiple_of3A_19] : memref<320000xi32, #tpu.memory_space<hbm>> -> memref<80xi32, #tpu.memory_space<hbm>>
    tpu.enqueue_dma source(%dma_start3A_23 : memref<80xi32, #tpu.memory_space<hbm>>) target(%arg14 : memref<80xi32, #tpu.memory_space<vmem>>) target_semaphore(%arg27 : memref<!tpu.dma_semaphore, #tpu.memory_space<semaphore_mem>>)
    %mul3A_24 = arith.constant 10000 : i32
    %mul3A_25 = arith.muli %add3A, %mul3A_24 : i32
    %add3A_26 = arith.constant 160 : i32
    %add3A_27 = arith.addi %mul3A_25, %add3A_26 : i32
    %multiple_of3A_28 = tpu.assume_multiple %add3A_27, 8 : i32
    %dma_start3A_29 = tpu.memref_slice %arg2[%multiple_of3A_28] : memref<320000xi32, #tpu.memory_space<hbm>> -> memref<80xi32, #tpu.memory_space<hbm>>
    %dma_start3A_30 = tpu.memref_slice %arg2[%multiple_of3A_28] : memref<320000xi32, #tpu.memory_space<hbm>> -> memref<80xi32, #tpu.memory_space<hbm>>
    tpu.enqueue_dma source(%dma_start3A_30 : memref<80xi32, #tpu.memory_space<hbm>>) target(%arg11 : memref<80xi32, #tpu.memory_space<vmem>>) target_semaphore(%arg24 : memref<!tpu.dma_semaphore, #tpu.memory_space<semaphore_mem>>)
    %dma_start3A_31 = tpu.memref_slice %arg3[%multiple_of3A_28] : memref<320000xi32, #tpu.memory_space<hbm>> -> memref<80xi32, #tpu.memory_space<hbm>>
    %dma_start3A_32 = tpu.memref_slice %arg3[%multiple_of3A_28] : memref<320000xi32, #tpu.memory_space<hbm>> -> memref<80xi32, #tpu.memory_space<hbm>>
    tpu.enqueue_dma source(%dma_start3A_32 : memref<80xi32, #tpu.memory_space<hbm>>) target(%arg15 : memref<80xi32, #tpu.memory_space<vmem>>) target_semaphore(%arg28 : memref<!tpu.dma_semaphore, #tpu.memory_space<semaphore_mem>>)
    %dma_wait3A = arith.constant 0 : i32
    %dma_wait3A_33 = tpu.memref_slice %arg2[%dma_wait3A] : memref<320000xi32, #tpu.memory_space<hbm>> -> memref<80xi32, #tpu.memory_space<hbm>>
    %dma_wait3A_34 = arith.constant 0 : i32
    %dma_wait3A_35 = tpu.memref_slice %arg2[%dma_wait3A_34] : memref<320000xi32, #tpu.memory_space<hbm>> -> memref<80xi32, #tpu.memory_space<hbm>>
    tpu.wait_dma2 semaphore(%arg22 : memref<!tpu.dma_semaphore, #tpu.memory_space<semaphore_mem>>) src(%dma_wait3A_35 : memref<80xi32, #tpu.memory_space<hbm>>) dst(%arg9 : memref<80xi32, #tpu.memory_space<vmem>>)
    %dma_wait3A_36 = arith.constant 0 : i32
    %dma_wait3A_37 = tpu.memref_slice %arg3[%dma_wait3A_36] : memref<320000xi32, #tpu.memory_space<hbm>> -> memref<80xi32, #tpu.memory_space<hbm>>
    %dma_wait3A_38 = arith.constant 0 : i32
    %dma_wait3A_39 = tpu.memref_slice %arg3[%dma_wait3A_38] : memref<320000xi32, #tpu.memory_space<hbm>> -> memref<80xi32, #tpu.memory_space<hbm>>
    tpu.wait_dma2 semaphore(%arg26 : memref<!tpu.dma_semaphore, #tpu.memory_space<semaphore_mem>>) src(%dma_wait3A_39 : memref<80xi32, #tpu.memory_space<hbm>>) dst(%arg13 : memref<80xi32, #tpu.memory_space<vmem>>)
    %dma_start3A_40 = arith.constant 0 : i32
    %dma_start3A_41 = arith.constant 0 : i32
    %dma_start3A_42 = tpu.memref_slice %arg4[%dma_start3A_40, %dma_start3A_41] : memref<10000x128xf32, #tpu.memory_space<hbm>> -> memref<10000x128xf32, #tpu.memory_space<hbm>>
    tpu.enqueue_indirect_dma source(%dma_start3A_42 : memref<10000x128xf32, #tpu.memory_space<hbm>>) target(%arg17 : memref<80x128xf32, #tpu.memory_space<vmem>>) offsets(%arg9 : memref<80xi32, #tpu.memory_space<vmem>>) semaphore(%arg30 : memref<!tpu.dma_semaphore, #tpu.memory_space<semaphore_mem>>)
    %dma_wait3A_43 = arith.constant 0 : i32
    %dma_wait3A_44 = tpu.memref_slice %arg2[%dma_wait3A_43] : memref<320000xi32, #tpu.memory_space<hbm>> -> memref<80xi32, #tpu.memory_space<hbm>>
    %dma_wait3A_45 = arith.constant 0 : i32
    %dma_wait3A_46 = tpu.memref_slice %arg2[%dma_wait3A_45] : memref<320000xi32, #tpu.memory_space<hbm>> -> memref<80xi32, #tpu.memory_space<hbm>>
    tpu.wait_dma2 semaphore(%arg23 : memref<!tpu.dma_semaphore, #tpu.memory_space<semaphore_mem>>) src(%dma_wait3A_46 : memref<80xi32, #tpu.memory_space<hbm>>) dst(%arg10 : memref<80xi32, #tpu.memory_space<vmem>>)
    %dma_wait3A_47 = arith.constant 0 : i32
    %dma_wait3A_48 = tpu.memref_slice %arg3[%dma_wait3A_47] : memref<320000xi32, #tpu.memory_space<hbm>> -> memref<80xi32, #tpu.memory_space<hbm>>
    %dma_wait3A_49 = arith.constant 0 : i32
    %dma_wait3A_50 = tpu.memref_slice %arg3[%dma_wait3A_49] : memref<320000xi32, #tpu.memory_space<hbm>> -> memref<80xi32, #tpu.memory_space<hbm>>
    tpu.wait_dma2 semaphore(%arg27 : memref<!tpu.dma_semaphore, #tpu.memory_space<semaphore_mem>>) src(%dma_wait3A_50 : memref<80xi32, #tpu.memory_space<hbm>>) dst(%arg14 : memref<80xi32, #tpu.memory_space<vmem>>)
    %dma_start3A_51 = arith.constant 0 : i32
    %dma_start3A_52 = arith.constant 0 : i32
    %dma_start3A_53 = tpu.memref_slice %arg4[%dma_start3A_51, %dma_start3A_52] : memref<10000x128xf32, #tpu.memory_space<hbm>> -> memref<10000x128xf32, #tpu.memory_space<hbm>>
    tpu.enqueue_indirect_dma source(%dma_start3A_53 : memref<10000x128xf32, #tpu.memory_space<hbm>>) target(%arg18 : memref<80x128xf32, #tpu.memory_space<vmem>>) offsets(%arg10 : memref<80xi32, #tpu.memory_space<vmem>>) semaphore(%arg31 : memref<!tpu.dma_semaphore, #tpu.memory_space<semaphore_mem>>)
    %scan3A = arith.constant 0 : i32
    %scan3A_54 = arith.constant 0 : i32
    %scan3A_55 = arith.constant 10 : i32
    %scan3A_56 = arith.addi %scan3A_54, %scan3A_55 : i32
    %scan3A_57 = arith.constant 1 : i32
    scf.for %scan3A_187 = %scan3A_54 to %scan3A_56 step %scan3A_57  : i32 {
      %mul3A_188 = arith.constant 12 : i32
      %mul3A_189 = arith.muli %scan3A_187, %mul3A_188 : i32
      %add3A_190 = arith.constant 0 : i32
      %add3A_191 = arith.addi %mul3A_189, %add3A_190 : i32
      %add3A_192 = arith.constant 3 : i32
      %add3A_193 = arith.addi %add3A_191, %add3A_192 : i32
      %lt3A_194 = arith.constant 125 : i32
      %lt3A_195 = arith.cmpi slt, %add3A_193, %lt3A_194 : i32
      %convert_element_type3A_196 = arith.extui %lt3A_195 : i1 to i32
      %cond3A_197 = arith.constant 0 : i32
      %cond3A_198 = arith.cmpi ne, %convert_element_type3A_196, %cond3A_197 : i32
      scf.if %cond3A_198 {
        %add3A_538 = arith.constant 3 : i32
        %add3A_539 = arith.addi %add3A_191, %add3A_538 : i32
        %mul3A_540 = arith.constant 10000 : i32
        %mul3A_541 = arith.muli %add3A, %mul3A_540 : i32
        %mul3A_542 = arith.constant 80 : i32
        %mul3A_543 = arith.muli %add3A_539, %mul3A_542 : i32
        %add3A_544 = arith.addi %mul3A_541, %mul3A_543 : i32
        %multiple_of3A_545 = tpu.assume_multiple %add3A_544, 8 : i32
        %dma_start3A_546 = tpu.memref_slice %arg2[%multiple_of3A_545] : memref<320000xi32, #tpu.memory_space<hbm>> -> memref<80xi32, #tpu.memory_space<hbm>>
        %dma_start3A_547 = tpu.memref_slice %arg2[%multiple_of3A_545] : memref<320000xi32, #tpu.memory_space<hbm>> -> memref<80xi32, #tpu.memory_space<hbm>>
        tpu.enqueue_dma source(%dma_start3A_547 : memref<80xi32, #tpu.memory_space<hbm>>) target(%arg12 : memref<80xi32, #tpu.memory_space<vmem>>) target_semaphore(%arg25 : memref<!tpu.dma_semaphore, #tpu.memory_space<semaphore_mem>>)
        %dma_start3A_548 = tpu.memref_slice %arg3[%multiple_of3A_545] : memref<320000xi32, #tpu.memory_space<hbm>> -> memref<80xi32, #tpu.memory_space<hbm>>
        %dma_start3A_549 = tpu.memref_slice %arg3[%multiple_of3A_545] : memref<320000xi32, #tpu.memory_space<hbm>> -> memref<80xi32, #tpu.memory_space<hbm>>
        tpu.enqueue_dma source(%dma_start3A_549 : memref<80xi32, #tpu.memory_space<hbm>>) target(%arg16 : memref<80xi32, #tpu.memory_space<vmem>>) target_semaphore(%arg29 : memref<!tpu.dma_semaphore, #tpu.memory_space<semaphore_mem>>)
      } else {
      }
      %add3A_199 = arith.constant 2 : i32
      %add3A_200 = arith.addi %add3A_191, %add3A_199 : i32
      %lt3A_201 = arith.constant 125 : i32
      %lt3A_202 = arith.cmpi slt, %add3A_200, %lt3A_201 : i32
      %convert_element_type3A_203 = arith.extui %lt3A_202 : i1 to i32
      %cond3A_204 = arith.constant 0 : i32
      %cond3A_205 = arith.cmpi ne, %convert_element_type3A_203, %cond3A_204 : i32
      scf.if %cond3A_205 {
        %dma_wait3A_538 = arith.constant 0 : i32
        %dma_wait3A_539 = tpu.memref_slice %arg2[%dma_wait3A_538] : memref<320000xi32, #tpu.memory_space<hbm>> -> memref<80xi32, #tpu.memory_space<hbm>>
        %dma_wait3A_540 = arith.constant 0 : i32
        %dma_wait3A_541 = tpu.memref_slice %arg2[%dma_wait3A_540] : memref<320000xi32, #tpu.memory_space<hbm>> -> memref<80xi32, #tpu.memory_space<hbm>>
        tpu.wait_dma2 semaphore(%arg24 : memref<!tpu.dma_semaphore, #tpu.memory_space<semaphore_mem>>) src(%dma_wait3A_541 : memref<80xi32, #tpu.memory_space<hbm>>) dst(%arg11 : memref<80xi32, #tpu.memory_space<vmem>>)
        %dma_wait3A_542 = arith.constant 0 : i32
        %dma_wait3A_543 = tpu.memref_slice %arg3[%dma_wait3A_542] : memref<320000xi32, #tpu.memory_space<hbm>> -> memref<80xi32, #tpu.memory_space<hbm>>
        %dma_wait3A_544 = arith.constant 0 : i32
        %dma_wait3A_545 = tpu.memref_slice %arg3[%dma_wait3A_544] : memref<320000xi32, #tpu.memory_space<hbm>> -> memref<80xi32, #tpu.memory_space<hbm>>
        tpu.wait_dma2 semaphore(%arg28 : memref<!tpu.dma_semaphore, #tpu.memory_space<semaphore_mem>>) src(%dma_wait3A_545 : memref<80xi32, #tpu.memory_space<hbm>>) dst(%arg15 : memref<80xi32, #tpu.memory_space<vmem>>)
        %dma_start3A_546 = arith.constant 0 : i32
        %dma_start3A_547 = arith.constant 0 : i32
        %dma_start3A_548 = tpu.memref_slice %arg4[%dma_start3A_546, %dma_start3A_547] : memref<10000x128xf32, #tpu.memory_space<hbm>> -> memref<10000x128xf32, #tpu.memory_space<hbm>>
        tpu.enqueue_indirect_dma source(%dma_start3A_548 : memref<10000x128xf32, #tpu.memory_space<hbm>>) target(%arg19 : memref<80x128xf32, #tpu.memory_space<vmem>>) offsets(%arg11 : memref<80xi32, #tpu.memory_space<vmem>>) semaphore(%arg32 : memref<!tpu.dma_semaphore, #tpu.memory_space<semaphore_mem>>)
      } else {
      }
      %get3A_206 = arith.constant 0 : index
      %get3A_207 = tpu.vector_load %arg13[%get3A_206] {strides = array<i32>} : memref<80xi32, #tpu.memory_space<vmem>>, vector<16xi32>,
      tpu.vector_store_idx %arg20[%get3A_207], %broadcast_in_dim3A_7 {add = true} : memref<10064xf32, #tpu.memory_space<vmem>>[vector<16xi32>], vector<16xf32>,
      %get3A_208 = arith.constant 16 : index
      %get3A_209 = tpu.vector_load %arg13[%get3A_208] {strides = array<i32>} : memref<80xi32, #tpu.memory_space<vmem>>, vector<16xi32>,
      tpu.vector_store_idx %arg20[%get3A_209], %broadcast_in_dim3A_7 {add = true} : memref<10064xf32, #tpu.memory_space<vmem>>[vector<16xi32>], vector<16xf32>,
      %get3A_210 = arith.constant 32 : index
      %get3A_211 = tpu.vector_load %arg13[%get3A_210] {strides = array<i32>} : memref<80xi32, #tpu.memory_space<vmem>>, vector<16xi32>,
      tpu.vector_store_idx %arg20[%get3A_211], %broadcast_in_dim3A_7 {add = true} : memref<10064xf32, #tpu.memory_space<vmem>>[vector<16xi32>], vector<16xf32>,
      %get3A_212 = arith.constant 48 : index
      %get3A_213 = tpu.vector_load %arg13[%get3A_212] {strides = array<i32>} : memref<80xi32, #tpu.memory_space<vmem>>, vector<16xi32>,
      tpu.vector_store_idx %arg20[%get3A_213], %broadcast_in_dim3A_7 {add = true} : memref<10064xf32, #tpu.memory_space<vmem>>[vector<16xi32>], vector<16xf32>,
      %get3A_214 = arith.constant 64 : index
      %get3A_215 = tpu.vector_load %arg13[%get3A_214] {strides = array<i32>} : memref<80xi32, #tpu.memory_space<vmem>>, vector<16xi32>,
      tpu.vector_store_idx %arg20[%get3A_215], %broadcast_in_dim3A_7 {add = true} : memref<10064xf32, #tpu.memory_space<vmem>>[vector<16xi32>], vector<16xf32>,
      %dma_wait3A_216 = arith.constant 0 : i32
      %dma_wait3A_217 = arith.constant 0 : i32
      %dma_wait3A_218 = tpu.memref_slice %arg4[%dma_wait3A_216, %dma_wait3A_217] : memref<10000x128xf32, #tpu.memory_space<hbm>> -> memref<10000x128xf32, #tpu.memory_space<hbm>>
      tpu.wait_indirect_dma semaphore(%arg30 : memref<!tpu.dma_semaphore, #tpu.memory_space<semaphore_mem>>) src(%dma_wait3A_218 : memref<10000x128xf32, #tpu.memory_space<hbm>>) dst(%arg17 : memref<80x128xf32, #tpu.memory_space<vmem>>)
      "tpu.region"() ({
        %run_scoped3A = tpu.sem_alloc : memref<!tpu.dma_semaphore, #tpu.memory_space<semaphore_mem>>
        %dma_start3A_538 = arith.constant 0 : i32
        %dma_start3A_539 = arith.constant 0 : i32
        %dma_start3A_540 = tpu.memref_slice %arg21[%dma_start3A_538, %dma_start3A_539] : memref<10064x128xf32, #tpu.memory_space<vmem_shared>> -> memref<10064x128xf32, #tpu.memory_space<vmem_shared>>
        tpu.enqueue_indirect_dma source(%arg17 : memref<80x128xf32, #tpu.memory_space<vmem>>) target(%dma_start3A_540 : memref<10064x128xf32, #tpu.memory_space<vmem_shared>>) offsets(%arg13 : memref<80xi32, #tpu.memory_space<vmem>>) semaphore(%run_scoped3A : memref<!tpu.dma_semaphore, #tpu.memory_space<semaphore_mem>>) {add = true}
        %dma_wait3A_541 = arith.constant 0 : i32
        %dma_wait3A_542 = arith.constant 0 : i32
        %dma_wait3A_543 = tpu.memref_slice %arg21[%dma_wait3A_541, %dma_wait3A_542] : memref<10064x128xf32, #tpu.memory_space<vmem_shared>> -> memref<10064x128xf32, #tpu.memory_space<vmem_shared>>
        tpu.wait_indirect_dma semaphore(%run_scoped3A : memref<!tpu.dma_semaphore, #tpu.memory_space<semaphore_mem>>) src(%arg17 : memref<80x128xf32, #tpu.memory_space<vmem>>) dst(%dma_wait3A_543 : memref<10064x128xf32, #tpu.memory_space<vmem_shared>>)
        tpu.yield
      }) : () -> ()
      %add3A_219 = arith.constant 1 : i32
      %add3A_220 = arith.addi %mul3A_189, %add3A_219 : i32
      %add3A_221 = arith.constant 3 : i32
      %add3A_222 = arith.addi %add3A_220, %add3A_221 : i32
      %lt3A_223 = arith.constant 125 : i32
      %lt3A_224 = arith.cmpi slt, %add3A_222, %lt3A_223 : i32
      %convert_element_type3A_225 = arith.extui %lt3A_224 : i1 to i32
      %cond3A_226 = arith.constant 0 : i32
      %cond3A_227 = arith.cmpi ne, %convert_element_type3A_225, %cond3A_226 : i32
      scf.if %cond3A_227 {
        %add3A_538 = arith.constant 3 : i32
        %add3A_539 = arith.addi %add3A_220, %add3A_538 : i32
        %mul3A_540 = arith.constant 10000 : i32
        %mul3A_541 = arith.muli %add3A, %mul3A_540 : i32
        %mul3A_542 = arith.constant 80 : i32
        %mul3A_543 = arith.muli %add3A_539, %mul3A_542 : i32
        %add3A_544 = arith.addi %mul3A_541, %mul3A_543 : i32
        %multiple_of3A_545 = tpu.assume_multiple %add3A_544, 8 : i32
        %dma_start3A_546 = tpu.memref_slice %arg2[%multiple_of3A_545] : memref<320000xi32, #tpu.memory_space<hbm>> -> memref<80xi32, #tpu.memory_space<hbm>>
        %dma_start3A_547 = tpu.memref_slice %arg2[%multiple_of3A_545] : memref<320000xi32, #tpu.memory_space<hbm>> -> memref<80xi32, #tpu.memory_space<hbm>>
        tpu.enqueue_dma source(%dma_start3A_547 : memref<80xi32, #tpu.memory_space<hbm>>) target(%arg9 : memref<80xi32, #tpu.memory_space<vmem>>) target_semaphore(%arg22 : memref<!tpu.dma_semaphore, #tpu.memory_space<semaphore_mem>>)
        %dma_start3A_548 = tpu.memref_slice %arg3[%multiple_of3A_545] : memref<320000xi32, #tpu.memory_space<hbm>> -> memref<80xi32, #tpu.memory_space<hbm>>
        %dma_start3A_549 = tpu.memref_slice %arg3[%multiple_of3A_545] : memref<320000xi32, #tpu.memory_space<hbm>> -> memref<80xi32, #tpu.memory_space<hbm>>
        tpu.enqueue_dma source(%dma_start3A_549 : memref<80xi32, #tpu.memory_space<hbm>>) target(%arg13 : memref<80xi32, #tpu.memory_space<vmem>>) target_semaphore(%arg26 : memref<!tpu.dma_semaphore, #tpu.memory_space<semaphore_mem>>)
      } else {
      }
      %add3A_228 = arith.constant 2 : i32
      %add3A_229 = arith.addi %add3A_220, %add3A_228 : i32
      %lt3A_230 = arith.constant 125 : i32
      %lt3A_231 = arith.cmpi slt, %add3A_229, %lt3A_230 : i32
      %convert_element_type3A_232 = arith.extui %lt3A_231 : i1 to i32
      %cond3A_233 = arith.constant 0 : i32
      %cond3A_234 = arith.cmpi ne, %convert_element_type3A_232, %cond3A_233 : i32
      scf.if %cond3A_234 {
        %dma_wait3A_538 = arith.constant 0 : i32
        %dma_wait3A_539 = tpu.memref_slice %arg2[%dma_wait3A_538] : memref<320000xi32, #tpu.memory_space<hbm>> -> memref<80xi32, #tpu.memory_space<hbm>>
        %dma_wait3A_540 = arith.constant 0 : i32
        %dma_wait3A_541 = tpu.memref_slice %arg2[%dma_wait3A_540] : memref<320000xi32, #tpu.memory_space<hbm>> -> memref<80xi32, #tpu.memory_space<hbm>>
        tpu.wait_dma2 semaphore(%arg25 : memref<!tpu.dma_semaphore, #tpu.memory_space<semaphore_mem>>) src(%dma_wait3A_541 : memref<80xi32, #tpu.memory_space<hbm>>) dst(%arg12 : memref<80xi32, #tpu.memory_space<vmem>>)
        %dma_wait3A_542 = arith.constant 0 : i32
        %dma_wait3A_543 = tpu.memref_slice %arg3[%dma_wait3A_542] : memref<320000xi32, #tpu.memory_space<hbm>> -> memref<80xi32, #tpu.memory_space<hbm>>
        %dma_wait3A_544 = arith.constant 0 : i32
        %dma_wait3A_545 = tpu.memref_slice %arg3[%dma_wait3A_544] : memref<320000xi32, #tpu.memory_space<hbm>> -> memref<80xi32, #tpu.memory_space<hbm>>
        tpu.wait_dma2 semaphore(%arg29 : memref<!tpu.dma_semaphore, #tpu.memory_space<semaphore_mem>>) src(%dma_wait3A_545 : memref<80xi32, #tpu.memory_space<hbm>>) dst(%arg16 : memref<80xi32, #tpu.memory_space<vmem>>)
        %dma_start3A_546 = arith.constant 0 : i32
        %dma_start3A_547 = arith.constant 0 : i32
        %dma_start3A_548 = tpu.memref_slice %arg4[%dma_start3A_546, %dma_start3A_547] : memref<10000x128xf32, #tpu.memory_space<hbm>> -> memref<10000x128xf32, #tpu.memory_space<hbm>>
        tpu.enqueue_indirect_dma source(%dma_start3A_548 : memref<10000x128xf32, #tpu.memory_space<hbm>>) target(%arg17 : memref<80x128xf32, #tpu.memory_space<vmem>>) offsets(%arg12 : memref<80xi32, #tpu.memory_space<vmem>>) semaphore(%arg30 : memref<!tpu.dma_semaphore, #tpu.memory_space<semaphore_mem>>)
      } else {
      }
      %get3A_235 = arith.constant 0 : index
      %get3A_236 = tpu.vector_load %arg14[%get3A_235] {strides = array<i32>} : memref<80xi32, #tpu.memory_space<vmem>>, vector<16xi32>,
      tpu.vector_store_idx %arg20[%get3A_236], %broadcast_in_dim3A_7 {add = true} : memref<10064xf32, #tpu.memory_space<vmem>>[vector<16xi32>], vector<16xf32>,
      %get3A_237 = arith.constant 16 : index
      %get3A_238 = tpu.vector_load %arg14[%get3A_237] {strides = array<i32>} : memref<80xi32, #tpu.memory_space<vmem>>, vector<16xi32>,
      tpu.vector_store_idx %arg20[%get3A_238], %broadcast_in_dim3A_7 {add = true} : memref<10064xf32, #tpu.memory_space<vmem>>[vector<16xi32>], vector<16xf32>,
      %get3A_239 = arith.constant 32 : index
      %get3A_240 = tpu.vector_load %arg14[%get3A_239] {strides = array<i32>} : memref<80xi32, #tpu.memory_space<vmem>>, vector<16xi32>,
      tpu.vector_store_idx %arg20[%get3A_240], %broadcast_in_dim3A_7 {add = true} : memref<10064xf32, #tpu.memory_space<vmem>>[vector<16xi32>], vector<16xf32>,
      %get3A_241 = arith.constant 48 : index
      %get3A_242 = tpu.vector_load %arg14[%get3A_241] {strides = array<i32>} : memref<80xi32, #tpu.memory_space<vmem>>, vector<16xi32>,
      tpu.vector_store_idx %arg20[%get3A_242], %broadcast_in_dim3A_7 {add = true} : memref<10064xf32, #tpu.memory_space<vmem>>[vector<16xi32>], vector<16xf32>,
      %get3A_243 = arith.constant 64 : index
      %get3A_244 = tpu.vector_load %arg14[%get3A_243] {strides = array<i32>} : memref<80xi32, #tpu.memory_space<vmem>>, vector<16xi32>,
      tpu.vector_store_idx %arg20[%get3A_244], %broadcast_in_dim3A_7 {add = true} : memref<10064xf32, #tpu.memory_space<vmem>>[vector<16xi32>], vector<16xf32>,
      %dma_wait3A_245 = arith.constant 0 : i32
      %dma_wait3A_246 = arith.constant 0 : i32
      %dma_wait3A_247 = tpu.memref_slice %arg4[%dma_wait3A_245, %dma_wait3A_246] : memref<10000x128xf32, #tpu.memory_space<hbm>> -> memref<10000x128xf32, #tpu.memory_space<hbm>>
      tpu.wait_indirect_dma semaphore(%arg31 : memref<!tpu.dma_semaphore, #tpu.memory_space<semaphore_mem>>) src(%dma_wait3A_247 : memref<10000x128xf32, #tpu.memory_space<hbm>>) dst(%arg18 : memref<80x128xf32, #tpu.memory_space<vmem>>)
      "tpu.region"() ({
        %run_scoped3A = tpu.sem_alloc : memref<!tpu.dma_semaphore, #tpu.memory_space<semaphore_mem>>
        %dma_start3A_538 = arith.constant 0 : i32
        %dma_start3A_539 = arith.constant 0 : i32
        %dma_start3A_540 = tpu.memref_slice %arg21[%dma_start3A_538, %dma_start3A_539] : memref<10064x128xf32, #tpu.memory_space<vmem_shared>> -> memref<10064x128xf32, #tpu.memory_space<vmem_shared>>
        tpu.enqueue_indirect_dma source(%arg18 : memref<80x128xf32, #tpu.memory_space<vmem>>) target(%dma_start3A_540 : memref<10064x128xf32, #tpu.memory_space<vmem_shared>>) offsets(%arg14 : memref<80xi32, #tpu.memory_space<vmem>>) semaphore(%run_scoped3A : memref<!tpu.dma_semaphore, #tpu.memory_space<semaphore_mem>>) {add = true}
        %dma_wait3A_541 = arith.constant 0 : i32
        %dma_wait3A_542 = arith.constant 0 : i32
        %dma_wait3A_543 = tpu.memref_slice %arg21[%dma_wait3A_541, %dma_wait3A_542] : memref<10064x128xf32, #tpu.memory_space<vmem_shared>> -> memref<10064x128xf32, #tpu.memory_space<vmem_shared>>
        tpu.wait_indirect_dma semaphore(%run_scoped3A : memref<!tpu.dma_semaphore, #tpu.memory_space<semaphore_mem>>) src(%arg18 : memref<80x128xf32, #tpu.memory_space<vmem>>) dst(%dma_wait3A_543 : memref<10064x128xf32, #tpu.memory_space<vmem_shared>>)
        tpu.yield
      }) : () -> ()
      %add3A_248 = arith.constant 2 : i32
      %add3A_249 = arith.addi %mul3A_189, %add3A_248 : i32
      %add3A_250 = arith.constant 3 : i32
      %add3A_251 = arith.addi %add3A_249, %add3A_250 : i32
      %lt3A_252 = arith.constant 125 : i32
      %lt3A_253 = arith.cmpi slt, %add3A_251, %lt3A_252 : i32
      %convert_element_type3A_254 = arith.extui %lt3A_253 : i1 to i32
      %cond3A_255 = arith.constant 0 : i32
      %cond3A_256 = arith.cmpi ne, %convert_element_type3A_254, %cond3A_255 : i32
      scf.if %cond3A_256 {
        %add3A_538 = arith.constant 3 : i32
        %add3A_539 = arith.addi %add3A_249, %add3A_538 : i32
        %mul3A_540 = arith.constant 10000 : i32
        %mul3A_541 = arith.muli %add3A, %mul3A_540 : i32
        %mul3A_542 = arith.constant 80 : i32
        %mul3A_543 = arith.muli %add3A_539, %mul3A_542 : i32
        %add3A_544 = arith.addi %mul3A_541, %mul3A_543 : i32
        %multiple_of3A_545 = tpu.assume_multiple %add3A_544, 8 : i32
        %dma_start3A_546 = tpu.memref_slice %arg2[%multiple_of3A_545] : memref<320000xi32, #tpu.memory_space<hbm>> -> memref<80xi32, #tpu.memory_space<hbm>>
        %dma_start3A_547 = tpu.memref_slice %arg2[%multiple_of3A_545] : memref<320000xi32, #tpu.memory_space<hbm>> -> memref<80xi32, #tpu.memory_space<hbm>>
        tpu.enqueue_dma source(%dma_start3A_547 : memref<80xi32, #tpu.memory_space<hbm>>) target(%arg10 : memref<80xi32, #tpu.memory_space<vmem>>) target_semaphore(%arg23 : memref<!tpu.dma_semaphore, #tpu.memory_space<semaphore_mem>>)
        %dma_start3A_548 = tpu.memref_slice %arg3[%multiple_of3A_545] : memref<320000xi32, #tpu.memory_space<hbm>> -> memref<80xi32, #tpu.memory_space<hbm>>
        %dma_start3A_549 = tpu.memref_slice %arg3[%multiple_of3A_545] : memref<320000xi32, #tpu.memory_space<hbm>> -> memref<80xi32, #tpu.memory_space<hbm>>
        tpu.enqueue_dma source(%dma_start3A_549 : memref<80xi32, #tpu.memory_space<hbm>>) target(%arg14 : memref<80xi32, #tpu.memory_space<vmem>>) target_semaphore(%arg27 : memref<!tpu.dma_semaphore, #tpu.memory_space<semaphore_mem>>)
      } else {
      }
      %add3A_257 = arith.constant 2 : i32
      %add3A_258 = arith.addi %add3A_249, %add3A_257 : i32
      %lt3A_259 = arith.constant 125 : i32
      %lt3A_260 = arith.cmpi slt, %add3A_258, %lt3A_259 : i32
      %convert_element_type3A_261 = arith.extui %lt3A_260 : i1 to i32
      %cond3A_262 = arith.constant 0 : i32
      %cond3A_263 = arith.cmpi ne, %convert_element_type3A_261, %cond3A_262 : i32
      scf.if %cond3A_263 {
        %dma_wait3A_538 = arith.constant 0 : i32
        %dma_wait3A_539 = tpu.memref_slice %arg2[%dma_wait3A_538] : memref<320000xi32, #tpu.memory_space<hbm>> -> memref<80xi32, #tpu.memory_space<hbm>>
        %dma_wait3A_540 = arith.constant 0 : i32
        %dma_wait3A_541 = tpu.memref_slice %arg2[%dma_wait3A_540] : memref<320000xi32, #tpu.memory_space<hbm>> -> memref<80xi32, #tpu.memory_space<hbm>>
        tpu.wait_dma2 semaphore(%arg22 : memref<!tpu.dma_semaphore, #tpu.memory_space<semaphore_mem>>) src(%dma_wait3A_541 : memref<80xi32, #tpu.memory_space<hbm>>) dst(%arg9 : memref<80xi32, #tpu.memory_space<vmem>>)
        %dma_wait3A_542 = arith.constant 0 : i32
        %dma_wait3A_543 = tpu.memref_slice %arg3[%dma_wait3A_542] : memref<320000xi32, #tpu.memory_space<hbm>> -> memref<80xi32, #tpu.memory_space<hbm>>
        %dma_wait3A_544 = arith.constant 0 : i32
        %dma_wait3A_545 = tpu.memref_slice %arg3[%dma_wait3A_544] : memref<320000xi32, #tpu.memory_space<hbm>> -> memref<80xi32, #tpu.memory_space<hbm>>
        tpu.wait_dma2 semaphore(%arg26 : memref<!tpu.dma_semaphore, #tpu.memory_space<semaphore_mem>>) src(%dma_wait3A_545 : memref<80xi32, #tpu.memory_space<hbm>>) dst(%arg13 : memref<80xi32, #tpu.memory_space<vmem>>)
        %dma_start3A_546 = arith.constant 0 : i32
        %dma_start3A_547 = arith.constant 0 : i32
        %dma_start3A_548 = tpu.memref_slice %arg4[%dma_start3A_546, %dma_start3A_547] : memref<10000x128xf32, #tpu.memory_space<hbm>> -> memref<10000x128xf32, #tpu.memory_space<hbm>>
        tpu.enqueue_indirect_dma source(%dma_start3A_548 : memref<10000x128xf32, #tpu.memory_space<hbm>>) target(%arg18 : memref<80x128xf32, #tpu.memory_space<vmem>>) offsets(%arg9 : memref<80xi32, #tpu.memory_space<vmem>>) semaphore(%arg31 : memref<!tpu.dma_semaphore, #tpu.memory_space<semaphore_mem>>)
      } else {
      }
      %get3A_264 = arith.constant 0 : index
      %get3A_265 = tpu.vector_load %arg15[%get3A_264] {strides = array<i32>} : memref<80xi32, #tpu.memory_space<vmem>>, vector<16xi32>,
      tpu.vector_store_idx %arg20[%get3A_265], %broadcast_in_dim3A_7 {add = true} : memref<10064xf32, #tpu.memory_space<vmem>>[vector<16xi32>], vector<16xf32>,
      %get3A_266 = arith.constant 16 : index
      %get3A_267 = tpu.vector_load %arg15[%get3A_266] {strides = array<i32>} : memref<80xi32, #tpu.memory_space<vmem>>, vector<16xi32>,
      tpu.vector_store_idx %arg20[%get3A_267], %broadcast_in_dim3A_7 {add = true} : memref<10064xf32, #tpu.memory_space<vmem>>[vector<16xi32>], vector<16xf32>,
      %get3A_268 = arith.constant 32 : index
      %get3A_269 = tpu.vector_load %arg15[%get3A_268] {strides = array<i32>} : memref<80xi32, #tpu.memory_space<vmem>>, vector<16xi32>,
      tpu.vector_store_idx %arg20[%get3A_269], %broadcast_in_dim3A_7 {add = true} : memref<10064xf32, #tpu.memory_space<vmem>>[vector<16xi32>], vector<16xf32>,
      %get3A_270 = arith.constant 48 : index
      %get3A_271 = tpu.vector_load %arg15[%get3A_270] {strides = array<i32>} : memref<80xi32, #tpu.memory_space<vmem>>, vector<16xi32>,
      tpu.vector_store_idx %arg20[%get3A_271], %broadcast_in_dim3A_7 {add = true} : memref<10064xf32, #tpu.memory_space<vmem>>[vector<16xi32>], vector<16xf32>,
      %get3A_272 = arith.constant 64 : index
      %get3A_273 = tpu.vector_load %arg15[%get3A_272] {strides = array<i32>} : memref<80xi32, #tpu.memory_space<vmem>>, vector<16xi32>,
      tpu.vector_store_idx %arg20[%get3A_273], %broadcast_in_dim3A_7 {add = true} : memref<10064xf32, #tpu.memory_space<vmem>>[vector<16xi32>], vector<16xf32>,
      %dma_wait3A_274 = arith.constant 0 : i32
      %dma_wait3A_275 = arith.constant 0 : i32
      %dma_wait3A_276 = tpu.memref_slice %arg4[%dma_wait3A_274, %dma_wait3A_275] : memref<10000x128xf32, #tpu.memory_space<hbm>> -> memref<10000x128xf32, #tpu.memory_space<hbm>>
      tpu.wait_indirect_dma semaphore(%arg32 : memref<!tpu.dma_semaphore, #tpu.memory_space<semaphore_mem>>) src(%dma_wait3A_276 : memref<10000x128xf32, #tpu.memory_space<hbm>>) dst(%arg19 : memref<80x128xf32, #tpu.memory_space<vmem>>)
      "tpu.region"() ({
        %run_scoped3A = tpu.sem_alloc : memref<!tpu.dma_semaphore, #tpu.memory_space<semaphore_mem>>
        %dma_start3A_538 = arith.constant 0 : i32
        %dma_start3A_539 = arith.constant 0 : i32
        %dma_start3A_540 = tpu.memref_slice %arg21[%dma_start3A_538, %dma_start3A_539] : memref<10064x128xf32, #tpu.memory_space<vmem_shared>> -> memref<10064x128xf32, #tpu.memory_space<vmem_shared>>
        tpu.enqueue_indirect_dma source(%arg19 : memref<80x128xf32, #tpu.memory_space<vmem>>) target(%dma_start3A_540 : memref<10064x128xf32, #tpu.memory_space<vmem_shared>>) offsets(%arg15 : memref<80xi32, #tpu.memory_space<vmem>>) semaphore(%run_scoped3A : memref<!tpu.dma_semaphore, #tpu.memory_space<semaphore_mem>>) {add = true}
        %dma_wait3A_541 = arith.constant 0 : i32
        %dma_wait3A_542 = arith.constant 0 : i32
        %dma_wait3A_543 = tpu.memref_slice %arg21[%dma_wait3A_541, %dma_wait3A_542] : memref<10064x128xf32, #tpu.memory_space<vmem_shared>> -> memref<10064x128xf32, #tpu.memory_space<vmem_shared>>
        tpu.wait_indirect_dma semaphore(%run_scoped3A : memref<!tpu.dma_semaphore, #tpu.memory_space<semaphore_mem>>) src(%arg19 : memref<80x128xf32, #tpu.memory_space<vmem>>) dst(%dma_wait3A_543 : memref<10064x128xf32, #tpu.memory_space<vmem_shared>>)
        tpu.yield
      }) : () -> ()
      %add3A_277 = arith.constant 3 : i32
      %add3A_278 = arith.addi %mul3A_189, %add3A_277 : i32
      %add3A_279 = arith.constant 3 : i32
      %add3A_280 = arith.addi %add3A_278, %add3A_279 : i32
      %lt3A_281 = arith.constant 125 : i32
      %lt3A_282 = arith.cmpi slt, %add3A_280, %lt3A_281 : i32
      %convert_element_type3A_283 = arith.extui %lt3A_282 : i1 to i32
      %cond3A_284 = arith.constant 0 : i32
      %cond3A_285 = arith.cmpi ne, %convert_element_type3A_283, %cond3A_284 : i32
      scf.if %cond3A_285 {
        %add3A_538 = arith.constant 3 : i32
        %add3A_539 = arith.addi %add3A_278, %add3A_538 : i32
        %mul3A_540 = arith.constant 10000 : i32
        %mul3A_541 = arith.muli %add3A, %mul3A_540 : i32
        %mul3A_542 = arith.constant 80 : i32
        %mul3A_543 = arith.muli %add3A_539, %mul3A_542 : i32
        %add3A_544 = arith.addi %mul3A_541, %mul3A_543 : i32
        %multiple_of3A_545 = tpu.assume_multiple %add3A_544, 8 : i32
        %dma_start3A_546 = tpu.memref_slice %arg2[%multiple_of3A_545] : memref<320000xi32, #tpu.memory_space<hbm>> -> memref<80xi32, #tpu.memory_space<hbm>>
        %dma_start3A_547 = tpu.memref_slice %arg2[%multiple_of3A_545] : memref<320000xi32, #tpu.memory_space<hbm>> -> memref<80xi32, #tpu.memory_space<hbm>>
        tpu.enqueue_dma source(%dma_start3A_547 : memref<80xi32, #tpu.memory_space<hbm>>) target(%arg11 : memref<80xi32, #tpu.memory_space<vmem>>) target_semaphore(%arg24 : memref<!tpu.dma_semaphore, #tpu.memory_space<semaphore_mem>>)
        %dma_start3A_548 = tpu.memref_slice %arg3[%multiple_of3A_545] : memref<320000xi32, #tpu.memory_space<hbm>> -> memref<80xi32, #tpu.memory_space<hbm>>
        %dma_start3A_549 = tpu.memref_slice %arg3[%multiple_of3A_545] : memref<320000xi32, #tpu.memory_space<hbm>> -> memref<80xi32, #tpu.memory_space<hbm>>
        tpu.enqueue_dma source(%dma_start3A_549 : memref<80xi32, #tpu.memory_space<hbm>>) target(%arg15 : memref<80xi32, #tpu.memory_space<vmem>>) target_semaphore(%arg28 : memref<!tpu.dma_semaphore, #tpu.memory_space<semaphore_mem>>)
      } else {
      }
      %add3A_286 = arith.constant 2 : i32
      %add3A_287 = arith.addi %add3A_278, %add3A_286 : i32
      %lt3A_288 = arith.constant 125 : i32
      %lt3A_289 = arith.cmpi slt, %add3A_287, %lt3A_288 : i32
      %convert_element_type3A_290 = arith.extui %lt3A_289 : i1 to i32
      %cond3A_291 = arith.constant 0 : i32
      %cond3A_292 = arith.cmpi ne, %convert_element_type3A_290, %cond3A_291 : i32
      scf.if %cond3A_292 {
        %dma_wait3A_538 = arith.constant 0 : i32
        %dma_wait3A_539 = tpu.memref_slice %arg2[%dma_wait3A_538] : memref<320000xi32, #tpu.memory_space<hbm>> -> memref<80xi32, #tpu.memory_space<hbm>>
        %dma_wait3A_540 = arith.constant 0 : i32
        %dma_wait3A_541 = tpu.memref_slice %arg2[%dma_wait3A_540] : memref<320000xi32, #tpu.memory_space<hbm>> -> memref<80xi32, #tpu.memory_space<hbm>>
        tpu.wait_dma2 semaphore(%arg23 : memref<!tpu.dma_semaphore, #tpu.memory_space<semaphore_mem>>) src(%dma_wait3A_541 : memref<80xi32, #tpu.memory_space<hbm>>) dst(%arg10 : memref<80xi32, #tpu.memory_space<vmem>>)
        %dma_wait3A_542 = arith.constant 0 : i32
        %dma_wait3A_543 = tpu.memref_slice %arg3[%dma_wait3A_542] : memref<320000xi32, #tpu.memory_space<hbm>> -> memref<80xi32, #tpu.memory_space<hbm>>
        %dma_wait3A_544 = arith.constant 0 : i32
        %dma_wait3A_545 = tpu.memref_slice %arg3[%dma_wait3A_544] : memref<320000xi32, #tpu.memory_space<hbm>> -> memref<80xi32, #tpu.memory_space<hbm>>
        tpu.wait_dma2 semaphore(%arg27 : memref<!tpu.dma_semaphore, #tpu.memory_space<semaphore_mem>>) src(%dma_wait3A_545 : memref<80xi32, #tpu.memory_space<hbm>>) dst(%arg14 : memref<80xi32, #tpu.memory_space<vmem>>)
        %dma_start3A_546 = arith.constant 0 : i32
        %dma_start3A_547 = arith.constant 0 : i32
        %dma_start3A_548 = tpu.memref_slice %arg4[%dma_start3A_546, %dma_start3A_547] : memref<10000x128xf32, #tpu.memory_space<hbm>> -> memref<10000x128xf32, #tpu.memory_space<hbm>>
        tpu.enqueue_indirect_dma source(%dma_start3A_548 : memref<10000x128xf32, #tpu.memory_space<hbm>>) target(%arg19 : memref<80x128xf32, #tpu.memory_space<vmem>>) offsets(%arg10 : memref<80xi32, #tpu.memory_space<vmem>>) semaphore(%arg32 : memref<!tpu.dma_semaphore, #tpu.memory_space<semaphore_mem>>)
      } else {
      }
      %get3A_293 = arith.constant 0 : index
      %get3A_294 = tpu.vector_load %arg16[%get3A_293] {strides = array<i32>} : memref<80xi32, #tpu.memory_space<vmem>>, vector<16xi32>,
      tpu.vector_store_idx %arg20[%get3A_294], %broadcast_in_dim3A_7 {add = true} : memref<10064xf32, #tpu.memory_space<vmem>>[vector<16xi32>], vector<16xf32>,
      %get3A_295 = arith.constant 16 : index
      %get3A_296 = tpu.vector_load %arg16[%get3A_295] {strides = array<i32>} : memref<80xi32, #tpu.memory_space<vmem>>, vector<16xi32>,
      tpu.vector_store_idx %arg20[%get3A_296], %broadcast_in_dim3A_7 {add = true} : memref<10064xf32, #tpu.memory_space<vmem>>[vector<16xi32>], vector<16xf32>,
      %get3A_297 = arith.constant 32 : index
      %get3A_298 = tpu.vector_load %arg16[%get3A_297] {strides = array<i32>} : memref<80xi32, #tpu.memory_space<vmem>>, vector<16xi32>,
      tpu.vector_store_idx %arg20[%get3A_298], %broadcast_in_dim3A_7 {add = true} : memref<10064xf32, #tpu.memory_space<vmem>>[vector<16xi32>], vector<16xf32>,
      %get3A_299 = arith.constant 48 : index
      %get3A_300 = tpu.vector_load %arg16[%get3A_299] {strides = array<i32>} : memref<80xi32, #tpu.memory_space<vmem>>, vector<16xi32>,
      tpu.vector_store_idx %arg20[%get3A_300], %broadcast_in_dim3A_7 {add = true} : memref<10064xf32, #tpu.memory_space<vmem>>[vector<16xi32>], vector<16xf32>,
      %get3A_301 = arith.constant 64 : index
      %get3A_302 = tpu.vector_load %arg16[%get3A_301] {strides = array<i32>} : memref<80xi32, #tpu.memory_space<vmem>>, vector<16xi32>,
      tpu.vector_store_idx %arg20[%get3A_302], %broadcast_in_dim3A_7 {add = true} : memref<10064xf32, #tpu.memory_space<vmem>>[vector<16xi32>], vector<16xf32>,
      %dma_wait3A_303 = arith.constant 0 : i32
      %dma_wait3A_304 = arith.constant 0 : i32
      %dma_wait3A_305 = tpu.memref_slice %arg4[%dma_wait3A_303, %dma_wait3A_304] : memref<10000x128xf32, #tpu.memory_space<hbm>> -> memref<10000x128xf32, #tpu.memory_space<hbm>>
      tpu.wait_indirect_dma semaphore(%arg30 : memref<!tpu.dma_semaphore, #tpu.memory_space<semaphore_mem>>) src(%dma_wait3A_305 : memref<10000x128xf32, #tpu.memory_space<hbm>>) dst(%arg17 : memref<80x128xf32, #tpu.memory_space<vmem>>)
      "tpu.region"() ({
        %run_scoped3A = tpu.sem_alloc : memref<!tpu.dma_semaphore, #tpu.memory_space<semaphore_mem>>
        %dma_start3A_538 = arith.constant 0 : i32
        %dma_start3A_539 = arith.constant 0 : i32
        %dma_start3A_540 = tpu.memref_slice %arg21[%dma_start3A_538, %dma_start3A_539] : memref<10064x128xf32, #tpu.memory_space<vmem_shared>> -> memref<10064x128xf32, #tpu.memory_space<vmem_shared>>
        tpu.enqueue_indirect_dma source(%arg17 : memref<80x128xf32, #tpu.memory_space<vmem>>) target(%dma_start3A_540 : memref<10064x128xf32, #tpu.memory_space<vmem_shared>>) offsets(%arg16 : memref<80xi32, #tpu.memory_space<vmem>>) semaphore(%run_scoped3A : memref<!tpu.dma_semaphore, #tpu.memory_space<semaphore_mem>>) {add = true}
        %dma_wait3A_541 = arith.constant 0 : i32
        %dma_wait3A_542 = arith.constant 0 : i32
        %dma_wait3A_543 = tpu.memref_slice %arg21[%dma_wait3A_541, %dma_wait3A_542] : memref<10064x128xf32, #tpu.memory_space<vmem_shared>> -> memref<10064x128xf32, #tpu.memory_space<vmem_shared>>
        tpu.wait_indirect_dma semaphore(%run_scoped3A : memref<!tpu.dma_semaphore, #tpu.memory_space<semaphore_mem>>) src(%arg17 : memref<80x128xf32, #tpu.memory_space<vmem>>) dst(%dma_wait3A_543 : memref<10064x128xf32, #tpu.memory_space<vmem_shared>>)
        tpu.yield
      }) : () -> ()
      %add3A_306 = arith.constant 4 : i32
      %add3A_307 = arith.addi %mul3A_189, %add3A_306 : i32
      %add3A_308 = arith.constant 3 : i32
      %add3A_309 = arith.addi %add3A_307, %add3A_308 : i32
      %lt3A_310 = arith.constant 125 : i32
      %lt3A_311 = arith.cmpi slt, %add3A_309, %lt3A_310 : i32
      %convert_element_type3A_312 = arith.extui %lt3A_311 : i1 to i32
      %cond3A_313 = arith.constant 0 : i32
      %cond3A_314 = arith.cmpi ne, %convert_element_type3A_312, %cond3A_313 : i32
      scf.if %cond3A_314 {
        %add3A_538 = arith.constant 3 : i32
        %add3A_539 = arith.addi %add3A_307, %add3A_538 : i32
        %mul3A_540 = arith.constant 10000 : i32
        %mul3A_541 = arith.muli %add3A, %mul3A_540 : i32
        %mul3A_542 = arith.constant 80 : i32
        %mul3A_543 = arith.muli %add3A_539, %mul3A_542 : i32
        %add3A_544 = arith.addi %mul3A_541, %mul3A_543 : i32
        %multiple_of3A_545 = tpu.assume_multiple %add3A_544, 8 : i32
        %dma_start3A_546 = tpu.memref_slice %arg2[%multiple_of3A_545] : memref<320000xi32, #tpu.memory_space<hbm>> -> memref<80xi32, #tpu.memory_space<hbm>>
        %dma_start3A_547 = tpu.memref_slice %arg2[%multiple_of3A_545] : memref<320000xi32, #tpu.memory_space<hbm>> -> memref<80xi32, #tpu.memory_space<hbm>>
        tpu.enqueue_dma source(%dma_start3A_547 : memref<80xi32, #tpu.memory_space<hbm>>) target(%arg12 : memref<80xi32, #tpu.memory_space<vmem>>) target_semaphore(%arg25 : memref<!tpu.dma_semaphore, #tpu.memory_space<semaphore_mem>>)
        %dma_start3A_548 = tpu.memref_slice %arg3[%multiple_of3A_545] : memref<320000xi32, #tpu.memory_space<hbm>> -> memref<80xi32, #tpu.memory_space<hbm>>
        %dma_start3A_549 = tpu.memref_slice %arg3[%multiple_of3A_545] : memref<320000xi32, #tpu.memory_space<hbm>> -> memref<80xi32, #tpu.memory_space<hbm>>
        tpu.enqueue_dma source(%dma_start3A_549 : memref<80xi32, #tpu.memory_space<hbm>>) target(%arg16 : memref<80xi32, #tpu.memory_space<vmem>>) target_semaphore(%arg29 : memref<!tpu.dma_semaphore, #tpu.memory_space<semaphore_mem>>)
      } else {
      }
      %add3A_315 = arith.constant 2 : i32
      %add3A_316 = arith.addi %add3A_307, %add3A_315 : i32
      %lt3A_317 = arith.constant 125 : i32
      %lt3A_318 = arith.cmpi slt, %add3A_316, %lt3A_317 : i32
      %convert_element_type3A_319 = arith.extui %lt3A_318 : i1 to i32
      %cond3A_320 = arith.constant 0 : i32
      %cond3A_321 = arith.cmpi ne, %convert_element_type3A_319, %cond3A_320 : i32
      scf.if %cond3A_321 {
        %dma_wait3A_538 = arith.constant 0 : i32
        %dma_wait3A_539 = tpu.memref_slice %arg2[%dma_wait3A_538] : memref<320000xi32, #tpu.memory_space<hbm>> -> memref<80xi32, #tpu.memory_space<hbm>>
        %dma_wait3A_540 = arith.constant 0 : i32
        %dma_wait3A_541 = tpu.memref_slice %arg2[%dma_wait3A_540] : memref<320000xi32, #tpu.memory_space<hbm>> -> memref<80xi32, #tpu.memory_space<hbm>>
        tpu.wait_dma2 semaphore(%arg24 : memref<!tpu.dma_semaphore, #tpu.memory_space<semaphore_mem>>) src(%dma_wait3A_541 : memref<80xi32, #tpu.memory_space<hbm>>) dst(%arg11 : memref<80xi32, #tpu.memory_space<vmem>>)
        %dma_wait3A_542 = arith.constant 0 : i32
        %dma_wait3A_543 = tpu.memref_slice %arg3[%dma_wait3A_542] : memref<320000xi32, #tpu.memory_space<hbm>> -> memref<80xi32, #tpu.memory_space<hbm>>
        %dma_wait3A_544 = arith.constant 0 : i32
        %dma_wait3A_545 = tpu.memref_slice %arg3[%dma_wait3A_544] : memref<320000xi32, #tpu.memory_space<hbm>> -> memref<80xi32, #tpu.memory_space<hbm>>
        tpu.wait_dma2 semaphore(%arg28 : memref<!tpu.dma_semaphore, #tpu.memory_space<semaphore_mem>>) src(%dma_wait3A_545 : memref<80xi32, #tpu.memory_space<hbm>>) dst(%arg15 : memref<80xi32, #tpu.memory_space<vmem>>)
        %dma_start3A_546 = arith.constant 0 : i32
        %dma_start3A_547 = arith.constant 0 : i32
        %dma_start3A_548 = tpu.memref_slice %arg4[%dma_start3A_546, %dma_start3A_547] : memref<10000x128xf32, #tpu.memory_space<hbm>> -> memref<10000x128xf32, #tpu.memory_space<hbm>>
        tpu.enqueue_indirect_dma source(%dma_start3A_548 : memref<10000x128xf32, #tpu.memory_space<hbm>>) target(%arg17 : memref<80x128xf32, #tpu.memory_space<vmem>>) offsets(%arg11 : memref<80xi32, #tpu.memory_space<vmem>>) semaphore(%arg30 : memref<!tpu.dma_semaphore, #tpu.memory_space<semaphore_mem>>)
      } else {
      }
      %get3A_322 = arith.constant 0 : index
      %get3A_323 = tpu.vector_load %arg13[%get3A_322] {strides = array<i32>} : memref<80xi32, #tpu.memory_space<vmem>>, vector<16xi32>,
      tpu.vector_store_idx %arg20[%get3A_323], %broadcast_in_dim3A_7 {add = true} : memref<10064xf32, #tpu.memory_space<vmem>>[vector<16xi32>], vector<16xf32>,
      %get3A_324 = arith.constant 16 : index
      %get3A_325 = tpu.vector_load %arg13[%get3A_324] {strides = array<i32>} : memref<80xi32, #tpu.memory_space<vmem>>, vector<16xi32>,
      tpu.vector_store_idx %arg20[%get3A_325], %broadcast_in_dim3A_7 {add = true} : memref<10064xf32, #tpu.memory_space<vmem>>[vector<16xi32>], vector<16xf32>,
      %get3A_326 = arith.constant 32 : index
      %get3A_327 = tpu.vector_load %arg13[%get3A_326] {strides = array<i32>} : memref<80xi32, #tpu.memory_space<vmem>>, vector<16xi32>,
      tpu.vector_store_idx %arg20[%get3A_327], %broadcast_in_dim3A_7 {add = true} : memref<10064xf32, #tpu.memory_space<vmem>>[vector<16xi32>], vector<16xf32>,
      %get3A_328 = arith.constant 48 : index
      %get3A_329 = tpu.vector_load %arg13[%get3A_328] {strides = array<i32>} : memref<80xi32, #tpu.memory_space<vmem>>, vector<16xi32>,
      tpu.vector_store_idx %arg20[%get3A_329], %broadcast_in_dim3A_7 {add = true} : memref<10064xf32, #tpu.memory_space<vmem>>[vector<16xi32>], vector<16xf32>,
      %get3A_330 = arith.constant 64 : index
      %get3A_331 = tpu.vector_load %arg13[%get3A_330] {strides = array<i32>} : memref<80xi32, #tpu.memory_space<vmem>>, vector<16xi32>,
      tpu.vector_store_idx %arg20[%get3A_331], %broadcast_in_dim3A_7 {add = true} : memref<10064xf32, #tpu.memory_space<vmem>>[vector<16xi32>], vector<16xf32>,
      %dma_wait3A_332 = arith.constant 0 : i32
      %dma_wait3A_333 = arith.constant 0 : i32
      %dma_wait3A_334 = tpu.memref_slice %arg4[%dma_wait3A_332, %dma_wait3A_333] : memref<10000x128xf32, #tpu.memory_space<hbm>> -> memref<10000x128xf32, #tpu.memory_space<hbm>>
      tpu.wait_indirect_dma semaphore(%arg31 : memref<!tpu.dma_semaphore, #tpu.memory_space<semaphore_mem>>) src(%dma_wait3A_334 : memref<10000x128xf32, #tpu.memory_space<hbm>>) dst(%arg18 : memref<80x128xf32, #tpu.memory_space<vmem>>)
      "tpu.region"() ({
        %run_scoped3A = tpu.sem_alloc : memref<!tpu.dma_semaphore, #tpu.memory_space<semaphore_mem>>
        %dma_start3A_538 = arith.constant 0 : i32
        %dma_start3A_539 = arith.constant 0 : i32
        %dma_start3A_540 = tpu.memref_slice %arg21[%dma_start3A_538, %dma_start3A_539] : memref<10064x128xf32, #tpu.memory_space<vmem_shared>> -> memref<10064x128xf32, #tpu.memory_space<vmem_shared>>
        tpu.enqueue_indirect_dma source(%arg18 : memref<80x128xf32, #tpu.memory_space<vmem>>) target(%dma_start3A_540 : memref<10064x128xf32, #tpu.memory_space<vmem_shared>>) offsets(%arg13 : memref<80xi32, #tpu.memory_space<vmem>>) semaphore(%run_scoped3A : memref<!tpu.dma_semaphore, #tpu.memory_space<semaphore_mem>>) {add = true}
        %dma_wait3A_541 = arith.constant 0 : i32
        %dma_wait3A_542 = arith.constant 0 : i32
        %dma_wait3A_543 = tpu.memref_slice %arg21[%dma_wait3A_541, %dma_wait3A_542] : memref<10064x128xf32, #tpu.memory_space<vmem_shared>> -> memref<10064x128xf32, #tpu.memory_space<vmem_shared>>
        tpu.wait_indirect_dma semaphore(%run_scoped3A : memref<!tpu.dma_semaphore, #tpu.memory_space<semaphore_mem>>) src(%arg18 : memref<80x128xf32, #tpu.memory_space<vmem>>) dst(%dma_wait3A_543 : memref<10064x128xf32, #tpu.memory_space<vmem_shared>>)
        tpu.yield
      }) : () -> ()
      %add3A_335 = arith.constant 5 : i32
      %add3A_336 = arith.addi %mul3A_189, %add3A_335 : i32
      %add3A_337 = arith.constant 3 : i32
      %add3A_338 = arith.addi %add3A_336, %add3A_337 : i32
      %lt3A_339 = arith.constant 125 : i32
      %lt3A_340 = arith.cmpi slt, %add3A_338, %lt3A_339 : i32
      %convert_element_type3A_341 = arith.extui %lt3A_340 : i1 to i32
      %cond3A_342 = arith.constant 0 : i32
      %cond3A_343 = arith.cmpi ne, %convert_element_type3A_341, %cond3A_342 : i32
      scf.if %cond3A_343 {
        %add3A_538 = arith.constant 3 : i32
        %add3A_539 = arith.addi %add3A_336, %add3A_538 : i32
        %mul3A_540 = arith.constant 10000 : i32
        %mul3A_541 = arith.muli %add3A, %mul3A_540 : i32
        %mul3A_542 = arith.constant 80 : i32
        %mul3A_543 = arith.muli %add3A_539, %mul3A_542 : i32
        %add3A_544 = arith.addi %mul3A_541, %mul3A_543 : i32
        %multiple_of3A_545 = tpu.assume_multiple %add3A_544, 8 : i32
        %dma_start3A_546 = tpu.memref_slice %arg2[%multiple_of3A_545] : memref<320000xi32, #tpu.memory_space<hbm>> -> memref<80xi32, #tpu.memory_space<hbm>>
        %dma_start3A_547 = tpu.memref_slice %arg2[%multiple_of3A_545] : memref<320000xi32, #tpu.memory_space<hbm>> -> memref<80xi32, #tpu.memory_space<hbm>>
        tpu.enqueue_dma source(%dma_start3A_547 : memref<80xi32, #tpu.memory_space<hbm>>) target(%arg9 : memref<80xi32, #tpu.memory_space<vmem>>) target_semaphore(%arg22 : memref<!tpu.dma_semaphore, #tpu.memory_space<semaphore_mem>>)
        %dma_start3A_548 = tpu.memref_slice %arg3[%multiple_of3A_545] : memref<320000xi32, #tpu.memory_space<hbm>> -> memref<80xi32, #tpu.memory_space<hbm>>
        %dma_start3A_549 = tpu.memref_slice %arg3[%multiple_of3A_545] : memref<320000xi32, #tpu.memory_space<hbm>> -> memref<80xi32, #tpu.memory_space<hbm>>
        tpu.enqueue_dma source(%dma_start3A_549 : memref<80xi32, #tpu.memory_space<hbm>>) target(%arg13 : memref<80xi32, #tpu.memory_space<vmem>>) target_semaphore(%arg26 : memref<!tpu.dma_semaphore, #tpu.memory_space<semaphore_mem>>)
      } else {
      }
      %add3A_344 = arith.constant 2 : i32
      %add3A_345 = arith.addi %add3A_336, %add3A_344 : i32
      %lt3A_346 = arith.constant 125 : i32
      %lt3A_347 = arith.cmpi slt, %add3A_345, %lt3A_346 : i32
      %convert_element_type3A_348 = arith.extui %lt3A_347 : i1 to i32
      %cond3A_349 = arith.constant 0 : i32
      %cond3A_350 = arith.cmpi ne, %convert_element_type3A_348, %cond3A_349 : i32
      scf.if %cond3A_350 {
        %dma_wait3A_538 = arith.constant 0 : i32
        %dma_wait3A_539 = tpu.memref_slice %arg2[%dma_wait3A_538] : memref<320000xi32, #tpu.memory_space<hbm>> -> memref<80xi32, #tpu.memory_space<hbm>>
        %dma_wait3A_540 = arith.constant 0 : i32
        %dma_wait3A_541 = tpu.memref_slice %arg2[%dma_wait3A_540] : memref<320000xi32, #tpu.memory_space<hbm>> -> memref<80xi32, #tpu.memory_space<hbm>>
        tpu.wait_dma2 semaphore(%arg25 : memref<!tpu.dma_semaphore, #tpu.memory_space<semaphore_mem>>) src(%dma_wait3A_541 : memref<80xi32, #tpu.memory_space<hbm>>) dst(%arg12 : memref<80xi32, #tpu.memory_space<vmem>>)
        %dma_wait3A_542 = arith.constant 0 : i32
        %dma_wait3A_543 = tpu.memref_slice %arg3[%dma_wait3A_542] : memref<320000xi32, #tpu.memory_space<hbm>> -> memref<80xi32, #tpu.memory_space<hbm>>
        %dma_wait3A_544 = arith.constant 0 : i32
        %dma_wait3A_545 = tpu.memref_slice %arg3[%dma_wait3A_544] : memref<320000xi32, #tpu.memory_space<hbm>> -> memref<80xi32, #tpu.memory_space<hbm>>
        tpu.wait_dma2 semaphore(%arg29 : memref<!tpu.dma_semaphore, #tpu.memory_space<semaphore_mem>>) src(%dma_wait3A_545 : memref<80xi32, #tpu.memory_space<hbm>>) dst(%arg16 : memref<80xi32, #tpu.memory_space<vmem>>)
        %dma_start3A_546 = arith.constant 0 : i32
        %dma_start3A_547 = arith.constant 0 : i32
        %dma_start3A_548 = tpu.memref_slice %arg4[%dma_start3A_546, %dma_start3A_547] : memref<10000x128xf32, #tpu.memory_space<hbm>> -> memref<10000x128xf32, #tpu.memory_space<hbm>>
        tpu.enqueue_indirect_dma source(%dma_start3A_548 : memref<10000x128xf32, #tpu.memory_space<hbm>>) target(%arg18 : memref<80x128xf32, #tpu.memory_space<vmem>>) offsets(%arg12 : memref<80xi32, #tpu.memory_space<vmem>>) semaphore(%arg31 : memref<!tpu.dma_semaphore, #tpu.memory_space<semaphore_mem>>)
      } else {
      }
      %get3A_351 = arith.constant 0 : index
      %get3A_352 = tpu.vector_load %arg14[%get3A_351] {strides = array<i32>} : memref<80xi32, #tpu.memory_space<vmem>>, vector<16xi32>,
      tpu.vector_store_idx %arg20[%get3A_352], %broadcast_in_dim3A_7 {add = true} : memref<10064xf32, #tpu.memory_space<vmem>>[vector<16xi32>], vector<16xf32>,
      %get3A_353 = arith.constant 16 : index
      %get3A_354 = tpu.vector_load %arg14[%get3A_353] {strides = array<i32>} : memref<80xi32, #tpu.memory_space<vmem>>, vector<16xi32>,
      tpu.vector_store_idx %arg20[%get3A_354], %broadcast_in_dim3A_7 {add = true} : memref<10064xf32, #tpu.memory_space<vmem>>[vector<16xi32>], vector<16xf32>,
      %get3A_355 = arith.constant 32 : index
      %get3A_356 = tpu.vector_load %arg14[%get3A_355] {strides = array<i32>} : memref<80xi32, #tpu.memory_space<vmem>>, vector<16xi32>,
      tpu.vector_store_idx %arg20[%get3A_356], %broadcast_in_dim3A_7 {add = true} : memref<10064xf32, #tpu.memory_space<vmem>>[vector<16xi32>], vector<16xf32>,
      %get3A_357 = arith.constant 48 : index
      %get3A_358 = tpu.vector_load %arg14[%get3A_357] {strides = array<i32>} : memref<80xi32, #tpu.memory_space<vmem>>, vector<16xi32>,
      tpu.vector_store_idx %arg20[%get3A_358], %broadcast_in_dim3A_7 {add = true} : memref<10064xf32, #tpu.memory_space<vmem>>[vector<16xi32>], vector<16xf32>,
      %get3A_359 = arith.constant 64 : index
      %get3A_360 = tpu.vector_load %arg14[%get3A_359] {strides = array<i32>} : memref<80xi32, #tpu.memory_space<vmem>>, vector<16xi32>,
      tpu.vector_store_idx %arg20[%get3A_360], %broadcast_in_dim3A_7 {add = true} : memref<10064xf32, #tpu.memory_space<vmem>>[vector<16xi32>], vector<16xf32>,
      %dma_wait3A_361 = arith.constant 0 : i32
      %dma_wait3A_362 = arith.constant 0 : i32
      %dma_wait3A_363 = tpu.memref_slice %arg4[%dma_wait3A_361, %dma_wait3A_362] : memref<10000x128xf32, #tpu.memory_space<hbm>> -> memref<10000x128xf32, #tpu.memory_space<hbm>>
      tpu.wait_indirect_dma semaphore(%arg32 : memref<!tpu.dma_semaphore, #tpu.memory_space<semaphore_mem>>) src(%dma_wait3A_363 : memref<10000x128xf32, #tpu.memory_space<hbm>>) dst(%arg19 : memref<80x128xf32, #tpu.memory_space<vmem>>)
      "tpu.region"() ({
        %run_scoped3A = tpu.sem_alloc : memref<!tpu.dma_semaphore, #tpu.memory_space<semaphore_mem>>
        %dma_start3A_538 = arith.constant 0 : i32
        %dma_start3A_539 = arith.constant 0 : i32
        %dma_start3A_540 = tpu.memref_slice %arg21[%dma_start3A_538, %dma_start3A_539] : memref<10064x128xf32, #tpu.memory_space<vmem_shared>> -> memref<10064x128xf32, #tpu.memory_space<vmem_shared>>
        tpu.enqueue_indirect_dma source(%arg19 : memref<80x128xf32, #tpu.memory_space<vmem>>) target(%dma_start3A_540 : memref<10064x128xf32, #tpu.memory_space<vmem_shared>>) offsets(%arg14 : memref<80xi32, #tpu.memory_space<vmem>>) semaphore(%run_scoped3A : memref<!tpu.dma_semaphore, #tpu.memory_space<semaphore_mem>>) {add = true}
        %dma_wait3A_541 = arith.constant 0 : i32
        %dma_wait3A_542 = arith.constant 0 : i32
        %dma_wait3A_543 = tpu.memref_slice %arg21[%dma_wait3A_541, %dma_wait3A_542] : memref<10064x128xf32, #tpu.memory_space<vmem_shared>> -> memref<10064x128xf32, #tpu.memory_space<vmem_shared>>
        tpu.wait_indirect_dma semaphore(%run_scoped3A : memref<!tpu.dma_semaphore, #tpu.memory_space<semaphore_mem>>) src(%arg19 : memref<80x128xf32, #tpu.memory_space<vmem>>) dst(%dma_wait3A_543 : memref<10064x128xf32, #tpu.memory_space<vmem_shared>>)
        tpu.yield
      }) : () -> ()
      %add3A_364 = arith.constant 6 : i32
      %add3A_365 = arith.addi %mul3A_189, %add3A_364 : i32
      %add3A_366 = arith.constant 3 : i32
      %add3A_367 = arith.addi %add3A_365, %add3A_366 : i32
      %lt3A_368 = arith.constant 125 : i32
      %lt3A_369 = arith.cmpi slt, %add3A_367, %lt3A_368 : i32
      %convert_element_type3A_370 = arith.extui %lt3A_369 : i1 to i32
      %cond3A_371 = arith.constant 0 : i32
      %cond3A_372 = arith.cmpi ne, %convert_element_type3A_370, %cond3A_371 : i32
      scf.if %cond3A_372 {
        %add3A_538 = arith.constant 3 : i32
        %add3A_539 = arith.addi %add3A_365, %add3A_538 : i32
        %mul3A_540 = arith.constant 10000 : i32
        %mul3A_541 = arith.muli %add3A, %mul3A_540 : i32
        %mul3A_542 = arith.constant 80 : i32
        %mul3A_543 = arith.muli %add3A_539, %mul3A_542 : i32
        %add3A_544 = arith.addi %mul3A_541, %mul3A_543 : i32
        %multiple_of3A_545 = tpu.assume_multiple %add3A_544, 8 : i32
        %dma_start3A_546 = tpu.memref_slice %arg2[%multiple_of3A_545] : memref<320000xi32, #tpu.memory_space<hbm>> -> memref<80xi32, #tpu.memory_space<hbm>>
        %dma_start3A_547 = tpu.memref_slice %arg2[%multiple_of3A_545] : memref<320000xi32, #tpu.memory_space<hbm>> -> memref<80xi32, #tpu.memory_space<hbm>>
        tpu.enqueue_dma source(%dma_start3A_547 : memref<80xi32, #tpu.memory_space<hbm>>) target(%arg10 : memref<80xi32, #tpu.memory_space<vmem>>) target_semaphore(%arg23 : memref<!tpu.dma_semaphore, #tpu.memory_space<semaphore_mem>>)
        %dma_start3A_548 = tpu.memref_slice %arg3[%multiple_of3A_545] : memref<320000xi32, #tpu.memory_space<hbm>> -> memref<80xi32, #tpu.memory_space<hbm>>
        %dma_start3A_549 = tpu.memref_slice %arg3[%multiple_of3A_545] : memref<320000xi32, #tpu.memory_space<hbm>> -> memref<80xi32, #tpu.memory_space<hbm>>
        tpu.enqueue_dma source(%dma_start3A_549 : memref<80xi32, #tpu.memory_space<hbm>>) target(%arg14 : memref<80xi32, #tpu.memory_space<vmem>>) target_semaphore(%arg27 : memref<!tpu.dma_semaphore, #tpu.memory_space<semaphore_mem>>)
      } else {
      }
      %add3A_373 = arith.constant 2 : i32
      %add3A_374 = arith.addi %add3A_365, %add3A_373 : i32
      %lt3A_375 = arith.constant 125 : i32
      %lt3A_376 = arith.cmpi slt, %add3A_374, %lt3A_375 : i32
      %convert_element_type3A_377 = arith.extui %lt3A_376 : i1 to i32
      %cond3A_378 = arith.constant 0 : i32
      %cond3A_379 = arith.cmpi ne, %convert_element_type3A_377, %cond3A_378 : i32
      scf.if %cond3A_379 {
        %dma_wait3A_538 = arith.constant 0 : i32
        %dma_wait3A_539 = tpu.memref_slice %arg2[%dma_wait3A_538] : memref<320000xi32, #tpu.memory_space<hbm>> -> memref<80xi32, #tpu.memory_space<hbm>>
        %dma_wait3A_540 = arith.constant 0 : i32
        %dma_wait3A_541 = tpu.memref_slice %arg2[%dma_wait3A_540] : memref<320000xi32, #tpu.memory_space<hbm>> -> memref<80xi32, #tpu.memory_space<hbm>>
        tpu.wait_dma2 semaphore(%arg22 : memref<!tpu.dma_semaphore, #tpu.memory_space<semaphore_mem>>) src(%dma_wait3A_541 : memref<80xi32, #tpu.memory_space<hbm>>) dst(%arg9 : memref<80xi32, #tpu.memory_space<vmem>>)
        %dma_wait3A_542 = arith.constant 0 : i32
        %dma_wait3A_543 = tpu.memref_slice %arg3[%dma_wait3A_542] : memref<320000xi32, #tpu.memory_space<hbm>> -> memref<80xi32, #tpu.memory_space<hbm>>
        %dma_wait3A_544 = arith.constant 0 : i32
        %dma_wait3A_545 = tpu.memref_slice %arg3[%dma_wait3A_544] : memref<320000xi32, #tpu.memory_space<hbm>> -> memref<80xi32, #tpu.memory_space<hbm>>
        tpu.wait_dma2 semaphore(%arg26 : memref<!tpu.dma_semaphore, #tpu.memory_space<semaphore_mem>>) src(%dma_wait3A_545 : memref<80xi32, #tpu.memory_space<hbm>>) dst(%arg13 : memref<80xi32, #tpu.memory_space<vmem>>)
        %dma_start3A_546 = arith.constant 0 : i32
        %dma_start3A_547 = arith.constant 0 : i32
        %dma_start3A_548 = tpu.memref_slice %arg4[%dma_start3A_546, %dma_start3A_547] : memref<10000x128xf32, #tpu.memory_space<hbm>> -> memref<10000x128xf32, #tpu.memory_space<hbm>>
        tpu.enqueue_indirect_dma source(%dma_start3A_548 : memref<10000x128xf32, #tpu.memory_space<hbm>>) target(%arg19 : memref<80x128xf32, #tpu.memory_space<vmem>>) offsets(%arg9 : memref<80xi32, #tpu.memory_space<vmem>>) semaphore(%arg32 : memref<!tpu.dma_semaphore, #tpu.memory_space<semaphore_mem>>)
      } else {
      }
      %get3A_380 = arith.constant 0 : index
      %get3A_381 = tpu.vector_load %arg15[%get3A_380] {strides = array<i32>} : memref<80xi32, #tpu.memory_space<vmem>>, vector<16xi32>,
      tpu.vector_store_idx %arg20[%get3A_381], %broadcast_in_dim3A_7 {add = true} : memref<10064xf32, #tpu.memory_space<vmem>>[vector<16xi32>], vector<16xf32>,
      %get3A_382 = arith.constant 16 : index
      %get3A_383 = tpu.vector_load %arg15[%get3A_382] {strides = array<i32>} : memref<80xi32, #tpu.memory_space<vmem>>, vector<16xi32>,
      tpu.vector_store_idx %arg20[%get3A_383], %broadcast_in_dim3A_7 {add = true} : memref<10064xf32, #tpu.memory_space<vmem>>[vector<16xi32>], vector<16xf32>,
      %get3A_384 = arith.constant 32 : index
      %get3A_385 = tpu.vector_load %arg15[%get3A_384] {strides = array<i32>} : memref<80xi32, #tpu.memory_space<vmem>>, vector<16xi32>,
      tpu.vector_store_idx %arg20[%get3A_385], %broadcast_in_dim3A_7 {add = true} : memref<10064xf32, #tpu.memory_space<vmem>>[vector<16xi32>], vector<16xf32>,
      %get3A_386 = arith.constant 48 : index
      %get3A_387 = tpu.vector_load %arg15[%get3A_386] {strides = array<i32>} : memref<80xi32, #tpu.memory_space<vmem>>, vector<16xi32>,
      tpu.vector_store_idx %arg20[%get3A_387], %broadcast_in_dim3A_7 {add = true} : memref<10064xf32, #tpu.memory_space<vmem>>[vector<16xi32>], vector<16xf32>,
      %get3A_388 = arith.constant 64 : index
      %get3A_389 = tpu.vector_load %arg15[%get3A_388] {strides = array<i32>} : memref<80xi32, #tpu.memory_space<vmem>>, vector<16xi32>,
      tpu.vector_store_idx %arg20[%get3A_389], %broadcast_in_dim3A_7 {add = true} : memref<10064xf32, #tpu.memory_space<vmem>>[vector<16xi32>], vector<16xf32>,
      %dma_wait3A_390 = arith.constant 0 : i32
      %dma_wait3A_391 = arith.constant 0 : i32
      %dma_wait3A_392 = tpu.memref_slice %arg4[%dma_wait3A_390, %dma_wait3A_391] : memref<10000x128xf32, #tpu.memory_space<hbm>> -> memref<10000x128xf32, #tpu.memory_space<hbm>>
      tpu.wait_indirect_dma semaphore(%arg30 : memref<!tpu.dma_semaphore, #tpu.memory_space<semaphore_mem>>) src(%dma_wait3A_392 : memref<10000x128xf32, #tpu.memory_space<hbm>>) dst(%arg17 : memref<80x128xf32, #tpu.memory_space<vmem>>)
      "tpu.region"() ({
        %run_scoped3A = tpu.sem_alloc : memref<!tpu.dma_semaphore, #tpu.memory_space<semaphore_mem>>
        %dma_start3A_538 = arith.constant 0 : i32
        %dma_start3A_539 = arith.constant 0 : i32
        %dma_start3A_540 = tpu.memref_slice %arg21[%dma_start3A_538, %dma_start3A_539] : memref<10064x128xf32, #tpu.memory_space<vmem_shared>> -> memref<10064x128xf32, #tpu.memory_space<vmem_shared>>
        tpu.enqueue_indirect_dma source(%arg17 : memref<80x128xf32, #tpu.memory_space<vmem>>) target(%dma_start3A_540 : memref<10064x128xf32, #tpu.memory_space<vmem_shared>>) offsets(%arg15 : memref<80xi32, #tpu.memory_space<vmem>>) semaphore(%run_scoped3A : memref<!tpu.dma_semaphore, #tpu.memory_space<semaphore_mem>>) {add = true}
        %dma_wait3A_541 = arith.constant 0 : i32
        %dma_wait3A_542 = arith.constant 0 : i32
        %dma_wait3A_543 = tpu.memref_slice %arg21[%dma_wait3A_541, %dma_wait3A_542] : memref<10064x128xf32, #tpu.memory_space<vmem_shared>> -> memref<10064x128xf32, #tpu.memory_space<vmem_shared>>
        tpu.wait_indirect_dma semaphore(%run_scoped3A : memref<!tpu.dma_semaphore, #tpu.memory_space<semaphore_mem>>) src(%arg17 : memref<80x128xf32, #tpu.memory_space<vmem>>) dst(%dma_wait3A_543 : memref<10064x128xf32, #tpu.memory_space<vmem_shared>>)
        tpu.yield
      }) : () -> ()
      %add3A_393 = arith.constant 7 : i32
      %add3A_394 = arith.addi %mul3A_189, %add3A_393 : i32
      %add3A_395 = arith.constant 3 : i32
      %add3A_396 = arith.addi %add3A_394, %add3A_395 : i32
      %lt3A_397 = arith.constant 125 : i32
      %lt3A_398 = arith.cmpi slt, %add3A_396, %lt3A_397 : i32
      %convert_element_type3A_399 = arith.extui %lt3A_398 : i1 to i32
      %cond3A_400 = arith.constant 0 : i32
      %cond3A_401 = arith.cmpi ne, %convert_element_type3A_399, %cond3A_400 : i32
      scf.if %cond3A_401 {
        %add3A_538 = arith.constant 3 : i32
        %add3A_539 = arith.addi %add3A_394, %add3A_538 : i32
        %mul3A_540 = arith.constant 10000 : i32
        %mul3A_541 = arith.muli %add3A, %mul3A_540 : i32
        %mul3A_542 = arith.constant 80 : i32
        %mul3A_543 = arith.muli %add3A_539, %mul3A_542 : i32
        %add3A_544 = arith.addi %mul3A_541, %mul3A_543 : i32
        %multiple_of3A_545 = tpu.assume_multiple %add3A_544, 8 : i32
        %dma_start3A_546 = tpu.memref_slice %arg2[%multiple_of3A_545] : memref<320000xi32, #tpu.memory_space<hbm>> -> memref<80xi32, #tpu.memory_space<hbm>>
        %dma_start3A_547 = tpu.memref_slice %arg2[%multiple_of3A_545] : memref<320000xi32, #tpu.memory_space<hbm>> -> memref<80xi32, #tpu.memory_space<hbm>>
        tpu.enqueue_dma source(%dma_start3A_547 : memref<80xi32, #tpu.memory_space<hbm>>) target(%arg11 : memref<80xi32, #tpu.memory_space<vmem>>) target_semaphore(%arg24 : memref<!tpu.dma_semaphore, #tpu.memory_space<semaphore_mem>>)
        %dma_start3A_548 = tpu.memref_slice %arg3[%multiple_of3A_545] : memref<320000xi32, #tpu.memory_space<hbm>> -> memref<80xi32, #tpu.memory_space<hbm>>
        %dma_start3A_549 = tpu.memref_slice %arg3[%multiple_of3A_545] : memref<320000xi32, #tpu.memory_space<hbm>> -> memref<80xi32, #tpu.memory_space<hbm>>
        tpu.enqueue_dma source(%dma_start3A_549 : memref<80xi32, #tpu.memory_space<hbm>>) target(%arg15 : memref<80xi32, #tpu.memory_space<vmem>>) target_semaphore(%arg28 : memref<!tpu.dma_semaphore, #tpu.memory_space<semaphore_mem>>)
      } else {
      }
      %add3A_402 = arith.constant 2 : i32
      %add3A_403 = arith.addi %add3A_394, %add3A_402 : i32
      %lt3A_404 = arith.constant 125 : i32
      %lt3A_405 = arith.cmpi slt, %add3A_403, %lt3A_404 : i32
      %convert_element_type3A_406 = arith.extui %lt3A_405 : i1 to i32
      %cond3A_407 = arith.constant 0 : i32
      %cond3A_408 = arith.cmpi ne, %convert_element_type3A_406, %cond3A_407 : i32
      scf.if %cond3A_408 {
        %dma_wait3A_538 = arith.constant 0 : i32
        %dma_wait3A_539 = tpu.memref_slice %arg2[%dma_wait3A_538] : memref<320000xi32, #tpu.memory_space<hbm>> -> memref<80xi32, #tpu.memory_space<hbm>>
        %dma_wait3A_540 = arith.constant 0 : i32
        %dma_wait3A_541 = tpu.memref_slice %arg2[%dma_wait3A_540] : memref<320000xi32, #tpu.memory_space<hbm>> -> memref<80xi32, #tpu.memory_space<hbm>>
        tpu.wait_dma2 semaphore(%arg23 : memref<!tpu.dma_semaphore, #tpu.memory_space<semaphore_mem>>) src(%dma_wait3A_541 : memref<80xi32, #tpu.memory_space<hbm>>) dst(%arg10 : memref<80xi32, #tpu.memory_space<vmem>>)
        %dma_wait3A_542 = arith.constant 0 : i32
        %dma_wait3A_543 = tpu.memref_slice %arg3[%dma_wait3A_542] : memref<320000xi32, #tpu.memory_space<hbm>> -> memref<80xi32, #tpu.memory_space<hbm>>
        %dma_wait3A_544 = arith.constant 0 : i32
        %dma_wait3A_545 = tpu.memref_slice %arg3[%dma_wait3A_544] : memref<320000xi32, #tpu.memory_space<hbm>> -> memref<80xi32, #tpu.memory_space<hbm>>
        tpu.wait_dma2 semaphore(%arg27 : memref<!tpu.dma_semaphore, #tpu.memory_space<semaphore_mem>>) src(%dma_wait3A_545 : memref<80xi32, #tpu.memory_space<hbm>>) dst(%arg14 : memref<80xi32, #tpu.memory_space<vmem>>)
        %dma_start3A_546 = arith.constant 0 : i32
        %dma_start3A_547 = arith.constant 0 : i32
        %dma_start3A_548 = tpu.memref_slice %arg4[%dma_start3A_546, %dma_start3A_547] : memref<10000x128xf32, #tpu.memory_space<hbm>> -> memref<10000x128xf32, #tpu.memory_space<hbm>>
        tpu.enqueue_indirect_dma source(%dma_start3A_548 : memref<10000x128xf32, #tpu.memory_space<hbm>>) target(%arg17 : memref<80x128xf32, #tpu.memory_space<vmem>>) offsets(%arg10 : memref<80xi32, #tpu.memory_space<vmem>>) semaphore(%arg30 : memref<!tpu.dma_semaphore, #tpu.memory_space<semaphore_mem>>)
      } else {
      }
      %get3A_409 = arith.constant 0 : index
      %get3A_410 = tpu.vector_load %arg16[%get3A_409] {strides = array<i32>} : memref<80xi32, #tpu.memory_space<vmem>>, vector<16xi32>,
      tpu.vector_store_idx %arg20[%get3A_410], %broadcast_in_dim3A_7 {add = true} : memref<10064xf32, #tpu.memory_space<vmem>>[vector<16xi32>], vector<16xf32>,
      %get3A_411 = arith.constant 16 : index
      %get3A_412 = tpu.vector_load %arg16[%get3A_411] {strides = array<i32>} : memref<80xi32, #tpu.memory_space<vmem>>, vector<16xi32>,
      tpu.vector_store_idx %arg20[%get3A_412], %broadcast_in_dim3A_7 {add = true} : memref<10064xf32, #tpu.memory_space<vmem>>[vector<16xi32>], vector<16xf32>,
      %get3A_413 = arith.constant 32 : index
      %get3A_414 = tpu.vector_load %arg16[%get3A_413] {strides = array<i32>} : memref<80xi32, #tpu.memory_space<vmem>>, vector<16xi32>,
      tpu.vector_store_idx %arg20[%get3A_414], %broadcast_in_dim3A_7 {add = true} : memref<10064xf32, #tpu.memory_space<vmem>>[vector<16xi32>], vector<16xf32>,
      %get3A_415 = arith.constant 48 : index
      %get3A_416 = tpu.vector_load %arg16[%get3A_415] {strides = array<i32>} : memref<80xi32, #tpu.memory_space<vmem>>, vector<16xi32>,
      tpu.vector_store_idx %arg20[%get3A_416], %broadcast_in_dim3A_7 {add = true} : memref<10064xf32, #tpu.memory_space<vmem>>[vector<16xi32>], vector<16xf32>,
      %get3A_417 = arith.constant 64 : index
      %get3A_418 = tpu.vector_load %arg16[%get3A_417] {strides = array<i32>} : memref<80xi32, #tpu.memory_space<vmem>>, vector<16xi32>,
      tpu.vector_store_idx %arg20[%get3A_418], %broadcast_in_dim3A_7 {add = true} : memref<10064xf32, #tpu.memory_space<vmem>>[vector<16xi32>], vector<16xf32>,
      %dma_wait3A_419 = arith.constant 0 : i32
      %dma_wait3A_420 = arith.constant 0 : i32
      %dma_wait3A_421 = tpu.memref_slice %arg4[%dma_wait3A_419, %dma_wait3A_420] : memref<10000x128xf32, #tpu.memory_space<hbm>> -> memref<10000x128xf32, #tpu.memory_space<hbm>>
      tpu.wait_indirect_dma semaphore(%arg31 : memref<!tpu.dma_semaphore, #tpu.memory_space<semaphore_mem>>) src(%dma_wait3A_421 : memref<10000x128xf32, #tpu.memory_space<hbm>>) dst(%arg18 : memref<80x128xf32, #tpu.memory_space<vmem>>)
      "tpu.region"() ({
        %run_scoped3A = tpu.sem_alloc : memref<!tpu.dma_semaphore, #tpu.memory_space<semaphore_mem>>
        %dma_start3A_538 = arith.constant 0 : i32
        %dma_start3A_539 = arith.constant 0 : i32
        %dma_start3A_540 = tpu.memref_slice %arg21[%dma_start3A_538, %dma_start3A_539] : memref<10064x128xf32, #tpu.memory_space<vmem_shared>> -> memref<10064x128xf32, #tpu.memory_space<vmem_shared>>
        tpu.enqueue_indirect_dma source(%arg18 : memref<80x128xf32, #tpu.memory_space<vmem>>) target(%dma_start3A_540 : memref<10064x128xf32, #tpu.memory_space<vmem_shared>>) offsets(%arg16 : memref<80xi32, #tpu.memory_space<vmem>>) semaphore(%run_scoped3A : memref<!tpu.dma_semaphore, #tpu.memory_space<semaphore_mem>>) {add = true}
        %dma_wait3A_541 = arith.constant 0 : i32
        %dma_wait3A_542 = arith.constant 0 : i32
        %dma_wait3A_543 = tpu.memref_slice %arg21[%dma_wait3A_541, %dma_wait3A_542] : memref<10064x128xf32, #tpu.memory_space<vmem_shared>> -> memref<10064x128xf32, #tpu.memory_space<vmem_shared>>
        tpu.wait_indirect_dma semaphore(%run_scoped3A : memref<!tpu.dma_semaphore, #tpu.memory_space<semaphore_mem>>) src(%arg18 : memref<80x128xf32, #tpu.memory_space<vmem>>) dst(%dma_wait3A_543 : memref<10064x128xf32, #tpu.memory_space<vmem_shared>>)
        tpu.yield
      }) : () -> ()
      %add3A_422 = arith.constant 8 : i32
      %add3A_423 = arith.addi %mul3A_189, %add3A_422 : i32
      %add3A_424 = arith.constant 3 : i32
      %add3A_425 = arith.addi %add3A_423, %add3A_424 : i32
      %lt3A_426 = arith.constant 125 : i32
      %lt3A_427 = arith.cmpi slt, %add3A_425, %lt3A_426 : i32
      %convert_element_type3A_428 = arith.extui %lt3A_427 : i1 to i32
      %cond3A_429 = arith.constant 0 : i32
      %cond3A_430 = arith.cmpi ne, %convert_element_type3A_428, %cond3A_429 : i32
      scf.if %cond3A_430 {
        %add3A_538 = arith.constant 3 : i32
        %add3A_539 = arith.addi %add3A_423, %add3A_538 : i32
        %mul3A_540 = arith.constant 10000 : i32
        %mul3A_541 = arith.muli %add3A, %mul3A_540 : i32
        %mul3A_542 = arith.constant 80 : i32
        %mul3A_543 = arith.muli %add3A_539, %mul3A_542 : i32
        %add3A_544 = arith.addi %mul3A_541, %mul3A_543 : i32
        %multiple_of3A_545 = tpu.assume_multiple %add3A_544, 8 : i32
        %dma_start3A_546 = tpu.memref_slice %arg2[%multiple_of3A_545] : memref<320000xi32, #tpu.memory_space<hbm>> -> memref<80xi32, #tpu.memory_space<hbm>>
        %dma_start3A_547 = tpu.memref_slice %arg2[%multiple_of3A_545] : memref<320000xi32, #tpu.memory_space<hbm>> -> memref<80xi32, #tpu.memory_space<hbm>>
        tpu.enqueue_dma source(%dma_start3A_547 : memref<80xi32, #tpu.memory_space<hbm>>) target(%arg12 : memref<80xi32, #tpu.memory_space<vmem>>) target_semaphore(%arg25 : memref<!tpu.dma_semaphore, #tpu.memory_space<semaphore_mem>>)
        %dma_start3A_548 = tpu.memref_slice %arg3[%multiple_of3A_545] : memref<320000xi32, #tpu.memory_space<hbm>> -> memref<80xi32, #tpu.memory_space<hbm>>
        %dma_start3A_549 = tpu.memref_slice %arg3[%multiple_of3A_545] : memref<320000xi32, #tpu.memory_space<hbm>> -> memref<80xi32, #tpu.memory_space<hbm>>
        tpu.enqueue_dma source(%dma_start3A_549 : memref<80xi32, #tpu.memory_space<hbm>>) target(%arg16 : memref<80xi32, #tpu.memory_space<vmem>>) target_semaphore(%arg29 : memref<!tpu.dma_semaphore, #tpu.memory_space<semaphore_mem>>)
      } else {
      }
      %add3A_431 = arith.constant 2 : i32
      %add3A_432 = arith.addi %add3A_423, %add3A_431 : i32
      %lt3A_433 = arith.constant 125 : i32
      %lt3A_434 = arith.cmpi slt, %add3A_432, %lt3A_433 : i32
      %convert_element_type3A_435 = arith.extui %lt3A_434 : i1 to i32
      %cond3A_436 = arith.constant 0 : i32
      %cond3A_437 = arith.cmpi ne, %convert_element_type3A_435, %cond3A_436 : i32
      scf.if %cond3A_437 {
        %dma_wait3A_538 = arith.constant 0 : i32
        %dma_wait3A_539 = tpu.memref_slice %arg2[%dma_wait3A_538] : memref<320000xi32, #tpu.memory_space<hbm>> -> memref<80xi32, #tpu.memory_space<hbm>>
        %dma_wait3A_540 = arith.constant 0 : i32
        %dma_wait3A_541 = tpu.memref_slice %arg2[%dma_wait3A_540] : memref<320000xi32, #tpu.memory_space<hbm>> -> memref<80xi32, #tpu.memory_space<hbm>>
        tpu.wait_dma2 semaphore(%arg24 : memref<!tpu.dma_semaphore, #tpu.memory_space<semaphore_mem>>) src(%dma_wait3A_541 : memref<80xi32, #tpu.memory_space<hbm>>) dst(%arg11 : memref<80xi32, #tpu.memory_space<vmem>>)
        %dma_wait3A_542 = arith.constant 0 : i32
        %dma_wait3A_543 = tpu.memref_slice %arg3[%dma_wait3A_542] : memref<320000xi32, #tpu.memory_space<hbm>> -> memref<80xi32, #tpu.memory_space<hbm>>
        %dma_wait3A_544 = arith.constant 0 : i32
        %dma_wait3A_545 = tpu.memref_slice %arg3[%dma_wait3A_544] : memref<320000xi32, #tpu.memory_space<hbm>> -> memref<80xi32, #tpu.memory_space<hbm>>
        tpu.wait_dma2 semaphore(%arg28 : memref<!tpu.dma_semaphore, #tpu.memory_space<semaphore_mem>>) src(%dma_wait3A_545 : memref<80xi32, #tpu.memory_space<hbm>>) dst(%arg15 : memref<80xi32, #tpu.memory_space<vmem>>)
        %dma_start3A_546 = arith.constant 0 : i32
        %dma_start3A_547 = arith.constant 0 : i32
        %dma_start3A_548 = tpu.memref_slice %arg4[%dma_start3A_546, %dma_start3A_547] : memref<10000x128xf32, #tpu.memory_space<hbm>> -> memref<10000x128xf32, #tpu.memory_space<hbm>>
        tpu.enqueue_indirect_dma source(%dma_start3A_548 : memref<10000x128xf32, #tpu.memory_space<hbm>>) target(%arg18 : memref<80x128xf32, #tpu.memory_space<vmem>>) offsets(%arg11 : memref<80xi32, #tpu.memory_space<vmem>>) semaphore(%arg31 : memref<!tpu.dma_semaphore, #tpu.memory_space<semaphore_mem>>)
      } else {
      }
      %get3A_438 = arith.constant 0 : index
      %get3A_439 = tpu.vector_load %arg13[%get3A_438] {strides = array<i32>} : memref<80xi32, #tpu.memory_space<vmem>>, vector<16xi32>,
      tpu.vector_store_idx %arg20[%get3A_439], %broadcast_in_dim3A_7 {add = true} : memref<10064xf32, #tpu.memory_space<vmem>>[vector<16xi32>], vector<16xf32>,
      %get3A_440 = arith.constant 16 : index
      %get3A_441 = tpu.vector_load %arg13[%get3A_440] {strides = array<i32>} : memref<80xi32, #tpu.memory_space<vmem>>, vector<16xi32>,
      tpu.vector_store_idx %arg20[%get3A_441], %broadcast_in_dim3A_7 {add = true} : memref<10064xf32, #tpu.memory_space<vmem>>[vector<16xi32>], vector<16xf32>,
      %get3A_442 = arith.constant 32 : index
      %get3A_443 = tpu.vector_load %arg13[%get3A_442] {strides = array<i32>} : memref<80xi32, #tpu.memory_space<vmem>>, vector<16xi32>,
      tpu.vector_store_idx %arg20[%get3A_443], %broadcast_in_dim3A_7 {add = true} : memref<10064xf32, #tpu.memory_space<vmem>>[vector<16xi32>], vector<16xf32>,
      %get3A_444 = arith.constant 48 : index
      %get3A_445 = tpu.vector_load %arg13[%get3A_444] {strides = array<i32>} : memref<80xi32, #tpu.memory_space<vmem>>, vector<16xi32>,
      tpu.vector_store_idx %arg20[%get3A_445], %broadcast_in_dim3A_7 {add = true} : memref<10064xf32, #tpu.memory_space<vmem>>[vector<16xi32>], vector<16xf32>,
      %get3A_446 = arith.constant 64 : index
      %get3A_447 = tpu.vector_load %arg13[%get3A_446] {strides = array<i32>} : memref<80xi32, #tpu.memory_space<vmem>>, vector<16xi32>,
      tpu.vector_store_idx %arg20[%get3A_447], %broadcast_in_dim3A_7 {add = true} : memref<10064xf32, #tpu.memory_space<vmem>>[vector<16xi32>], vector<16xf32>,
      %dma_wait3A_448 = arith.constant 0 : i32
      %dma_wait3A_449 = arith.constant 0 : i32
      %dma_wait3A_450 = tpu.memref_slice %arg4[%dma_wait3A_448, %dma_wait3A_449] : memref<10000x128xf32, #tpu.memory_space<hbm>> -> memref<10000x128xf32, #tpu.memory_space<hbm>>
      tpu.wait_indirect_dma semaphore(%arg32 : memref<!tpu.dma_semaphore, #tpu.memory_space<semaphore_mem>>) src(%dma_wait3A_450 : memref<10000x128xf32, #tpu.memory_space<hbm>>) dst(%arg19 : memref<80x128xf32, #tpu.memory_space<vmem>>)
      "tpu.region"() ({
        %run_scoped3A = tpu.sem_alloc : memref<!tpu.dma_semaphore, #tpu.memory_space<semaphore_mem>>
        %dma_start3A_538 = arith.constant 0 : i32
        %dma_start3A_539 = arith.constant 0 : i32
        %dma_start3A_540 = tpu.memref_slice %arg21[%dma_start3A_538, %dma_start3A_539] : memref<10064x128xf32, #tpu.memory_space<vmem_shared>> -> memref<10064x128xf32, #tpu.memory_space<vmem_shared>>
        tpu.enqueue_indirect_dma source(%arg19 : memref<80x128xf32, #tpu.memory_space<vmem>>) target(%dma_start3A_540 : memref<10064x128xf32, #tpu.memory_space<vmem_shared>>) offsets(%arg13 : memref<80xi32, #tpu.memory_space<vmem>>) semaphore(%run_scoped3A : memref<!tpu.dma_semaphore, #tpu.memory_space<semaphore_mem>>) {add = true}
        %dma_wait3A_541 = arith.constant 0 : i32
        %dma_wait3A_542 = arith.constant 0 : i32
        %dma_wait3A_543 = tpu.memref_slice %arg21[%dma_wait3A_541, %dma_wait3A_542] : memref<10064x128xf32, #tpu.memory_space<vmem_shared>> -> memref<10064x128xf32, #tpu.memory_space<vmem_shared>>
        tpu.wait_indirect_dma semaphore(%run_scoped3A : memref<!tpu.dma_semaphore, #tpu.memory_space<semaphore_mem>>) src(%arg19 : memref<80x128xf32, #tpu.memory_space<vmem>>) dst(%dma_wait3A_543 : memref<10064x128xf32, #tpu.memory_space<vmem_shared>>)
        tpu.yield
      }) : () -> ()
      %add3A_451 = arith.constant 9 : i32
      %add3A_452 = arith.addi %mul3A_189, %add3A_451 : i32
      %add3A_453 = arith.constant 3 : i32
      %add3A_454 = arith.addi %add3A_452, %add3A_453 : i32
      %lt3A_455 = arith.constant 125 : i32
      %lt3A_456 = arith.cmpi slt, %add3A_454, %lt3A_455 : i32
      %convert_element_type3A_457 = arith.extui %lt3A_456 : i1 to i32
      %cond3A_458 = arith.constant 0 : i32
      %cond3A_459 = arith.cmpi ne, %convert_element_type3A_457, %cond3A_458 : i32
      scf.if %cond3A_459 {
        %add3A_538 = arith.constant 3 : i32
        %add3A_539 = arith.addi %add3A_452, %add3A_538 : i32
        %mul3A_540 = arith.constant 10000 : i32
        %mul3A_541 = arith.muli %add3A, %mul3A_540 : i32
        %mul3A_542 = arith.constant 80 : i32
        %mul3A_543 = arith.muli %add3A_539, %mul3A_542 : i32
        %add3A_544 = arith.addi %mul3A_541, %mul3A_543 : i32
        %multiple_of3A_545 = tpu.assume_multiple %add3A_544, 8 : i32
        %dma_start3A_546 = tpu.memref_slice %arg2[%multiple_of3A_545] : memref<320000xi32, #tpu.memory_space<hbm>> -> memref<80xi32, #tpu.memory_space<hbm>>
        %dma_start3A_547 = tpu.memref_slice %arg2[%multiple_of3A_545] : memref<320000xi32, #tpu.memory_space<hbm>> -> memref<80xi32, #tpu.memory_space<hbm>>
        tpu.enqueue_dma source(%dma_start3A_547 : memref<80xi32, #tpu.memory_space<hbm>>) target(%arg9 : memref<80xi32, #tpu.memory_space<vmem>>) target_semaphore(%arg22 : memref<!tpu.dma_semaphore, #tpu.memory_space<semaphore_mem>>)
        %dma_start3A_548 = tpu.memref_slice %arg3[%multiple_of3A_545] : memref<320000xi32, #tpu.memory_space<hbm>> -> memref<80xi32, #tpu.memory_space<hbm>>
        %dma_start3A_549 = tpu.memref_slice %arg3[%multiple_of3A_545] : memref<320000xi32, #tpu.memory_space<hbm>> -> memref<80xi32, #tpu.memory_space<hbm>>
        tpu.enqueue_dma source(%dma_start3A_549 : memref<80xi32, #tpu.memory_space<hbm>>) target(%arg13 : memref<80xi32, #tpu.memory_space<vmem>>) target_semaphore(%arg26 : memref<!tpu.dma_semaphore, #tpu.memory_space<semaphore_mem>>)
      } else {
      }
      %add3A_460 = arith.constant 2 : i32
      %add3A_461 = arith.addi %add3A_452, %add3A_460 : i32
      %lt3A_462 = arith.constant 125 : i32
      %lt3A_463 = arith.cmpi slt, %add3A_461, %lt3A_462 : i32
      %convert_element_type3A_464 = arith.extui %lt3A_463 : i1 to i32
      %cond3A_465 = arith.constant 0 : i32
      %cond3A_466 = arith.cmpi ne, %convert_element_type3A_464, %cond3A_465 : i32
      scf.if %cond3A_466 {
        %dma_wait3A_538 = arith.constant 0 : i32
        %dma_wait3A_539 = tpu.memref_slice %arg2[%dma_wait3A_538] : memref<320000xi32, #tpu.memory_space<hbm>> -> memref<80xi32, #tpu.memory_space<hbm>>
        %dma_wait3A_540 = arith.constant 0 : i32
        %dma_wait3A_541 = tpu.memref_slice %arg2[%dma_wait3A_540] : memref<320000xi32, #tpu.memory_space<hbm>> -> memref<80xi32, #tpu.memory_space<hbm>>
        tpu.wait_dma2 semaphore(%arg25 : memref<!tpu.dma_semaphore, #tpu.memory_space<semaphore_mem>>) src(%dma_wait3A_541 : memref<80xi32, #tpu.memory_space<hbm>>) dst(%arg12 : memref<80xi32, #tpu.memory_space<vmem>>)
        %dma_wait3A_542 = arith.constant 0 : i32
        %dma_wait3A_543 = tpu.memref_slice %arg3[%dma_wait3A_542] : memref<320000xi32, #tpu.memory_space<hbm>> -> memref<80xi32, #tpu.memory_space<hbm>>
        %dma_wait3A_544 = arith.constant 0 : i32
        %dma_wait3A_545 = tpu.memref_slice %arg3[%dma_wait3A_544] : memref<320000xi32, #tpu.memory_space<hbm>> -> memref<80xi32, #tpu.memory_space<hbm>>
        tpu.wait_dma2 semaphore(%arg29 : memref<!tpu.dma_semaphore, #tpu.memory_space<semaphore_mem>>) src(%dma_wait3A_545 : memref<80xi32, #tpu.memory_space<hbm>>) dst(%arg16 : memref<80xi32, #tpu.memory_space<vmem>>)
        %dma_start3A_546 = arith.constant 0 : i32
        %dma_start3A_547 = arith.constant 0 : i32
        %dma_start3A_548 = tpu.memref_slice %arg4[%dma_start3A_546, %dma_start3A_547] : memref<10000x128xf32, #tpu.memory_space<hbm>> -> memref<10000x128xf32, #tpu.memory_space<hbm>>
        tpu.enqueue_indirect_dma source(%dma_start3A_548 : memref<10000x128xf32, #tpu.memory_space<hbm>>) target(%arg19 : memref<80x128xf32, #tpu.memory_space<vmem>>) offsets(%arg12 : memref<80xi32, #tpu.memory_space<vmem>>) semaphore(%arg32 : memref<!tpu.dma_semaphore, #tpu.memory_space<semaphore_mem>>)
      } else {
      }
      %get3A_467 = arith.constant 0 : index
      %get3A_468 = tpu.vector_load %arg14[%get3A_467] {strides = array<i32>} : memref<80xi32, #tpu.memory_space<vmem>>, vector<16xi32>,
      tpu.vector_store_idx %arg20[%get3A_468], %broadcast_in_dim3A_7 {add = true} : memref<10064xf32, #tpu.memory_space<vmem>>[vector<16xi32>], vector<16xf32>,
      %get3A_469 = arith.constant 16 : index
      %get3A_470 = tpu.vector_load %arg14[%get3A_469] {strides = array<i32>} : memref<80xi32, #tpu.memory_space<vmem>>, vector<16xi32>,
      tpu.vector_store_idx %arg20[%get3A_470], %broadcast_in_dim3A_7 {add = true} : memref<10064xf32, #tpu.memory_space<vmem>>[vector<16xi32>], vector<16xf32>,
      %get3A_471 = arith.constant 32 : index
      %get3A_472 = tpu.vector_load %arg14[%get3A_471] {strides = array<i32>} : memref<80xi32, #tpu.memory_space<vmem>>, vector<16xi32>,
      tpu.vector_store_idx %arg20[%get3A_472], %broadcast_in_dim3A_7 {add = true} : memref<10064xf32, #tpu.memory_space<vmem>>[vector<16xi32>], vector<16xf32>,
      %get3A_473 = arith.constant 48 : index
      %get3A_474 = tpu.vector_load %arg14[%get3A_473] {strides = array<i32>} : memref<80xi32, #tpu.memory_space<vmem>>, vector<16xi32>,
      tpu.vector_store_idx %arg20[%get3A_474], %broadcast_in_dim3A_7 {add = true} : memref<10064xf32, #tpu.memory_space<vmem>>[vector<16xi32>], vector<16xf32>,
      %get3A_475 = arith.constant 64 : index
      %get3A_476 = tpu.vector_load %arg14[%get3A_475] {strides = array<i32>} : memref<80xi32, #tpu.memory_space<vmem>>, vector<16xi32>,
      tpu.vector_store_idx %arg20[%get3A_476], %broadcast_in_dim3A_7 {add = true} : memref<10064xf32, #tpu.memory_space<vmem>>[vector<16xi32>], vector<16xf32>,
      %dma_wait3A_477 = arith.constant 0 : i32
      %dma_wait3A_478 = arith.constant 0 : i32
      %dma_wait3A_479 = tpu.memref_slice %arg4[%dma_wait3A_477, %dma_wait3A_478] : memref<10000x128xf32, #tpu.memory_space<hbm>> -> memref<10000x128xf32, #tpu.memory_space<hbm>>
      tpu.wait_indirect_dma semaphore(%arg30 : memref<!tpu.dma_semaphore, #tpu.memory_space<semaphore_mem>>) src(%dma_wait3A_479 : memref<10000x128xf32, #tpu.memory_space<hbm>>) dst(%arg17 : memref<80x128xf32, #tpu.memory_space<vmem>>)
      "tpu.region"() ({
        %run_scoped3A = tpu.sem_alloc : memref<!tpu.dma_semaphore, #tpu.memory_space<semaphore_mem>>
        %dma_start3A_538 = arith.constant 0 : i32
        %dma_start3A_539 = arith.constant 0 : i32
        %dma_start3A_540 = tpu.memref_slice %arg21[%dma_start3A_538, %dma_start3A_539] : memref<10064x128xf32, #tpu.memory_space<vmem_shared>> -> memref<10064x128xf32, #tpu.memory_space<vmem_shared>>
        tpu.enqueue_indirect_dma source(%arg17 : memref<80x128xf32, #tpu.memory_space<vmem>>) target(%dma_start3A_540 : memref<10064x128xf32, #tpu.memory_space<vmem_shared>>) offsets(%arg14 : memref<80xi32, #tpu.memory_space<vmem>>) semaphore(%run_scoped3A : memref<!tpu.dma_semaphore, #tpu.memory_space<semaphore_mem>>) {add = true}
        %dma_wait3A_541 = arith.constant 0 : i32
        %dma_wait3A_542 = arith.constant 0 : i32
        %dma_wait3A_543 = tpu.memref_slice %arg21[%dma_wait3A_541, %dma_wait3A_542] : memref<10064x128xf32, #tpu.memory_space<vmem_shared>> -> memref<10064x128xf32, #tpu.memory_space<vmem_shared>>
        tpu.wait_indirect_dma semaphore(%run_scoped3A : memref<!tpu.dma_semaphore, #tpu.memory_space<semaphore_mem>>) src(%arg17 : memref<80x128xf32, #tpu.memory_space<vmem>>) dst(%dma_wait3A_543 : memref<10064x128xf32, #tpu.memory_space<vmem_shared>>)
        tpu.yield
      }) : () -> ()
      %add3A_480 = arith.constant 10 : i32
      %add3A_481 = arith.addi %mul3A_189, %add3A_480 : i32
      %add3A_482 = arith.constant 3 : i32
      %add3A_483 = arith.addi %add3A_481, %add3A_482 : i32
      %lt3A_484 = arith.constant 125 : i32
      %lt3A_485 = arith.cmpi slt, %add3A_483, %lt3A_484 : i32
      %convert_element_type3A_486 = arith.extui %lt3A_485 : i1 to i32
      %cond3A_487 = arith.constant 0 : i32
      %cond3A_488 = arith.cmpi ne, %convert_element_type3A_486, %cond3A_487 : i32
      scf.if %cond3A_488 {
        %add3A_538 = arith.constant 3 : i32
        %add3A_539 = arith.addi %add3A_481, %add3A_538 : i32
        %mul3A_540 = arith.constant 10000 : i32
        %mul3A_541 = arith.muli %add3A, %mul3A_540 : i32
        %mul3A_542 = arith.constant 80 : i32
        %mul3A_543 = arith.muli %add3A_539, %mul3A_542 : i32
        %add3A_544 = arith.addi %mul3A_541, %mul3A_543 : i32
        %multiple_of3A_545 = tpu.assume_multiple %add3A_544, 8 : i32
        %dma_start3A_546 = tpu.memref_slice %arg2[%multiple_of3A_545] : memref<320000xi32, #tpu.memory_space<hbm>> -> memref<80xi32, #tpu.memory_space<hbm>>
        %dma_start3A_547 = tpu.memref_slice %arg2[%multiple_of3A_545] : memref<320000xi32, #tpu.memory_space<hbm>> -> memref<80xi32, #tpu.memory_space<hbm>>
        tpu.enqueue_dma source(%dma_start3A_547 : memref<80xi32, #tpu.memory_space<hbm>>) target(%arg10 : memref<80xi32, #tpu.memory_space<vmem>>) target_semaphore(%arg23 : memref<!tpu.dma_semaphore, #tpu.memory_space<semaphore_mem>>)
        %dma_start3A_548 = tpu.memref_slice %arg3[%multiple_of3A_545] : memref<320000xi32, #tpu.memory_space<hbm>> -> memref<80xi32, #tpu.memory_space<hbm>>
        %dma_start3A_549 = tpu.memref_slice %arg3[%multiple_of3A_545] : memref<320000xi32, #tpu.memory_space<hbm>> -> memref<80xi32, #tpu.memory_space<hbm>>
        tpu.enqueue_dma source(%dma_start3A_549 : memref<80xi32, #tpu.memory_space<hbm>>) target(%arg14 : memref<80xi32, #tpu.memory_space<vmem>>) target_semaphore(%arg27 : memref<!tpu.dma_semaphore, #tpu.memory_space<semaphore_mem>>)
      } else {
      }
      %add3A_489 = arith.constant 2 : i32
      %add3A_490 = arith.addi %add3A_481, %add3A_489 : i32
      %lt3A_491 = arith.constant 125 : i32
      %lt3A_492 = arith.cmpi slt, %add3A_490, %lt3A_491 : i32
      %convert_element_type3A_493 = arith.extui %lt3A_492 : i1 to i32
      %cond3A_494 = arith.constant 0 : i32
      %cond3A_495 = arith.cmpi ne, %convert_element_type3A_493, %cond3A_494 : i32
      scf.if %cond3A_495 {
        %dma_wait3A_538 = arith.constant 0 : i32
        %dma_wait3A_539 = tpu.memref_slice %arg2[%dma_wait3A_538] : memref<320000xi32, #tpu.memory_space<hbm>> -> memref<80xi32, #tpu.memory_space<hbm>>
        %dma_wait3A_540 = arith.constant 0 : i32
        %dma_wait3A_541 = tpu.memref_slice %arg2[%dma_wait3A_540] : memref<320000xi32, #tpu.memory_space<hbm>> -> memref<80xi32, #tpu.memory_space<hbm>>
        tpu.wait_dma2 semaphore(%arg22 : memref<!tpu.dma_semaphore, #tpu.memory_space<semaphore_mem>>) src(%dma_wait3A_541 : memref<80xi32, #tpu.memory_space<hbm>>) dst(%arg9 : memref<80xi32, #tpu.memory_space<vmem>>)
        %dma_wait3A_542 = arith.constant 0 : i32
        %dma_wait3A_543 = tpu.memref_slice %arg3[%dma_wait3A_542] : memref<320000xi32, #tpu.memory_space<hbm>> -> memref<80xi32, #tpu.memory_space<hbm>>
        %dma_wait3A_544 = arith.constant 0 : i32
        %dma_wait3A_545 = tpu.memref_slice %arg3[%dma_wait3A_544] : memref<320000xi32, #tpu.memory_space<hbm>> -> memref<80xi32, #tpu.memory_space<hbm>>
        tpu.wait_dma2 semaphore(%arg26 : memref<!tpu.dma_semaphore, #tpu.memory_space<semaphore_mem>>) src(%dma_wait3A_545 : memref<80xi32, #tpu.memory_space<hbm>>) dst(%arg13 : memref<80xi32, #tpu.memory_space<vmem>>)
        %dma_start3A_546 = arith.constant 0 : i32
        %dma_start3A_547 = arith.constant 0 : i32
        %dma_start3A_548 = tpu.memref_slice %arg4[%dma_start3A_546, %dma_start3A_547] : memref<10000x128xf32, #tpu.memory_space<hbm>> -> memref<10000x128xf32, #tpu.memory_space<hbm>>
        tpu.enqueue_indirect_dma source(%dma_start3A_548 : memref<10000x128xf32, #tpu.memory_space<hbm>>) target(%arg17 : memref<80x128xf32, #tpu.memory_space<vmem>>) offsets(%arg9 : memref<80xi32, #tpu.memory_space<vmem>>) semaphore(%arg30 : memref<!tpu.dma_semaphore, #tpu.memory_space<semaphore_mem>>)
      } else {
      }
      %get3A_496 = arith.constant 0 : index
      %get3A_497 = tpu.vector_load %arg15[%get3A_496] {strides = array<i32>} : memref<80xi32, #tpu.memory_space<vmem>>, vector<16xi32>,
      tpu.vector_store_idx %arg20[%get3A_497], %broadcast_in_dim3A_7 {add = true} : memref<10064xf32, #tpu.memory_space<vmem>>[vector<16xi32>], vector<16xf32>,
      %get3A_498 = arith.constant 16 : index
      %get3A_499 = tpu.vector_load %arg15[%get3A_498] {strides = array<i32>} : memref<80xi32, #tpu.memory_space<vmem>>, vector<16xi32>,
      tpu.vector_store_idx %arg20[%get3A_499], %broadcast_in_dim3A_7 {add = true} : memref<10064xf32, #tpu.memory_space<vmem>>[vector<16xi32>], vector<16xf32>,
      %get3A_500 = arith.constant 32 : index
      %get3A_501 = tpu.vector_load %arg15[%get3A_500] {strides = array<i32>} : memref<80xi32, #tpu.memory_space<vmem>>, vector<16xi32>,
      tpu.vector_store_idx %arg20[%get3A_501], %broadcast_in_dim3A_7 {add = true} : memref<10064xf32, #tpu.memory_space<vmem>>[vector<16xi32>], vector<16xf32>,
      %get3A_502 = arith.constant 48 : index
      %get3A_503 = tpu.vector_load %arg15[%get3A_502] {strides = array<i32>} : memref<80xi32, #tpu.memory_space<vmem>>, vector<16xi32>,
      tpu.vector_store_idx %arg20[%get3A_503], %broadcast_in_dim3A_7 {add = true} : memref<10064xf32, #tpu.memory_space<vmem>>[vector<16xi32>], vector<16xf32>,
      %get3A_504 = arith.constant 64 : index
      %get3A_505 = tpu.vector_load %arg15[%get3A_504] {strides = array<i32>} : memref<80xi32, #tpu.memory_space<vmem>>, vector<16xi32>,
      tpu.vector_store_idx %arg20[%get3A_505], %broadcast_in_dim3A_7 {add = true} : memref<10064xf32, #tpu.memory_space<vmem>>[vector<16xi32>], vector<16xf32>,
      %dma_wait3A_506 = arith.constant 0 : i32
      %dma_wait3A_507 = arith.constant 0 : i32
      %dma_wait3A_508 = tpu.memref_slice %arg4[%dma_wait3A_506, %dma_wait3A_507] : memref<10000x128xf32, #tpu.memory_space<hbm>> -> memref<10000x128xf32, #tpu.memory_space<hbm>>
      tpu.wait_indirect_dma semaphore(%arg31 : memref<!tpu.dma_semaphore, #tpu.memory_space<semaphore_mem>>) src(%dma_wait3A_508 : memref<10000x128xf32, #tpu.memory_space<hbm>>) dst(%arg18 : memref<80x128xf32, #tpu.memory_space<vmem>>)
      "tpu.region"() ({
        %run_scoped3A = tpu.sem_alloc : memref<!tpu.dma_semaphore, #tpu.memory_space<semaphore_mem>>
        %dma_start3A_538 = arith.constant 0 : i32
        %dma_start3A_539 = arith.constant 0 : i32
        %dma_start3A_540 = tpu.memref_slice %arg21[%dma_start3A_538, %dma_start3A_539] : memref<10064x128xf32, #tpu.memory_space<vmem_shared>> -> memref<10064x128xf32, #tpu.memory_space<vmem_shared>>
        tpu.enqueue_indirect_dma source(%arg18 : memref<80x128xf32, #tpu.memory_space<vmem>>) target(%dma_start3A_540 : memref<10064x128xf32, #tpu.memory_space<vmem_shared>>) offsets(%arg15 : memref<80xi32, #tpu.memory_space<vmem>>) semaphore(%run_scoped3A : memref<!tpu.dma_semaphore, #tpu.memory_space<semaphore_mem>>) {add = true}
        %dma_wait3A_541 = arith.constant 0 : i32
        %dma_wait3A_542 = arith.constant 0 : i32
        %dma_wait3A_543 = tpu.memref_slice %arg21[%dma_wait3A_541, %dma_wait3A_542] : memref<10064x128xf32, #tpu.memory_space<vmem_shared>> -> memref<10064x128xf32, #tpu.memory_space<vmem_shared>>
        tpu.wait_indirect_dma semaphore(%run_scoped3A : memref<!tpu.dma_semaphore, #tpu.memory_space<semaphore_mem>>) src(%arg18 : memref<80x128xf32, #tpu.memory_space<vmem>>) dst(%dma_wait3A_543 : memref<10064x128xf32, #tpu.memory_space<vmem_shared>>)
        tpu.yield
      }) : () -> ()
      %add3A_509 = arith.constant 11 : i32
      %add3A_510 = arith.addi %mul3A_189, %add3A_509 : i32
      %add3A_511 = arith.constant 3 : i32
      %add3A_512 = arith.addi %add3A_510, %add3A_511 : i32
      %lt3A_513 = arith.constant 125 : i32
      %lt3A_514 = arith.cmpi slt, %add3A_512, %lt3A_513 : i32
      %convert_element_type3A_515 = arith.extui %lt3A_514 : i1 to i32
      %cond3A_516 = arith.constant 0 : i32
      %cond3A_517 = arith.cmpi ne, %convert_element_type3A_515, %cond3A_516 : i32
      scf.if %cond3A_517 {
        %add3A_538 = arith.constant 3 : i32
        %add3A_539 = arith.addi %add3A_510, %add3A_538 : i32
        %mul3A_540 = arith.constant 10000 : i32
        %mul3A_541 = arith.muli %add3A, %mul3A_540 : i32
        %mul3A_542 = arith.constant 80 : i32
        %mul3A_543 = arith.muli %add3A_539, %mul3A_542 : i32
        %add3A_544 = arith.addi %mul3A_541, %mul3A_543 : i32
        %multiple_of3A_545 = tpu.assume_multiple %add3A_544, 8 : i32
        %dma_start3A_546 = tpu.memref_slice %arg2[%multiple_of3A_545] : memref<320000xi32, #tpu.memory_space<hbm>> -> memref<80xi32, #tpu.memory_space<hbm>>
        %dma_start3A_547 = tpu.memref_slice %arg2[%multiple_of3A_545] : memref<320000xi32, #tpu.memory_space<hbm>> -> memref<80xi32, #tpu.memory_space<hbm>>
        tpu.enqueue_dma source(%dma_start3A_547 : memref<80xi32, #tpu.memory_space<hbm>>) target(%arg11 : memref<80xi32, #tpu.memory_space<vmem>>) target_semaphore(%arg24 : memref<!tpu.dma_semaphore, #tpu.memory_space<semaphore_mem>>)
        %dma_start3A_548 = tpu.memref_slice %arg3[%multiple_of3A_545] : memref<320000xi32, #tpu.memory_space<hbm>> -> memref<80xi32, #tpu.memory_space<hbm>>
        %dma_start3A_549 = tpu.memref_slice %arg3[%multiple_of3A_545] : memref<320000xi32, #tpu.memory_space<hbm>> -> memref<80xi32, #tpu.memory_space<hbm>>
        tpu.enqueue_dma source(%dma_start3A_549 : memref<80xi32, #tpu.memory_space<hbm>>) target(%arg15 : memref<80xi32, #tpu.memory_space<vmem>>) target_semaphore(%arg28 : memref<!tpu.dma_semaphore, #tpu.memory_space<semaphore_mem>>)
      } else {
      }
      %add3A_518 = arith.constant 2 : i32
      %add3A_519 = arith.addi %add3A_510, %add3A_518 : i32
      %lt3A_520 = arith.constant 125 : i32
      %lt3A_521 = arith.cmpi slt, %add3A_519, %lt3A_520 : i32
      %convert_element_type3A_522 = arith.extui %lt3A_521 : i1 to i32
      %cond3A_523 = arith.constant 0 : i32
      %cond3A_524 = arith.cmpi ne, %convert_element_type3A_522, %cond3A_523 : i32
      scf.if %cond3A_524 {
        %dma_wait3A_538 = arith.constant 0 : i32
        %dma_wait3A_539 = tpu.memref_slice %arg2[%dma_wait3A_538] : memref<320000xi32, #tpu.memory_space<hbm>> -> memref<80xi32, #tpu.memory_space<hbm>>
        %dma_wait3A_540 = arith.constant 0 : i32
        %dma_wait3A_541 = tpu.memref_slice %arg2[%dma_wait3A_540] : memref<320000xi32, #tpu.memory_space<hbm>> -> memref<80xi32, #tpu.memory_space<hbm>>
        tpu.wait_dma2 semaphore(%arg23 : memref<!tpu.dma_semaphore, #tpu.memory_space<semaphore_mem>>) src(%dma_wait3A_541 : memref<80xi32, #tpu.memory_space<hbm>>) dst(%arg10 : memref<80xi32, #tpu.memory_space<vmem>>)
        %dma_wait3A_542 = arith.constant 0 : i32
        %dma_wait3A_543 = tpu.memref_slice %arg3[%dma_wait3A_542] : memref<320000xi32, #tpu.memory_space<hbm>> -> memref<80xi32, #tpu.memory_space<hbm>>
        %dma_wait3A_544 = arith.constant 0 : i32
        %dma_wait3A_545 = tpu.memref_slice %arg3[%dma_wait3A_544] : memref<320000xi32, #tpu.memory_space<hbm>> -> memref<80xi32, #tpu.memory_space<hbm>>
        tpu.wait_dma2 semaphore(%arg27 : memref<!tpu.dma_semaphore, #tpu.memory_space<semaphore_mem>>) src(%dma_wait3A_545 : memref<80xi32, #tpu.memory_space<hbm>>) dst(%arg14 : memref<80xi32, #tpu.memory_space<vmem>>)
        %dma_start3A_546 = arith.constant 0 : i32
        %dma_start3A_547 = arith.constant 0 : i32
        %dma_start3A_548 = tpu.memref_slice %arg4[%dma_start3A_546, %dma_start3A_547] : memref<10000x128xf32, #tpu.memory_space<hbm>> -> memref<10000x128xf32, #tpu.memory_space<hbm>>
        tpu.enqueue_indirect_dma source(%dma_start3A_548 : memref<10000x128xf32, #tpu.memory_space<hbm>>) target(%arg18 : memref<80x128xf32, #tpu.memory_space<vmem>>) offsets(%arg10 : memref<80xi32, #tpu.memory_space<vmem>>) semaphore(%arg31 : memref<!tpu.dma_semaphore, #tpu.memory_space<semaphore_mem>>)
      } else {
      }
      %get3A_525 = arith.constant 0 : index
      %get3A_526 = tpu.vector_load %arg16[%get3A_525] {strides = array<i32>} : memref<80xi32, #tpu.memory_space<vmem>>, vector<16xi32>,
      tpu.vector_store_idx %arg20[%get3A_526], %broadcast_in_dim3A_7 {add = true} : memref<10064xf32, #tpu.memory_space<vmem>>[vector<16xi32>], vector<16xf32>,
      %get3A_527 = arith.constant 16 : index
      %get3A_528 = tpu.vector_load %arg16[%get3A_527] {strides = array<i32>} : memref<80xi32, #tpu.memory_space<vmem>>, vector<16xi32>,
      tpu.vector_store_idx %arg20[%get3A_528], %broadcast_in_dim3A_7 {add = true} : memref<10064xf32, #tpu.memory_space<vmem>>[vector<16xi32>], vector<16xf32>,
      %get3A_529 = arith.constant 32 : index
      %get3A_530 = tpu.vector_load %arg16[%get3A_529] {strides = array<i32>} : memref<80xi32, #tpu.memory_space<vmem>>, vector<16xi32>,
      tpu.vector_store_idx %arg20[%get3A_530], %broadcast_in_dim3A_7 {add = true} : memref<10064xf32, #tpu.memory_space<vmem>>[vector<16xi32>], vector<16xf32>,
      %get3A_531 = arith.constant 48 : index
      %get3A_532 = tpu.vector_load %arg16[%get3A_531] {strides = array<i32>} : memref<80xi32, #tpu.memory_space<vmem>>, vector<16xi32>,
      tpu.vector_store_idx %arg20[%get3A_532], %broadcast_in_dim3A_7 {add = true} : memref<10064xf32, #tpu.memory_space<vmem>>[vector<16xi32>], vector<16xf32>,
      %get3A_533 = arith.constant 64 : index
      %get3A_534 = tpu.vector_load %arg16[%get3A_533] {strides = array<i32>} : memref<80xi32, #tpu.memory_space<vmem>>, vector<16xi32>,
      tpu.vector_store_idx %arg20[%get3A_534], %broadcast_in_dim3A_7 {add = true} : memref<10064xf32, #tpu.memory_space<vmem>>[vector<16xi32>], vector<16xf32>,
      %dma_wait3A_535 = arith.constant 0 : i32
      %dma_wait3A_536 = arith.constant 0 : i32
      %dma_wait3A_537 = tpu.memref_slice %arg4[%dma_wait3A_535, %dma_wait3A_536] : memref<10000x128xf32, #tpu.memory_space<hbm>> -> memref<10000x128xf32, #tpu.memory_space<hbm>>
      tpu.wait_indirect_dma semaphore(%arg32 : memref<!tpu.dma_semaphore, #tpu.memory_space<semaphore_mem>>) src(%dma_wait3A_537 : memref<10000x128xf32, #tpu.memory_space<hbm>>) dst(%arg19 : memref<80x128xf32, #tpu.memory_space<vmem>>)
      "tpu.region"() ({
        %run_scoped3A = tpu.sem_alloc : memref<!tpu.dma_semaphore, #tpu.memory_space<semaphore_mem>>
        %dma_start3A_538 = arith.constant 0 : i32
        %dma_start3A_539 = arith.constant 0 : i32
        %dma_start3A_540 = tpu.memref_slice %arg21[%dma_start3A_538, %dma_start3A_539] : memref<10064x128xf32, #tpu.memory_space<vmem_shared>> -> memref<10064x128xf32, #tpu.memory_space<vmem_shared>>
        tpu.enqueue_indirect_dma source(%arg19 : memref<80x128xf32, #tpu.memory_space<vmem>>) target(%dma_start3A_540 : memref<10064x128xf32, #tpu.memory_space<vmem_shared>>) offsets(%arg16 : memref<80xi32, #tpu.memory_space<vmem>>) semaphore(%run_scoped3A : memref<!tpu.dma_semaphore, #tpu.memory_space<semaphore_mem>>) {add = true}
        %dma_wait3A_541 = arith.constant 0 : i32
        %dma_wait3A_542 = arith.constant 0 : i32
        %dma_wait3A_543 = tpu.memref_slice %arg21[%dma_wait3A_541, %dma_wait3A_542] : memref<10064x128xf32, #tpu.memory_space<vmem_shared>> -> memref<10064x128xf32, #tpu.memory_space<vmem_shared>>
        tpu.wait_indirect_dma semaphore(%run_scoped3A : memref<!tpu.dma_semaphore, #tpu.memory_space<semaphore_mem>>) src(%arg19 : memref<80x128xf32, #tpu.memory_space<vmem>>) dst(%dma_wait3A_543 : memref<10064x128xf32, #tpu.memory_space<vmem_shared>>)
        tpu.yield
      }) : () -> ()
    }
    %scan3A_58 = arith.constant 10 : i32
    %mul3A_59 = arith.constant 10000 : i32
    %mul3A_60 = arith.muli %add3A, %mul3A_59 : i32
    %add3A_61 = arith.constant 9840 : i32
    %add3A_62 = arith.addi %mul3A_60, %add3A_61 : i32
    %multiple_of3A_63 = tpu.assume_multiple %add3A_62, 8 : i32
    %dma_start3A_64 = tpu.memref_slice %arg2[%multiple_of3A_63] : memref<320000xi32, #tpu.memory_space<hbm>> -> memref<80xi32, #tpu.memory_space<hbm>>
    %dma_start3A_65 = tpu.memref_slice %arg2[%multiple_of3A_63] : memref<320000xi32, #tpu.memory_space<hbm>> -> memref<80xi32, #tpu.memory_space<hbm>>
    tpu.enqueue_dma source(%dma_start3A_65 : memref<80xi32, #tpu.memory_space<hbm>>) target(%arg12 : memref<80xi32, #tpu.memory_space<vmem>>) target_semaphore(%arg25 : memref<!tpu.dma_semaphore, #tpu.memory_space<semaphore_mem>>)
    %dma_start3A_66 = tpu.memref_slice %arg3[%multiple_of3A_63] : memref<320000xi32, #tpu.memory_space<hbm>> -> memref<80xi32, #tpu.memory_space<hbm>>
    %dma_start3A_67 = tpu.memref_slice %arg3[%multiple_of3A_63] : memref<320000xi32, #tpu.memory_space<hbm>> -> memref<80xi32, #tpu.memory_space<hbm>>
    tpu.enqueue_dma source(%dma_start3A_67 : memref<80xi32, #tpu.memory_space<hbm>>) target(%arg16 : memref<80xi32, #tpu.memory_space<vmem>>) target_semaphore(%arg29 : memref<!tpu.dma_semaphore, #tpu.memory_space<semaphore_mem>>)
    %dma_wait3A_68 = arith.constant 0 : i32
    %dma_wait3A_69 = tpu.memref_slice %arg2[%dma_wait3A_68] : memref<320000xi32, #tpu.memory_space<hbm>> -> memref<80xi32, #tpu.memory_space<hbm>>
    %dma_wait3A_70 = arith.constant 0 : i32
    %dma_wait3A_71 = tpu.memref_slice %arg2[%dma_wait3A_70] : memref<320000xi32, #tpu.memory_space<hbm>> -> memref<80xi32, #tpu.memory_space<hbm>>
    tpu.wait_dma2 semaphore(%arg24 : memref<!tpu.dma_semaphore, #tpu.memory_space<semaphore_mem>>) src(%dma_wait3A_71 : memref<80xi32, #tpu.memory_space<hbm>>) dst(%arg11 : memref<80xi32, #tpu.memory_space<vmem>>)
    %dma_wait3A_72 = arith.constant 0 : i32
    %dma_wait3A_73 = tpu.memref_slice %arg3[%dma_wait3A_72] : memref<320000xi32, #tpu.memory_space<hbm>> -> memref<80xi32, #tpu.memory_space<hbm>>
    %dma_wait3A_74 = arith.constant 0 : i32
    %dma_wait3A_75 = tpu.memref_slice %arg3[%dma_wait3A_74] : memref<320000xi32, #tpu.memory_space<hbm>> -> memref<80xi32, #tpu.memory_space<hbm>>
    tpu.wait_dma2 semaphore(%arg28 : memref<!tpu.dma_semaphore, #tpu.memory_space<semaphore_mem>>) src(%dma_wait3A_75 : memref<80xi32, #tpu.memory_space<hbm>>) dst(%arg15 : memref<80xi32, #tpu.memory_space<vmem>>)
    %dma_start3A_76 = arith.constant 0 : i32
    %dma_start3A_77 = arith.constant 0 : i32
    %dma_start3A_78 = tpu.memref_slice %arg4[%dma_start3A_76, %dma_start3A_77] : memref<10000x128xf32, #tpu.memory_space<hbm>> -> memref<10000x128xf32, #tpu.memory_space<hbm>>
    tpu.enqueue_indirect_dma source(%dma_start3A_78 : memref<10000x128xf32, #tpu.memory_space<hbm>>) target(%arg19 : memref<80x128xf32, #tpu.memory_space<vmem>>) offsets(%arg11 : memref<80xi32, #tpu.memory_space<vmem>>) semaphore(%arg32 : memref<!tpu.dma_semaphore, #tpu.memory_space<semaphore_mem>>)
    %get3A = arith.constant 0 : index
    %get3A_79 = tpu.vector_load %arg13[%get3A] {strides = array<i32>} : memref<80xi32, #tpu.memory_space<vmem>>, vector<16xi32>,
    tpu.vector_store_idx %arg20[%get3A_79], %broadcast_in_dim3A_7 {add = true} : memref<10064xf32, #tpu.memory_space<vmem>>[vector<16xi32>], vector<16xf32>,
    %get3A_80 = arith.constant 16 : index
    %get3A_81 = tpu.vector_load %arg13[%get3A_80] {strides = array<i32>} : memref<80xi32, #tpu.memory_space<vmem>>, vector<16xi32>,
    tpu.vector_store_idx %arg20[%get3A_81], %broadcast_in_dim3A_7 {add = true} : memref<10064xf32, #tpu.memory_space<vmem>>[vector<16xi32>], vector<16xf32>,
    %get3A_82 = arith.constant 32 : index
    %get3A_83 = tpu.vector_load %arg13[%get3A_82] {strides = array<i32>} : memref<80xi32, #tpu.memory_space<vmem>>, vector<16xi32>,
    tpu.vector_store_idx %arg20[%get3A_83], %broadcast_in_dim3A_7 {add = true} : memref<10064xf32, #tpu.memory_space<vmem>>[vector<16xi32>], vector<16xf32>,
    %get3A_84 = arith.constant 48 : index
    %get3A_85 = tpu.vector_load %arg13[%get3A_84] {strides = array<i32>} : memref<80xi32, #tpu.memory_space<vmem>>, vector<16xi32>,
    tpu.vector_store_idx %arg20[%get3A_85], %broadcast_in_dim3A_7 {add = true} : memref<10064xf32, #tpu.memory_space<vmem>>[vector<16xi32>], vector<16xf32>,
    %get3A_86 = arith.constant 64 : index
    %get3A_87 = tpu.vector_load %arg13[%get3A_86] {strides = array<i32>} : memref<80xi32, #tpu.memory_space<vmem>>, vector<16xi32>,
    tpu.vector_store_idx %arg20[%get3A_87], %broadcast_in_dim3A_7 {add = true} : memref<10064xf32, #tpu.memory_space<vmem>>[vector<16xi32>], vector<16xf32>,
    %dma_wait3A_88 = arith.constant 0 : i32
    %dma_wait3A_89 = arith.constant 0 : i32
    %dma_wait3A_90 = tpu.memref_slice %arg4[%dma_wait3A_88, %dma_wait3A_89] : memref<10000x128xf32, #tpu.memory_space<hbm>> -> memref<10000x128xf32, #tpu.memory_space<hbm>>
    tpu.wait_indirect_dma semaphore(%arg30 : memref<!tpu.dma_semaphore, #tpu.memory_space<semaphore_mem>>) src(%dma_wait3A_90 : memref<10000x128xf32, #tpu.memory_space<hbm>>) dst(%arg17 : memref<80x128xf32, #tpu.memory_space<vmem>>)
    "tpu.region"() ({
      %run_scoped3A = tpu.sem_alloc : memref<!tpu.dma_semaphore, #tpu.memory_space<semaphore_mem>>
      %dma_start3A_187 = arith.constant 0 : i32
      %dma_start3A_188 = arith.constant 0 : i32
      %dma_start3A_189 = tpu.memref_slice %arg21[%dma_start3A_187, %dma_start3A_188] : memref<10064x128xf32, #tpu.memory_space<vmem_shared>> -> memref<10064x128xf32, #tpu.memory_space<vmem_shared>>
      tpu.enqueue_indirect_dma source(%arg17 : memref<80x128xf32, #tpu.memory_space<vmem>>) target(%dma_start3A_189 : memref<10064x128xf32, #tpu.memory_space<vmem_shared>>) offsets(%arg13 : memref<80xi32, #tpu.memory_space<vmem>>) semaphore(%run_scoped3A : memref<!tpu.dma_semaphore, #tpu.memory_space<semaphore_mem>>) {add = true}
      %dma_wait3A_190 = arith.constant 0 : i32
      %dma_wait3A_191 = arith.constant 0 : i32
      %dma_wait3A_192 = tpu.memref_slice %arg21[%dma_wait3A_190, %dma_wait3A_191] : memref<10064x128xf32, #tpu.memory_space<vmem_shared>> -> memref<10064x128xf32, #tpu.memory_space<vmem_shared>>
      tpu.wait_indirect_dma semaphore(%run_scoped3A : memref<!tpu.dma_semaphore, #tpu.memory_space<semaphore_mem>>) src(%arg17 : memref<80x128xf32, #tpu.memory_space<vmem>>) dst(%dma_wait3A_192 : memref<10064x128xf32, #tpu.memory_space<vmem_shared>>)
      tpu.yield
    }) : () -> ()
    %mul3A_91 = arith.constant 10000 : i32
    %mul3A_92 = arith.muli %add3A, %mul3A_91 : i32
    %add3A_93 = arith.constant 9920 : i32
    %add3A_94 = arith.addi %mul3A_92, %add3A_93 : i32
    %multiple_of3A_95 = tpu.assume_multiple %add3A_94, 8 : i32
    %dma_start3A_96 = tpu.memref_slice %arg2[%multiple_of3A_95] : memref<320000xi32, #tpu.memory_space<hbm>> -> memref<80xi32, #tpu.memory_space<hbm>>
    %dma_start3A_97 = tpu.memref_slice %arg2[%multiple_of3A_95] : memref<320000xi32, #tpu.memory_space<hbm>> -> memref<80xi32, #tpu.memory_space<hbm>>
    tpu.enqueue_dma source(%dma_start3A_97 : memref<80xi32, #tpu.memory_space<hbm>>) target(%arg9 : memref<80xi32, #tpu.memory_space<vmem>>) target_semaphore(%arg22 : memref<!tpu.dma_semaphore, #tpu.memory_space<semaphore_mem>>)
    %dma_start3A_98 = tpu.memref_slice %arg3[%multiple_of3A_95] : memref<320000xi32, #tpu.memory_space<hbm>> -> memref<80xi32, #tpu.memory_space<hbm>>
    %dma_start3A_99 = tpu.memref_slice %arg3[%multiple_of3A_95] : memref<320000xi32, #tpu.memory_space<hbm>> -> memref<80xi32, #tpu.memory_space<hbm>>
    tpu.enqueue_dma source(%dma_start3A_99 : memref<80xi32, #tpu.memory_space<hbm>>) target(%arg13 : memref<80xi32, #tpu.memory_space<vmem>>) target_semaphore(%arg26 : memref<!tpu.dma_semaphore, #tpu.memory_space<semaphore_mem>>)
    %dma_wait3A_100 = arith.constant 0 : i32
    %dma_wait3A_101 = tpu.memref_slice %arg2[%dma_wait3A_100] : memref<320000xi32, #tpu.memory_space<hbm>> -> memref<80xi32, #tpu.memory_space<hbm>>
    %dma_wait3A_102 = arith.constant 0 : i32
    %dma_wait3A_103 = tpu.memref_slice %arg2[%dma_wait3A_102] : memref<320000xi32, #tpu.memory_space<hbm>> -> memref<80xi32, #tpu.memory_space<hbm>>
    tpu.wait_dma2 semaphore(%arg25 : memref<!tpu.dma_semaphore, #tpu.memory_space<semaphore_mem>>) src(%dma_wait3A_103 : memref<80xi32, #tpu.memory_space<hbm>>) dst(%arg12 : memref<80xi32, #tpu.memory_space<vmem>>)
    %dma_wait3A_104 = arith.constant 0 : i32
    %dma_wait3A_105 = tpu.memref_slice %arg3[%dma_wait3A_104] : memref<320000xi32, #tpu.memory_space<hbm>> -> memref<80xi32, #tpu.memory_space<hbm>>
    %dma_wait3A_106 = arith.constant 0 : i32
    %dma_wait3A_107 = tpu.memref_slice %arg3[%dma_wait3A_106] : memref<320000xi32, #tpu.memory_space<hbm>> -> memref<80xi32, #tpu.memory_space<hbm>>
    tpu.wait_dma2 semaphore(%arg29 : memref<!tpu.dma_semaphore, #tpu.memory_space<semaphore_mem>>) src(%dma_wait3A_107 : memref<80xi32, #tpu.memory_space<hbm>>) dst(%arg16 : memref<80xi32, #tpu.memory_space<vmem>>)
    %dma_start3A_108 = arith.constant 0 : i32
    %dma_start3A_109 = arith.constant 0 : i32
    %dma_start3A_110 = tpu.memref_slice %arg4[%dma_start3A_108, %dma_start3A_109] : memref<10000x128xf32, #tpu.memory_space<hbm>> -> memref<10000x128xf32, #tpu.memory_space<hbm>>
    tpu.enqueue_indirect_dma source(%dma_start3A_110 : memref<10000x128xf32, #tpu.memory_space<hbm>>) target(%arg17 : memref<80x128xf32, #tpu.memory_space<vmem>>) offsets(%arg12 : memref<80xi32, #tpu.memory_space<vmem>>) semaphore(%arg30 : memref<!tpu.dma_semaphore, #tpu.memory_space<semaphore_mem>>)
    %get3A_111 = arith.constant 0 : index
    %get3A_112 = tpu.vector_load %arg14[%get3A_111] {strides = array<i32>} : memref<80xi32, #tpu.memory_space<vmem>>, vector<16xi32>,
    tpu.vector_store_idx %arg20[%get3A_112], %broadcast_in_dim3A_7 {add = true} : memref<10064xf32, #tpu.memory_space<vmem>>[vector<16xi32>], vector<16xf32>,
    %get3A_113 = arith.constant 16 : index
    %get3A_114 = tpu.vector_load %arg14[%get3A_113] {strides = array<i32>} : memref<80xi32, #tpu.memory_space<vmem>>, vector<16xi32>,
    tpu.vector_store_idx %arg20[%get3A_114], %broadcast_in_dim3A_7 {add = true} : memref<10064xf32, #tpu.memory_space<vmem>>[vector<16xi32>], vector<16xf32>,
    %get3A_115 = arith.constant 32 : index
    %get3A_116 = tpu.vector_load %arg14[%get3A_115] {strides = array<i32>} : memref<80xi32, #tpu.memory_space<vmem>>, vector<16xi32>,
    tpu.vector_store_idx %arg20[%get3A_116], %broadcast_in_dim3A_7 {add = true} : memref<10064xf32, #tpu.memory_space<vmem>>[vector<16xi32>], vector<16xf32>,
    %get3A_117 = arith.constant 48 : index
    %get3A_118 = tpu.vector_load %arg14[%get3A_117] {strides = array<i32>} : memref<80xi32, #tpu.memory_space<vmem>>, vector<16xi32>,
    tpu.vector_store_idx %arg20[%get3A_118], %broadcast_in_dim3A_7 {add = true} : memref<10064xf32, #tpu.memory_space<vmem>>[vector<16xi32>], vector<16xf32>,
    %get3A_119 = arith.constant 64 : index
    %get3A_120 = tpu.vector_load %arg14[%get3A_119] {strides = array<i32>} : memref<80xi32, #tpu.memory_space<vmem>>, vector<16xi32>,
    tpu.vector_store_idx %arg20[%get3A_120], %broadcast_in_dim3A_7 {add = true} : memref<10064xf32, #tpu.memory_space<vmem>>[vector<16xi32>], vector<16xf32>,
    %dma_wait3A_121 = arith.constant 0 : i32
    %dma_wait3A_122 = arith.constant 0 : i32
    %dma_wait3A_123 = tpu.memref_slice %arg4[%dma_wait3A_121, %dma_wait3A_122] : memref<10000x128xf32, #tpu.memory_space<hbm>> -> memref<10000x128xf32, #tpu.memory_space<hbm>>
    tpu.wait_indirect_dma semaphore(%arg31 : memref<!tpu.dma_semaphore, #tpu.memory_space<semaphore_mem>>) src(%dma_wait3A_123 : memref<10000x128xf32, #tpu.memory_space<hbm>>) dst(%arg18 : memref<80x128xf32, #tpu.memory_space<vmem>>)
    "tpu.region"() ({
      %run_scoped3A = tpu.sem_alloc : memref<!tpu.dma_semaphore, #tpu.memory_space<semaphore_mem>>
      %dma_start3A_187 = arith.constant 0 : i32
      %dma_start3A_188 = arith.constant 0 : i32
      %dma_start3A_189 = tpu.memref_slice %arg21[%dma_start3A_187, %dma_start3A_188] : memref<10064x128xf32, #tpu.memory_space<vmem_shared>> -> memref<10064x128xf32, #tpu.memory_space<vmem_shared>>
      tpu.enqueue_indirect_dma source(%arg18 : memref<80x128xf32, #tpu.memory_space<vmem>>) target(%dma_start3A_189 : memref<10064x128xf32, #tpu.memory_space<vmem_shared>>) offsets(%arg14 : memref<80xi32, #tpu.memory_space<vmem>>) semaphore(%run_scoped3A : memref<!tpu.dma_semaphore, #tpu.memory_space<semaphore_mem>>) {add = true}
      %dma_wait3A_190 = arith.constant 0 : i32
      %dma_wait3A_191 = arith.constant 0 : i32
      %dma_wait3A_192 = tpu.memref_slice %arg21[%dma_wait3A_190, %dma_wait3A_191] : memref<10064x128xf32, #tpu.memory_space<vmem_shared>> -> memref<10064x128xf32, #tpu.memory_space<vmem_shared>>
      tpu.wait_indirect_dma semaphore(%run_scoped3A : memref<!tpu.dma_semaphore, #tpu.memory_space<semaphore_mem>>) src(%arg18 : memref<80x128xf32, #tpu.memory_space<vmem>>) dst(%dma_wait3A_192 : memref<10064x128xf32, #tpu.memory_space<vmem_shared>>)
      tpu.yield
    }) : () -> ()
    %dma_wait3A_124 = arith.constant 0 : i32
    %dma_wait3A_125 = tpu.memref_slice %arg2[%dma_wait3A_124] : memref<320000xi32, #tpu.memory_space<hbm>> -> memref<80xi32, #tpu.memory_space<hbm>>
    %dma_wait3A_126 = arith.constant 0 : i32
    %dma_wait3A_127 = tpu.memref_slice %arg2[%dma_wait3A_126] : memref<320000xi32, #tpu.memory_space<hbm>> -> memref<80xi32, #tpu.memory_space<hbm>>
    tpu.wait_dma2 semaphore(%arg22 : memref<!tpu.dma_semaphore, #tpu.memory_space<semaphore_mem>>) src(%dma_wait3A_127 : memref<80xi32, #tpu.memory_space<hbm>>) dst(%arg9 : memref<80xi32, #tpu.memory_space<vmem>>)
    %dma_wait3A_128 = arith.constant 0 : i32
    %dma_wait3A_129 = tpu.memref_slice %arg3[%dma_wait3A_128] : memref<320000xi32, #tpu.memory_space<hbm>> -> memref<80xi32, #tpu.memory_space<hbm>>
    %dma_wait3A_130 = arith.constant 0 : i32
    %dma_wait3A_131 = tpu.memref_slice %arg3[%dma_wait3A_130] : memref<320000xi32, #tpu.memory_space<hbm>> -> memref<80xi32, #tpu.memory_space<hbm>>
    tpu.wait_dma2 semaphore(%arg26 : memref<!tpu.dma_semaphore, #tpu.memory_space<semaphore_mem>>) src(%dma_wait3A_131 : memref<80xi32, #tpu.memory_space<hbm>>) dst(%arg13 : memref<80xi32, #tpu.memory_space<vmem>>)
    %dma_start3A_132 = arith.constant 0 : i32
    %dma_start3A_133 = arith.constant 0 : i32
    %dma_start3A_134 = tpu.memref_slice %arg4[%dma_start3A_132, %dma_start3A_133] : memref<10000x128xf32, #tpu.memory_space<hbm>> -> memref<10000x128xf32, #tpu.memory_space<hbm>>
    tpu.enqueue_indirect_dma source(%dma_start3A_134 : memref<10000x128xf32, #tpu.memory_space<hbm>>) target(%arg18 : memref<80x128xf32, #tpu.memory_space<vmem>>) offsets(%arg9 : memref<80xi32, #tpu.memory_space<vmem>>) semaphore(%arg31 : memref<!tpu.dma_semaphore, #tpu.memory_space<semaphore_mem>>)
    %get3A_135 = arith.constant 0 : index
    %get3A_136 = tpu.vector_load %arg15[%get3A_135] {strides = array<i32>} : memref<80xi32, #tpu.memory_space<vmem>>, vector<16xi32>,
    tpu.vector_store_idx %arg20[%get3A_136], %broadcast_in_dim3A_7 {add = true} : memref<10064xf32, #tpu.memory_space<vmem>>[vector<16xi32>], vector<16xf32>,
    %get3A_137 = arith.constant 16 : index
    %get3A_138 = tpu.vector_load %arg15[%get3A_137] {strides = array<i32>} : memref<80xi32, #tpu.memory_space<vmem>>, vector<16xi32>,
    tpu.vector_store_idx %arg20[%get3A_138], %broadcast_in_dim3A_7 {add = true} : memref<10064xf32, #tpu.memory_space<vmem>>[vector<16xi32>], vector<16xf32>,
    %get3A_139 = arith.constant 32 : index
    %get3A_140 = tpu.vector_load %arg15[%get3A_139] {strides = array<i32>} : memref<80xi32, #tpu.memory_space<vmem>>, vector<16xi32>,
    tpu.vector_store_idx %arg20[%get3A_140], %broadcast_in_dim3A_7 {add = true} : memref<10064xf32, #tpu.memory_space<vmem>>[vector<16xi32>], vector<16xf32>,
    %get3A_141 = arith.constant 48 : index
    %get3A_142 = tpu.vector_load %arg15[%get3A_141] {strides = array<i32>} : memref<80xi32, #tpu.memory_space<vmem>>, vector<16xi32>,
    tpu.vector_store_idx %arg20[%get3A_142], %broadcast_in_dim3A_7 {add = true} : memref<10064xf32, #tpu.memory_space<vmem>>[vector<16xi32>], vector<16xf32>,
    %get3A_143 = arith.constant 64 : index
    %get3A_144 = tpu.vector_load %arg15[%get3A_143] {strides = array<i32>} : memref<80xi32, #tpu.memory_space<vmem>>, vector<16xi32>,
    tpu.vector_store_idx %arg20[%get3A_144], %broadcast_in_dim3A_7 {add = true} : memref<10064xf32, #tpu.memory_space<vmem>>[vector<16xi32>], vector<16xf32>,
    %dma_wait3A_145 = arith.constant 0 : i32
    %dma_wait3A_146 = arith.constant 0 : i32
    %dma_wait3A_147 = tpu.memref_slice %arg4[%dma_wait3A_145, %dma_wait3A_146] : memref<10000x128xf32, #tpu.memory_space<hbm>> -> memref<10000x128xf32, #tpu.memory_space<hbm>>
    tpu.wait_indirect_dma semaphore(%arg32 : memref<!tpu.dma_semaphore, #tpu.memory_space<semaphore_mem>>) src(%dma_wait3A_147 : memref<10000x128xf32, #tpu.memory_space<hbm>>) dst(%arg19 : memref<80x128xf32, #tpu.memory_space<vmem>>)
    "tpu.region"() ({
      %run_scoped3A = tpu.sem_alloc : memref<!tpu.dma_semaphore, #tpu.memory_space<semaphore_mem>>
      %dma_start3A_187 = arith.constant 0 : i32
      %dma_start3A_188 = arith.constant 0 : i32
      %dma_start3A_189 = tpu.memref_slice %arg21[%dma_start3A_187, %dma_start3A_188] : memref<10064x128xf32, #tpu.memory_space<vmem_shared>> -> memref<10064x128xf32, #tpu.memory_space<vmem_shared>>
      tpu.enqueue_indirect_dma source(%arg19 : memref<80x128xf32, #tpu.memory_space<vmem>>) target(%dma_start3A_189 : memref<10064x128xf32, #tpu.memory_space<vmem_shared>>) offsets(%arg15 : memref<80xi32, #tpu.memory_space<vmem>>) semaphore(%run_scoped3A : memref<!tpu.dma_semaphore, #tpu.memory_space<semaphore_mem>>) {add = true}
      %dma_wait3A_190 = arith.constant 0 : i32
      %dma_wait3A_191 = arith.constant 0 : i32
      %dma_wait3A_192 = tpu.memref_slice %arg21[%dma_wait3A_190, %dma_wait3A_191] : memref<10064x128xf32, #tpu.memory_space<vmem_shared>> -> memref<10064x128xf32, #tpu.memory_space<vmem_shared>>
      tpu.wait_indirect_dma semaphore(%run_scoped3A : memref<!tpu.dma_semaphore, #tpu.memory_space<semaphore_mem>>) src(%arg19 : memref<80x128xf32, #tpu.memory_space<vmem>>) dst(%dma_wait3A_192 : memref<10064x128xf32, #tpu.memory_space<vmem_shared>>)
      tpu.yield
    }) : () -> ()
    %get3A_148 = arith.constant 0 : index
    %get3A_149 = tpu.vector_load %arg16[%get3A_148] {strides = array<i32>} : memref<80xi32, #tpu.memory_space<vmem>>, vector<16xi32>,
    tpu.vector_store_idx %arg20[%get3A_149], %broadcast_in_dim3A_7 {add = true} : memref<10064xf32, #tpu.memory_space<vmem>>[vector<16xi32>], vector<16xf32>,
    %get3A_150 = arith.constant 16 : index
    %get3A_151 = tpu.vector_load %arg16[%get3A_150] {strides = array<i32>} : memref<80xi32, #tpu.memory_space<vmem>>, vector<16xi32>,
    tpu.vector_store_idx %arg20[%get3A_151], %broadcast_in_dim3A_7 {add = true} : memref<10064xf32, #tpu.memory_space<vmem>>[vector<16xi32>], vector<16xf32>,
    %get3A_152 = arith.constant 32 : index
    %get3A_153 = tpu.vector_load %arg16[%get3A_152] {strides = array<i32>} : memref<80xi32, #tpu.memory_space<vmem>>, vector<16xi32>,
    tpu.vector_store_idx %arg20[%get3A_153], %broadcast_in_dim3A_7 {add = true} : memref<10064xf32, #tpu.memory_space<vmem>>[vector<16xi32>], vector<16xf32>,
    %get3A_154 = arith.constant 48 : index
    %get3A_155 = tpu.vector_load %arg16[%get3A_154] {strides = array<i32>} : memref<80xi32, #tpu.memory_space<vmem>>, vector<16xi32>,
    tpu.vector_store_idx %arg20[%get3A_155], %broadcast_in_dim3A_7 {add = true} : memref<10064xf32, #tpu.memory_space<vmem>>[vector<16xi32>], vector<16xf32>,
    %get3A_156 = arith.constant 64 : index
    %get3A_157 = tpu.vector_load %arg16[%get3A_156] {strides = array<i32>} : memref<80xi32, #tpu.memory_space<vmem>>, vector<16xi32>,
    tpu.vector_store_idx %arg20[%get3A_157], %broadcast_in_dim3A_7 {add = true} : memref<10064xf32, #tpu.memory_space<vmem>>[vector<16xi32>], vector<16xf32>,
    %dma_wait3A_158 = arith.constant 0 : i32
    %dma_wait3A_159 = arith.constant 0 : i32
    %dma_wait3A_160 = tpu.memref_slice %arg4[%dma_wait3A_158, %dma_wait3A_159] : memref<10000x128xf32, #tpu.memory_space<hbm>> -> memref<10000x128xf32, #tpu.memory_space<hbm>>
    tpu.wait_indirect_dma semaphore(%arg30 : memref<!tpu.dma_semaphore, #tpu.memory_space<semaphore_mem>>) src(%dma_wait3A_160 : memref<10000x128xf32, #tpu.memory_space<hbm>>) dst(%arg17 : memref<80x128xf32, #tpu.memory_space<vmem>>)
    "tpu.region"() ({
      %run_scoped3A = tpu.sem_alloc : memref<!tpu.dma_semaphore, #tpu.memory_space<semaphore_mem>>
      %dma_start3A_187 = arith.constant 0 : i32
      %dma_start3A_188 = arith.constant 0 : i32
      %dma_start3A_189 = tpu.memref_slice %arg21[%dma_start3A_187, %dma_start3A_188] : memref<10064x128xf32, #tpu.memory_space<vmem_shared>> -> memref<10064x128xf32, #tpu.memory_space<vmem_shared>>
      tpu.enqueue_indirect_dma source(%arg17 : memref<80x128xf32, #tpu.memory_space<vmem>>) target(%dma_start3A_189 : memref<10064x128xf32, #tpu.memory_space<vmem_shared>>) offsets(%arg16 : memref<80xi32, #tpu.memory_space<vmem>>) semaphore(%run_scoped3A : memref<!tpu.dma_semaphore, #tpu.memory_space<semaphore_mem>>) {add = true}
      %dma_wait3A_190 = arith.constant 0 : i32
      %dma_wait3A_191 = arith.constant 0 : i32
      %dma_wait3A_192 = tpu.memref_slice %arg21[%dma_wait3A_190, %dma_wait3A_191] : memref<10064x128xf32, #tpu.memory_space<vmem_shared>> -> memref<10064x128xf32, #tpu.memory_space<vmem_shared>>
      tpu.wait_indirect_dma semaphore(%run_scoped3A : memref<!tpu.dma_semaphore, #tpu.memory_space<semaphore_mem>>) src(%arg17 : memref<80x128xf32, #tpu.memory_space<vmem>>) dst(%dma_wait3A_192 : memref<10064x128xf32, #tpu.memory_space<vmem_shared>>)
      tpu.yield
    }) : () -> ()
    %get3A_161 = arith.constant 0 : index
    %get3A_162 = tpu.vector_load %arg13[%get3A_161] {strides = array<i32>} : memref<80xi32, #tpu.memory_space<vmem>>, vector<16xi32>,
    tpu.vector_store_idx %arg20[%get3A_162], %broadcast_in_dim3A_7 {add = true} : memref<10064xf32, #tpu.memory_space<vmem>>[vector<16xi32>], vector<16xf32>,
    %get3A_163 = arith.constant 16 : index
    %get3A_164 = tpu.vector_load %arg13[%get3A_163] {strides = array<i32>} : memref<80xi32, #tpu.memory_space<vmem>>, vector<16xi32>,
    tpu.vector_store_idx %arg20[%get3A_164], %broadcast_in_dim3A_7 {add = true} : memref<10064xf32, #tpu.memory_space<vmem>>[vector<16xi32>], vector<16xf32>,
    %get3A_165 = arith.constant 32 : index
    %get3A_166 = tpu.vector_load %arg13[%get3A_165] {strides = array<i32>} : memref<80xi32, #tpu.memory_space<vmem>>, vector<16xi32>,
    tpu.vector_store_idx %arg20[%get3A_166], %broadcast_in_dim3A_7 {add = true} : memref<10064xf32, #tpu.memory_space<vmem>>[vector<16xi32>], vector<16xf32>,
    %get3A_167 = arith.constant 48 : index
    %get3A_168 = tpu.vector_load %arg13[%get3A_167] {strides = array<i32>} : memref<80xi32, #tpu.memory_space<vmem>>, vector<16xi32>,
    tpu.vector_store_idx %arg20[%get3A_168], %broadcast_in_dim3A_7 {add = true} : memref<10064xf32, #tpu.memory_space<vmem>>[vector<16xi32>], vector<16xf32>,
    %get3A_169 = arith.constant 64 : index
    %get3A_170 = tpu.vector_load %arg13[%get3A_169] {strides = array<i32>} : memref<80xi32, #tpu.memory_space<vmem>>, vector<16xi32>,
    tpu.vector_store_idx %arg20[%get3A_170], %broadcast_in_dim3A_7 {add = true} : memref<10064xf32, #tpu.memory_space<vmem>>[vector<16xi32>], vector<16xf32>,
    %dma_wait3A_171 = arith.constant 0 : i32
    %dma_wait3A_172 = arith.constant 0 : i32
    %dma_wait3A_173 = tpu.memref_slice %arg4[%dma_wait3A_171, %dma_wait3A_172] : memref<10000x128xf32, #tpu.memory_space<hbm>> -> memref<10000x128xf32, #tpu.memory_space<hbm>>
    tpu.wait_indirect_dma semaphore(%arg31 : memref<!tpu.dma_semaphore, #tpu.memory_space<semaphore_mem>>) src(%dma_wait3A_173 : memref<10000x128xf32, #tpu.memory_space<hbm>>) dst(%arg18 : memref<80x128xf32, #tpu.memory_space<vmem>>)
    "tpu.region"() ({
      %run_scoped3A = tpu.sem_alloc : memref<!tpu.dma_semaphore, #tpu.memory_space<semaphore_mem>>
      %dma_start3A_187 = arith.constant 0 : i32
      %dma_start3A_188 = arith.constant 0 : i32
      %dma_start3A_189 = tpu.memref_slice %arg21[%dma_start3A_187, %dma_start3A_188] : memref<10064x128xf32, #tpu.memory_space<vmem_shared>> -> memref<10064x128xf32, #tpu.memory_space<vmem_shared>>
      tpu.enqueue_indirect_dma source(%arg18 : memref<80x128xf32, #tpu.memory_space<vmem>>) target(%dma_start3A_189 : memref<10064x128xf32, #tpu.memory_space<vmem_shared>>) offsets(%arg13 : memref<80xi32, #tpu.memory_space<vmem>>) semaphore(%run_scoped3A : memref<!tpu.dma_semaphore, #tpu.memory_space<semaphore_mem>>) {add = true}
      %dma_wait3A_190 = arith.constant 0 : i32
      %dma_wait3A_191 = arith.constant 0 : i32
      %dma_wait3A_192 = tpu.memref_slice %arg21[%dma_wait3A_190, %dma_wait3A_191] : memref<10064x128xf32, #tpu.memory_space<vmem_shared>> -> memref<10064x128xf32, #tpu.memory_space<vmem_shared>>
      tpu.wait_indirect_dma semaphore(%run_scoped3A : memref<!tpu.dma_semaphore, #tpu.memory_space<semaphore_mem>>) src(%arg18 : memref<80x128xf32, #tpu.memory_space<vmem>>) dst(%dma_wait3A_192 : memref<10064x128xf32, #tpu.memory_space<vmem_shared>>)
      tpu.yield
    }) : () -> ()
    %mul3A_174 = arith.constant 10000 : i32
    %mul3A_175 = arith.muli %add3A, %mul3A_174 : i32
    "tpu.region"() ({
      %run_scoped3A = tpu.sem_alloc : memref<!tpu.dma_semaphore, #tpu.memory_space<semaphore_mem>>
      %dma_start3A_187 = arith.constant 0 : i32
      %dma_start3A_188 = tpu.memref_slice %arg20[%dma_start3A_187] : memref<10064xf32, #tpu.memory_space<vmem>> -> memref<10000xf32, #tpu.memory_space<vmem>>
      %dma_start3A_189 = tpu.memref_slice %arg8[%mul3A_175] : memref<320000xf32, #tpu.memory_space<hbm>> -> memref<10000xf32, #tpu.memory_space<hbm>>
      %dma_start3A_190 = tpu.memref_slice %arg8[%mul3A_175] : memref<320000xf32, #tpu.memory_space<hbm>> -> memref<10000xf32, #tpu.memory_space<hbm>>
      %dma_start3A_191 = arith.constant 0 : i32
      %dma_start3A_192 = tpu.memref_slice %arg20[%dma_start3A_191] : memref<10064xf32, #tpu.memory_space<vmem>> -> memref<10000xf32, #tpu.memory_space<vmem>>
      tpu.enqueue_dma source(%dma_start3A_192 : memref<10000xf32, #tpu.memory_space<vmem>>) target(%dma_start3A_190 : memref<10000xf32, #tpu.memory_space<hbm>>) target_semaphore(%run_scoped3A : memref<!tpu.dma_semaphore, #tpu.memory_space<semaphore_mem>>)
      %dma_wait3A_193 = arith.constant 0 : i32
      %dma_wait3A_194 = tpu.memref_slice %arg20[%dma_wait3A_193] : memref<10064xf32, #tpu.memory_space<vmem>> -> memref<10000xf32, #tpu.memory_space<vmem>>
      %dma_wait3A_195 = tpu.memref_slice %arg8[%mul3A_175] : memref<320000xf32, #tpu.memory_space<hbm>> -> memref<10000xf32, #tpu.memory_space<hbm>>
      %dma_wait3A_196 = tpu.memref_slice %arg8[%mul3A_175] : memref<320000xf32, #tpu.memory_space<hbm>> -> memref<10000xf32, #tpu.memory_space<hbm>>
      %dma_wait3A_197 = arith.constant 0 : i32
      %dma_wait3A_198 = tpu.memref_slice %arg20[%dma_wait3A_197] : memref<10064xf32, #tpu.memory_space<vmem>> -> memref<10000xf32, #tpu.memory_space<vmem>>
      tpu.wait_dma2 semaphore(%run_scoped3A : memref<!tpu.dma_semaphore, #tpu.memory_space<semaphore_mem>>) src(%dma_wait3A_198 : memref<10000xf32, #tpu.memory_space<vmem>>) dst(%dma_wait3A_196 : memref<10000xf32, #tpu.memory_space<hbm>>)
      tpu.yield
    }) : () -> ()
    %barrier3A_176 = arith.constant 0 : index
    tpu.barrier barrier_id(%barrier3A_176)
    %lt3A_177 = arith.constant 15 : i32
    %lt3A_178 = arith.cmpi slt, %arg1, %lt3A_177 : i32
    %convert_element_type3A_179 = arith.extui %lt3A_178 : i1 to i32
    %cond3A_180 = arith.constant 0 : i32
    %cond3A_181 = arith.cmpi ne, %convert_element_type3A_179, %cond3A_180 : i32
    scf.if %cond3A_181 {
      %mul3A_187 = arith.constant 632 : i32
      %mul3A_188 = arith.muli %arg1, %mul3A_187 : i32
      %mul3A_189 = arith.constant 10000 : i32
      %mul3A_190 = arith.muli %arg0, %mul3A_189 : i32
      %mul3A_191 = arith.constant 632 : i32
      %mul3A_192 = arith.muli %arg1, %mul3A_191 : i32
      %add3A_193 = arith.addi %mul3A_190, %mul3A_192 : i32
      "tpu.region"() ({
        %run_scoped3A = tpu.sem_alloc : memref<!tpu.dma_semaphore, #tpu.memory_space<semaphore_mem>>
        %dma_start3A_194 = arith.constant 0 : i32
        %dma_start3A_195 = tpu.memref_slice %arg7[%add3A_193, %dma_start3A_194] : memref<20000x128xf32, #tpu.memory_space<hbm>> -> memref<632x128xf32, #tpu.memory_space<hbm>>
        %dma_start3A_196 = arith.constant 0 : i32
        %dma_start3A_197 = tpu.memref_slice %arg21[%mul3A_188, %dma_start3A_196] : memref<10064x128xf32, #tpu.memory_space<vmem_shared>> -> memref<632x128xf32, #tpu.memory_space<vmem_shared>>
        tpu.enqueue_dma source(%dma_start3A_197 : memref<632x128xf32, #tpu.memory_space<vmem_shared>>) target(%dma_start3A_195 : memref<632x128xf32, #tpu.memory_space<hbm>>) target_semaphore(%run_scoped3A : memref<!tpu.dma_semaphore, #tpu.memory_space<semaphore_mem>>)
        %dma_wait3A_198 = arith.constant 0 : i32
        %dma_wait3A_199 = tpu.memref_slice %arg7[%add3A_193, %dma_wait3A_198] : memref<20000x128xf32, #tpu.memory_space<hbm>> -> memref<632x128xf32, #tpu.memory_space<hbm>>
        %dma_wait3A_200 = arith.constant 0 : i32
        %dma_wait3A_201 = tpu.memref_slice %arg21[%mul3A_188, %dma_wait3A_200] : memref<10064x128xf32, #tpu.memory_space<vmem_shared>> -> memref<632x128xf32, #tpu.memory_space<vmem_shared>>
        tpu.wait_dma2 semaphore(%run_scoped3A : memref<!tpu.dma_semaphore, #tpu.memory_space<semaphore_mem>>) src(%dma_wait3A_201 : memref<632x128xf32, #tpu.memory_space<vmem_shared>>) dst(%dma_wait3A_199 : memref<632x128xf32, #tpu.memory_space<hbm>>)
        tpu.yield
      }) : () -> ()
    } else {
    }
    %eq3A_182 = arith.constant 15 : i32
    %eq3A_183 = arith.cmpi eq, %arg1, %eq3A_182 : i32
    %convert_element_type3A_184 = arith.extui %eq3A_183 : i1 to i32
    %cond3A_185 = arith.constant 0 : i32
    %cond3A_186 = arith.cmpi ne, %convert_element_type3A_184, %cond3A_185 : i32
    scf.if %cond3A_186 {
      %mul3A_187 = arith.constant 10000 : i32
      %mul3A_188 = arith.muli %arg0, %mul3A_187 : i32
      %add3A_189 = arith.constant 9480 : i32
      %add3A_190 = arith.addi %mul3A_188, %add3A_189 : i32
      "tpu.region"() ({
        %run_scoped3A = tpu.sem_alloc : memref<!tpu.dma_semaphore, #tpu.memory_space<semaphore_mem>>
        %dma_start3A_191 = arith.constant 0 : i32
        %dma_start3A_192 = tpu.memref_slice %arg7[%add3A_190, %dma_start3A_191] : memref<20000x128xf32, #tpu.memory_space<hbm>> -> memref<520x128xf32, #tpu.memory_space<hbm>>
        %dma_start3A_193 = arith.constant 9480 : i32
        %dma_start3A_194 = arith.constant 0 : i32
        %dma_start3A_195 = tpu.memref_slice %arg21[%dma_start3A_193, %dma_start3A_194] : memref<10064x128xf32, #tpu.memory_space<vmem_shared>> -> memref<520x128xf32, #tpu.memory_space<vmem_shared>>
        tpu.enqueue_dma source(%dma_start3A_195 : memref<520x128xf32, #tpu.memory_space<vmem_shared>>) target(%dma_start3A_192 : memref<520x128xf32, #tpu.memory_space<hbm>>) target_semaphore(%run_scoped3A : memref<!tpu.dma_semaphore, #tpu.memory_space<semaphore_mem>>)
        %dma_wait3A_196 = arith.constant 0 : i32
        %dma_wait3A_197 = tpu.memref_slice %arg7[%add3A_190, %dma_wait3A_196] : memref<20000x128xf32, #tpu.memory_space<hbm>> -> memref<520x128xf32, #tpu.memory_space<hbm>>
        %dma_wait3A_198 = arith.constant 9480 : i32
        %dma_wait3A_199 = arith.constant 0 : i32
        %dma_wait3A_200 = tpu.memref_slice %arg21[%dma_wait3A_198, %dma_wait3A_199] : memref<10064x128xf32, #tpu.memory_space<vmem_shared>> -> memref<520x128xf32, #tpu.memory_space<vmem_shared>>
        tpu.wait_dma2 semaphore(%run_scoped3A : memref<!tpu.dma_semaphore, #tpu.memory_space<semaphore_mem>>) src(%dma_wait3A_200 : memref<520x128xf32, #tpu.memory_space<vmem_shared>>) dst(%dma_wait3A_197 : memref<520x128xf32, #tpu.memory_space<hbm>>)
        tpu.yield
      }) : () -> ()
    } else {
    }
    return
  }
}

module attributes {stable_mosaic.version = 14 : i64} {
  func.func @body(%arg0: i32, %arg1: memref<1000x128xf32, #tpu.memory_space<vmem>>, %arg2: memref<1000x128xf32, #tpu.memory_space<vmem>>, %arg3: memref<1000x128xf32, #tpu.memory_space<vmem>>, %arg4: memref<1000x32xf32, #tpu.memory_space<vmem>>, %arg5: memref<128x128xf32, #tpu.memory_space<vmem>>, %arg6: memref<128x128xf32, #tpu.memory_space<vmem>>, %arg7: memref<1x128xf32, #tpu.memory_space<vmem>>, %arg8: memref<128x128xf32, #tpu.memory_space<vmem>>, %arg9: memref<1x128xf32, #tpu.memory_space<vmem>>, %arg10: memref<1000x128xf32, #tpu.memory_space<vmem>>) attributes {dimension_semantics = [#tpu.dimension_semantics<arbitrary>], iteration_bounds = array<i64: 10>, scalar_prefetch = 0 : i64, scratch_operands = 0 : i64, tpu.core_type = #tpu.core_type<tc>, window_params = [{transform_indices = @transform_0, window_bounds = array<i64: 1000, 128>}, {transform_indices = @transform_1, window_bounds = array<i64: 1000, 128>}, {transform_indices = @transform_2, window_bounds = array<i64: 1000, 128>}, {transform_indices = @transform_3, window_bounds = array<i64: 1000, 32>}, {pipeline_mode = #tpu.pipeline_mode<synchronous>, transform_indices = @transform_4, window_bounds = array<i64: 128, 128>}, {pipeline_mode = #tpu.pipeline_mode<synchronous>, transform_indices = @transform_5, window_bounds = array<i64: 128, 128>}, {pipeline_mode = #tpu.pipeline_mode<synchronous>, transform_indices = @transform_6, window_bounds = array<i64: 1, 128>}, {pipeline_mode = #tpu.pipeline_mode<synchronous>, transform_indices = @transform_7, window_bounds = array<i64: 128, 128>}, {pipeline_mode = #tpu.pipeline_mode<synchronous>, transform_indices = @transform_8, window_bounds = array<i64: 1, 128>}, {transform_indices = @transform_9, window_bounds = array<i64: 1000, 128>}]} {
    %get3A = arith.constant 0 : index
    %get3A_0 = arith.constant 0 : index
    %get3A_1 = vector.load %arg2[%get3A, %get3A_0] : memref<1000x128xf32, #tpu.memory_space<vmem>>, vector<1000x128xf32>
    %get3A_2 = arith.constant 0 : index
    %get3A_3 = arith.constant 0 : index
    %get3A_4 = vector.load %arg3[%get3A_2, %get3A_3] : memref<1000x128xf32, #tpu.memory_space<vmem>>, vector<1000x128xf32>
    %add3A = arith.addf %get3A_1, %get3A_4 : vector<1000x128xf32>
    %get3A_5 = arith.constant 0 : index
    %get3A_6 = arith.constant 0 : index
    %get3A_7 = vector.load %arg4[%get3A_5, %get3A_6] : memref<1000x32xf32, #tpu.memory_space<vmem>>, vector<1000x32xf32>
    %reduce_sum3A = arith.constant dense<0.000000e+00> : vector<1000xf32>
    %reduce_sum3A_8 = vector.multi_reduction <add>, %get3A_7, %reduce_sum3A [1] : vector<1000x32xf32> to vector<1000xf32>
    %broadcast_in_dim3A = vector.shape_cast %reduce_sum3A_8 : vector<1000xf32> to vector<1000x1xf32>
    %max3A = arith.constant 1.000000e+00 : f32
    %max3A_9 = vector.broadcast %max3A : f32 to vector<1000x1xf32>
    %max3A_10 = arith.maximumf %broadcast_in_dim3A, %max3A_9 : vector<1000x1xf32>
    %div3A = vector.broadcast %max3A_10 : vector<1000x1xf32> to vector<1000x128xf32>
    %div3A_11 = arith.divf %add3A, %div3A : vector<1000x128xf32>
    %get3A_12 = arith.constant 0 : index
    %get3A_13 = arith.constant 0 : index
    %get3A_14 = vector.load %arg1[%get3A_12, %get3A_13] : memref<1000x128xf32, #tpu.memory_space<vmem>>, vector<1000x128xf32>
    %get3A_15 = arith.constant 0 : index
    %get3A_16 = arith.constant 0 : index
    %get3A_17 = vector.load %arg5[%get3A_15, %get3A_16] : memref<128x128xf32, #tpu.memory_space<vmem>>, vector<128x128xf32>
    %dot_general3A = arith.constant dense<0.000000e+00> : vector<1000x128xf32>
    %dot_general3A_18 = tpu.matmul %get3A_14, %get3A_17, %dot_general3A {dimension_numbers = #tpu.dot_dimension_numbers<[1], [0], [0], [1], [0, 0, 1, 1], [], []>, transpose_lhs_hint = false} : vector<1000x128xf32>, vector<128x128xf32>, vector<1000x128xf32> -> vector<1000x128xf32>
    %get3A_19 = arith.constant 0 : index
    %get3A_20 = arith.constant 0 : index
    %get3A_21 = vector.load %arg6[%get3A_19, %get3A_20] : memref<128x128xf32, #tpu.memory_space<vmem>>, vector<128x128xf32>
    %dot_general3A_22 = arith.constant dense<0.000000e+00> : vector<1000x128xf32>
    %dot_general3A_23 = tpu.matmul %div3A_11, %get3A_21, %dot_general3A_22 {dimension_numbers = #tpu.dot_dimension_numbers<[1], [0], [0], [1], [0, 0, 1, 1], [], []>, transpose_lhs_hint = false} : vector<1000x128xf32>, vector<128x128xf32>, vector<1000x128xf32> -> vector<1000x128xf32>
    %add3A_24 = arith.addf %dot_general3A_18, %dot_general3A_23 : vector<1000x128xf32>
    %get3A_25 = arith.constant 0 : index
    %get3A_26 = arith.constant 0 : index
    %get3A_27 = vector.load %arg7[%get3A_25, %get3A_26] : memref<1x128xf32, #tpu.memory_space<vmem>>, vector<1x128xf32>
    %add3A_28 = vector.broadcast %get3A_27 : vector<1x128xf32> to vector<1000x128xf32>
    %add3A_29 = arith.addf %add3A_24, %add3A_28 : vector<1000x128xf32>
    %max3A_30 = arith.constant 0.000000e+00 : f32
    %max3A_31 = vector.broadcast %max3A_30 : f32 to vector<1000x128xf32>
    %max3A_32 = arith.maximumf %add3A_29, %max3A_31 : vector<1000x128xf32>
    %get3A_33 = arith.constant 0 : index
    %get3A_34 = arith.constant 0 : index
    %get3A_35 = vector.load %arg8[%get3A_33, %get3A_34] : memref<128x128xf32, #tpu.memory_space<vmem>>, vector<128x128xf32>
    %dot_general3A_36 = arith.constant dense<0.000000e+00> : vector<1000x128xf32>
    %dot_general3A_37 = tpu.matmul %max3A_32, %get3A_35, %dot_general3A_36 {dimension_numbers = #tpu.dot_dimension_numbers<[1], [0], [0], [1], [0, 0, 1, 1], [], []>, transpose_lhs_hint = false} : vector<1000x128xf32>, vector<128x128xf32>, vector<1000x128xf32> -> vector<1000x128xf32>
    %get3A_38 = arith.constant 0 : index
    %get3A_39 = arith.constant 0 : index
    %get3A_40 = vector.load %arg9[%get3A_38, %get3A_39] : memref<1x128xf32, #tpu.memory_space<vmem>>, vector<1x128xf32>
    %add3A_41 = vector.broadcast %get3A_40 : vector<1x128xf32> to vector<1000x128xf32>
    %add3A_42 = arith.addf %dot_general3A_37, %add3A_41 : vector<1000x128xf32>
    %max3A_43 = arith.constant 0.000000e+00 : f32
    %max3A_44 = vector.broadcast %max3A_43 : f32 to vector<1000x128xf32>
    %max3A_45 = arith.maximumf %add3A_42, %max3A_44 : vector<1000x128xf32>
    %swap3A = arith.constant 0 : index
    %swap3A_46 = arith.constant 0 : index
    %swap3A_47 = vector.load %arg10[%swap3A, %swap3A_46] : memref<1000x128xf32, #tpu.memory_space<vmem>>, vector<1000x128xf32>
    tpu.vector_store %arg10[%swap3A, %swap3A_46], %max3A_45 {strides = array<i32>} : memref<1000x128xf32, #tpu.memory_space<vmem>>, vector<1000x128xf32>,
    return
  }
  func.func @transform_0(%arg0: i32) -> (i32, i32) {
    %c0_i32 = arith.constant 0 : i32
    %c0_i32_0 = arith.constant 0 : i32
    return %arg0, %c0_i32 : i32, i32
  }
  func.func @transform_1(%arg0: i32) -> (i32, i32) {
    %c0_i32 = arith.constant 0 : i32
    %c0_i32_0 = arith.constant 0 : i32
    return %arg0, %c0_i32 : i32, i32
  }
  func.func @transform_2(%arg0: i32) -> (i32, i32) {
    %add3A = arith.constant 10 : i32
    %add3A_0 = arith.addi %arg0, %add3A : i32
    %c0_i32 = arith.constant 0 : i32
    %c0_i32_1 = arith.constant 0 : i32
    return %add3A_0, %c0_i32 : i32, i32
  }
  func.func @transform_3(%arg0: i32) -> (i32, i32) {
    %c0_i32 = arith.constant 0 : i32
    %c0_i32_0 = arith.constant 0 : i32
    return %arg0, %c0_i32 : i32, i32
  }
  func.func @transform_4(%arg0: i32) -> (i32, i32) {
    %c0_i32 = arith.constant 0 : i32
    %c0_i32_0 = arith.constant 0 : i32
    %c0_i32_1 = arith.constant 0 : i32
    return %c0_i32, %c0_i32_0 : i32, i32
  }
  func.func @transform_5(%arg0: i32) -> (i32, i32) {
    %c0_i32 = arith.constant 0 : i32
    %c0_i32_0 = arith.constant 0 : i32
    %c0_i32_1 = arith.constant 0 : i32
    return %c0_i32, %c0_i32_0 : i32, i32
  }
  func.func @transform_6(%arg0: i32) -> (i32, i32) {
    %c0_i32 = arith.constant 0 : i32
    %c0_i32_0 = arith.constant 0 : i32
    %c0_i32_1 = arith.constant 0 : i32
    return %c0_i32, %c0_i32_0 : i32, i32
  }
  func.func @transform_7(%arg0: i32) -> (i32, i32) {
    %c0_i32 = arith.constant 0 : i32
    %c0_i32_0 = arith.constant 0 : i32
    %c0_i32_1 = arith.constant 0 : i32
    return %c0_i32, %c0_i32_0 : i32, i32
  }
  func.func @transform_8(%arg0: i32) -> (i32, i32) {
    %c0_i32 = arith.constant 0 : i32
    %c0_i32_0 = arith.constant 0 : i32
    %c0_i32_1 = arith.constant 0 : i32
    return %c0_i32, %c0_i32_0 : i32, i32
  }
  func.func @transform_9(%arg0: i32) -> (i32, i32) {
    %c0_i32 = arith.constant 0 : i32
    %c0_i32_0 = arith.constant 0 : i32
    return %arg0, %c0_i32 : i32, i32
  }
}

</mosaic_0001>

<sc_bundles>
// kernel: kernel.4.cloned.1.call-start
scs
__scs_entry_jumppad:
0x0: {  	(pc) =	sbr.rel $0x88, $3  }
0x1: {  	(tag) =	ssettag $0x0;
	lr =	simm.s32 $0x1  }
0x2: {  	[smem:$0x3F9B] =	sst lr;
	_ =	strace $0xD0000000  }
0x3: {  	_ = 	snop  }
0x4: {  	_ = 	snop  }
0x5: {  	_ = 	snop  }
0x6: {  	_ = 	snop  }
0x7: {  	_ = 	snop  }
__scs_overlays_trampoline_lowered:
0x8: {  	[smem:$0x3FAA] =	sst s0  }
0x9: {  	[smem:$0x3FAB] =	sst s1  }
0xa: {  	[smem:$0x3FAC] =	sst s2  }
0xb: {  	[smem:$0x3FAD] =	sst s3  }
0xc: {  	[smem:$0x3FAE] =	sst s4  }
0xd: {  	[smem:$0x3FAF] =	sst s5  }
0xe: {  	[smem:$0x3FB0] =	sst s6  }
0xf: {  	[smem:$0x3FB1] =	sst s7  }
0x10: {  	[smem:$0x3FB2] =	sst s8  }
0x11: {  	[smem:$0x3FB3] =	sst s9;
	s0 =	simm.s32 @!p0 $0x0  }
0x12: {  	s1 =	sld [smem:$0x3F99];
	s0 =	simm.s32 @p0 $0x1  }
0x13: {  	[smem:$0x3FB4] =	sst s0;
	s0 =	simm.s32 @!p1 $0x0  }
0x14: {  	s2 =	sld [smem:$0x3F98];
	s0 =	simm.s32 @p1 $0x1  }
0x15: {  	[smem:$0x3FB5] =	sst s0;
	s0 =	simm.s32 @!p2 $0x0  }
0x16: {  	s3 =	sld [smem:$0x3FDB];
	s0 =	simm.s32 @p2 $0x1  }
0x17: {  	s4 =	simm.s32 $0x1BF5;
	[smem:$0x3FB7] =	sst s0  }
0x18: {  	s0 =	sld [smem:$0x3F9A];
	_ =	swait.ge [sflag:s4], $0x0  }
0x19: {  	s7 =	sld [smem:$0x3F9B]  }
0x1a: {  	s8 =	sadd.s32 $0xFFFFE003, lr  }
0x1b: {  	s9 =	sadd.s32 $0xFFFFFEF7, lr;
	s5 =	simm.s32 $0xFFFFFFFF;
	p2 =	slt.u32 s8, $0xFFFFF086  }
0x1c: {  	p1 =	slt.u32 s9, $0xF7A;
	s5 =	simm.s32 @!p2 $0x0  }
0x1d: {  	s5 =	simm.s32 @p1 $0x1;
	p0 =	seq.s32 s7, s2  }
0x1e: {  	s7 =	smul.u32 @!p0 $0xF7A, s2;
	p2 =	seq.s32 @!p0 s5, $0x0  }
0x1f: {  	s9 =	smul.u32 $0xF7A, s1;
	s8 =	simm.s32 @!p0 $0x1BF5;
	p2 =	por !p2, p0  }
0x20: {  	[sflag:s8] =	ssyncset.s32 @!p0 $0xFFFFF086;
	s6 =	sadd.s32 @!p0 s3, s7;
	s7 =	simm.s32 @!p0 $0x108  }
0x21: {  	s3 =	sadd.s32 s3, s9;
	s6 =	sadd.s32 @!p0 $0x88, s6;
	s7 =	simm.s32 @p2 $0x1082  }
0x22: {  	[simem:s7], [sflag:s8] =	dma.local @!p0 [hbm:s6], $0xF7A  }
0x23: {  	s9 =	sor.u32 $0xD0000000, s2;
	s6 =	simm.s32 $0x108;
	_ =	swait.ge @!p0 [sflag:s8], $0x0  }
0x24: {  	s3 =	sadd.s32 $0x88, s3;
	s6 =	simm.s32 @!p1 $0x1082;
	[sflag:s4] =	ssyncset.s32 $0xFFFFF086  }
0x25: {  	[simem:s6], [sflag:s4] =	dma.local [hbm:s3], $0xF7A  }
0x26: {  	[smem:$0x3F9B] =	sst s1;
	(tag) =	ssettag s2;
	_ =	strace s9  }
0x27: {  	s1 =	sld [smem:$0x3FAB]  }
0x28: {  	s2 =	sld [smem:$0x3FAC]  }
0x29: {  	s4 =	sld [smem:$0x3FAE]  }
0x2a: {  	p0 =	seq.s32 s5, $0x0;
	s5 =	sld [smem:$0x3FAF]  }
0x2b: {  	s6 =	sld [smem:$0x3FB0]  }
0x2c: {  	s7 =	sld [smem:$0x3FB1]  }
0x2d: {  	s3 =	simm.s32 $0x108;
	s8 =	sld [smem:$0x3FB2]  }
0x2e: {  	s3 =	simm.s32 @!p0 $0x1082;
	s9 =	sld [smem:$0x3FB3]  }
0x2f: {  	lr =	sadd.s32 s0, s3;
	s0 =	sld [smem:$0x3FAA]  }
0x30: {  	s3 =	sld [smem:$0x3FAD]  }
0x31: {  	[smem:$0x3FB6] =	sst s10  }
0x32: {  	s10 =	sld [smem:$0x3FB4];
	_ =	sdelay $0x3  }
0x33: {  	p0 =	seq.s32 s10, $0x1;
	s10 =	sld [smem:$0x3FB6];
	_ =	sdelay $0x3  }
0x34: {  	[smem:$0x3FB6] =	sst s10  }
0x35: {  	s10 =	sld [smem:$0x3FB5];
	_ =	sdelay $0x3  }
0x36: {  	p1 =	seq.s32 s10, $0x1;
	s10 =	sld [smem:$0x3FB6];
	_ =	sdelay $0x3  }
0x37: {  	[smem:$0x3FB6] =	sst s10  }
0x38: {  	s10 =	sld [smem:$0x3FB7]  }
0x39: {  	_ = 	snop;
	(pc) =	sbr.ind lr, $3  }
0x3a: {  	_ = 	snop  }
0x3b: {  	_ = 	snop  }
0x3c: {  	p2 =	seq.s32 s10, $0x1;
	s10 =	sld [smem:$0x3FB6]  }
0x3d: {  	_ =	shalt  }
0x3e: {  	_ =	shalt  }
0x3f: {  	_ =	shalt  }
0x40: {  	_ =	shalt  }
0x41: {  	_ =	shalt  }
0x42: {  	_ =	shalt  }
0x43: {  	_ =	shalt  }
0x44: {  	_ =	shalt  }
0x45: {  	_ =	shalt  }
0x46: {  	_ =	shalt  }
0x47: {  	_ =	shalt  }
0x48: {  	_ =	shalt  }
0x49: {  	_ =	shalt  }
0x4a: {  	_ =	shalt  }
0x4b: {  	_ =	shalt  }
0x4c: {  	_ =	shalt  }
0x4d: {  	_ =	shalt  }
0x4e: {  	_ =	shalt  }
0x4f: {  	_ =	shalt  }
0x50: {  	_ =	shalt  }
0x51: {  	_ =	shalt  }
0x52: {  	_ =	shalt  }
0x53: {  	_ =	shalt  }
0x54: {  	_ =	shalt  }
0x55: {  	_ =	shalt  }
0x56: {  	_ =	shalt  }
0x57: {  	_ =	shalt  }
0x58: {  	_ =	shalt  }
0x59: {  	_ =	shalt  }
0x5a: {  	_ =	shalt  }
0x5b: {  	_ =	shalt  }
0x5c: {  	_ =	shalt  }
0x5d: {  	_ =	shalt  }
0x5e: {  	_ =	shalt  }
0x5f: {  	_ =	shalt  }
0x60: {  	_ =	shalt  }
0x61: {  	_ =	shalt  }
0x62: {  	_ =	shalt  }
0x63: {  	_ =	shalt  }
0x64: {  	_ =	shalt  }
0x65: {  	_ =	shalt  }
0x66: {  	_ =	shalt  }
0x67: {  	_ =	shalt  }
0x68: {  	_ =	shalt  }
0x69: {  	_ =	shalt  }
0x6a: {  	_ =	shalt  }
0x6b: {  	_ =	shalt  }
0x6c: {  	_ =	shalt  }
0x6d: {  	_ =	shalt  }
0x6e: {  	_ =	shalt  }
0x6f: {  	_ =	shalt  }
0x70: {  	_ =	shalt  }
0x71: {  	_ =	shalt  }
0x72: {  	_ =	shalt  }
0x73: {  	_ =	shalt  }
0x74: {  	_ =	shalt  }
0x75: {  	_ =	shalt  }
0x76: {  	_ =	shalt  }
0x77: {  	_ =	shalt  }
0x78: {  	_ =	shalt  }
0x79: {  	_ =	shalt  }
0x7a: {  	_ =	shalt  }
0x7b: {  	_ =	shalt  }
0x7c: {  	_ =	shalt  }
0x7d: {  	_ =	shalt  }
0x7e: {  	_ =	shalt  }
0x7f: {  	_ =	shalt  }
0x80: {  	_ =	shalt  }
0x81: {  	_ =	shalt  }
0x82: {  	_ =	shalt  }
0x83: {  	_ =	shalt  }
0x84: {  	_ =	shalt  }
0x85: {  	_ =	shalt  }
0x86: {  	_ =	shalt  }
0x87: {  	_ =	shalt  }
.Lfunc_end0:
.L_simem_size_0:
called_computation_lowered:
.L_overlay_start_0:
0x88: {  	s2 =	sld [smem:$0x3FD9]  }
0x89: {  	s3 =	sld [smem:$0x3FFE];
	_ =	sdelay $0x1  }
0x8a: {  	s1 =	srdreg.scid  }
0x8b: {  	s0 =	sand.u32 $0x1, s1  }
0x8c: {  	s17 =	sshll.u32 s0, $0xA;
	s2 =	sadd.s32 s3, s2  }
0x8d: {  	s2 =	sadd.s32 s2, s17  }
0x8e: {  	[smem:$0x3FC2] =	sst s2  }
0x8f: {  	_ = 	snop  }
0x90: {  	s2 =	sld [smem:$0x3FC9]  }
0x91: {  	s18 =	sld [smem:$0x3FD0];
	(tm) =	ssettm $0x1  }
0x92: {  	s4 =	sld [smem:$0x3FFB];
	_ =	sdelay $0x3  }
0x93: {  	_ =	strace s4  }
0x94: {  	s4 =	sld [smem:$0x3FFC];
	_ =	sdelay $0x3  }
0x95: {  	_ =	strace s4  }
0x96: {  	s4 =	sld [smem:$0x3FFD];
	_ =	sdelay $0x3  }
0x97: {  	_ =	strace s4  }
0x98: {  	_ =	strace $0x8FFFFFFF  }
0x99: {  	s19 =	sld [smem:$0x3FDB];
	_ =	sdelay $0x1  }
0x9a: {  	s5 =	simm.s32 $_scs_section_size  }
0x9b: {  	s6 =	simm.s32 $_size__tile_overlayer_lowered;
	s7 =	simm.s32 $_tile_overlayer_lowered  }
0x9c: {  	s22 =	simm.s32 $0x1BFF;
	s21 =	sshll.u32 s7, $0x1;
	s4 =	sadd.s32 s5, s19  }
0x9d: {  	s8 =	simm.s32 $0x0;
	s20 =	sshll.u32 s6, $0x1;
	s6 =	sadd.s32 s21, s4  }
0x9e: {  	[timem:s8], [sflag:s22] =	dma.local [hbm:s6], s20  }
0x9f: {  	_ =	swait.ge [sflag:s22], s20  }
0xa0: {  	s5 =	ssub.s32 $0x0, s20;
	[sflag:s22] =	ssyncset.done $0x0  }
0xa1: {  	[sflag:s22] =	ssyncadd.s32 s5;
	_ =	sdelay $0x1  }
0xa2: {  	s23 =	simm.s32 $0x1B8B  }
0xa3: {  	_ =	swait.ge [sflag:s23], $0x1  }
0xa4: {  	[sflag:s23] =	ssyncset.done $0x0  }
0xa5: {  	s25 =	simm.s32 $0x1B8E;
	s24 =	sld [smem:$0x3FFE];
	[sflag:s23] =	ssyncadd.s32 $0xFFFFFFFF  }
0xa6: {  	s26 =	simm.s32 $execute0_lowered;
	[smem:$0x3FD2] =	sst s25  }
0xa7: {  	s6 =	sshll.u32 s26, $0x1;
	_ =	strace $0x80000046;
	[dreg:$0x1] =	wrdreg $0xFFFFFFFF  }
0xa8: {  	s28 =	simm.s32 $_size_execute0_lowered;
	s4 =	sadd.s32 s4, s6;
	[dreg:$0x0] =	wrdreg $0x0  }
0xa9: {  	s6 =	sshll.u32 s28, $0x1;
	[dreg:$0x2] =	wrdreg s4  }
0xaa: {  	[dreg:$0x3] =	wrdreg s6  }
0xab: {  	[dreg:$0x4] =	wrdreg $0xC0  }
0xac: {  	_ =	task [dreg:s8], $0x5FFFF  }
0xad: {  	[dreg:$0x1] =	wrdreg $0xFFFFFFFF  }
0xae: {  	[dreg:$0x0] =	wrdreg $0x60  }
0xaf: {  	[dreg:$0x2] =	wrdreg s24  }
0xb0: {  	[dreg:$0x3] =	wrdreg s18  }
0xb1: {  	[dreg:$0x4] =	wrdreg s2  }
0xb2: {  	[dreg:$0x5] =	wrdreg $0xA3800  }
0xb3: {  	[dreg:$0x6] =	wrdreg $0x9  }
0xb4: {  	_ =	task.clear_ibuf [dreg:s8], $0x7FFFF;
	_ =	strace $0x90000046  }
0xb5: {  	s29 =	simm.s32 $0x9;
	_ =	strace $0x80000048  }
0xb6: {  	_ =	swait.ge [sflag:s29], $0x1  }
0xb7: {  	[sflag:s29] =	ssyncadd.s32 $0xFFFFFFFF  }
0xb8: {  	_ =	strace $0x90000048  }
0xb9: {  	_ =	sfence  }
0xba: {  	s30 =	sld [smem:$0x0];
	_ =	sdelay $0x2  }
0xbb: {  	s31 =	sshll.u32 s1, $0xD;
	s1 =	sshrl.u32 s1, $0x2  }
0xbc: {  	s3 =	sand.u32 $0x4000, s31;
	s1 =	sadd.s32 s1, s30  }
0xbd: {  	s0 =	sor.u32 s3, s0;
	s1 =	sshll.u32 s1, $0x11  }
0xbe: {  	s0 =	sor.u32 s1, s0  }
0xbf: {  	s0 =	sadd.s32 $0x8F2B, s0  }
0xc0: {  	[sflag:s0] =	ssyncadd.remote.s32 $0x1  }
0xc1: {  	_ =	sfence.sel $0xFFFF  }
0xc2: {  	[dreg:$0x0] =	wrdreg $0xFFFFFFFF;
	(pc) =	sbr.abs _section_cstart, $3  }
0xc3: {  	[dreg:$0x1] =	wrdreg $0xFFFFFFFF  }
0xc4: {  	_ =	task.clear_ibuf [dreg:s8], $0x2FFFF;
	_ =	strace $0x9FFFFFFF  }
0xc5: {  	(tm) =	ssettm $0x7FFFFFFF  }
tec
execute0_lowered:
.L_overlay_start_1:
0x0: {  	(tag) =	ssettag $0x1  }
0x1: {  	s8 =	rddreg [dreg:$0x0]  }
0x2: {  	s1 =	rddreg [dreg:$0x1]  }
0x3: {  	s2 =	rddreg [dreg:$0x2]  }
0x4: {  	s3 =	rddreg [dreg:$0x3];
	s0 =	srdreg.scid;
	s5 =	simm.s32 $0x0  }
0x5: {  	s6 =	stileid.u32;
	s28 =	simm.s32 $0x7C00;
	s29 =	simm.s32 $0xC  }
0x6: {  	s30 =	simm.s32 $0x200;
	s31 =	simm.s32 $0x80;
	s9 =	sand.u32 $0x1, s0  }
0x7: {  	[smem:$0x7FF] =	sst s5;
	s10 =	smul.u32 $0x2780, s6;
	s16 =	sadd.s32 $0x1400, s8  }
0x8: {  	s4 =	sadd.s32 $0xB200, s8;
	s19 =	smul.u32 $0x4F000, s6;
	s12 =	sadd.s32 $0x3CC00, s8  }
0x9: {  	s25 =	smul.u32 $0x2710, s6;
	p0 =	seq.s32 s6, $0xF;
	s0 =	sshll.u32 s9, $0x4  }
0xa: {  	_ =	strace $0x80000047;
	[dreg:$0x1c] =	wrdreg s4;
	s22 =	smul.u32 $0x27100, s9  }
0xb: {  	s13 =	ssub.s32 $0x2, s9;
	s9 =	smul.u32 $0x138800, s9;
	[dreg:$0x1b] =	wrdreg s16  }
0xc: {  	s0 =	sor.u32 s6, s0;
	s11 =	sadd.s32 s10, s8;
	s15 =	sshrl.u32 s19, $0x2  }
0xd: {  	s14 =	sshrl.u32 s13, $0x1;
	s0 =	smul.u32 $0x2710, s0;
	s20 =	sadd.s32 s15, s3  }
0xe: {  	s11 =	sadd.s32 $0xB800, s11;
	s10 =	sadd.s32 s10, s22;
	[dreg:$0x1d] =	wrdreg s20  }
0xf: {  	[dreg:$0x1e] =	wrdreg s11;
	s10 =	sadd.s32 s12, s10;
	s7 =	sshrl.u32 s0, $0x3  }
0x10: {  	[smem:$0x7F4] =	sst s10;
	s0 =	sadd.s32 s7, s8;
	s8 =	sadd.s32 $0x30880, s8  }
0x11: {  	s4 =	ssub.s32 s13, s14;
	s21 =	sadd.s32 s16, s7;
	[dreg:$0x1f] =	wrdreg s8  }
0x12: {  	s23 =	sadd.s32 s1, s7;
	s24 =	sadd.s32 $0xA, s7;
	[smem:$0x7EE] =	sst s21  }
0x13: {  	s9 =	sshrl.u32 s9, $0x3;
	[smem:$0x7EF] =	sst s23;
	s26 =	sadd.s32 s16, s24  }
0x14: {  	s15 =	sadd.s32 $0x14, s7;
	s8 =	sadd.s32 s1, s24;
	[smem:$0x7F0] =	sst s26  }
0x15: {  	s9 =	sadd.s32 s12, s9;
	s17 =	sadd.s32 s16, s15;
	[smem:$0x7F1] =	sst s8  }
0x16: {  	s18 =	sadd.s32 s1, s15;
	[smem:$0x7F2] =	sst s17;
	s8 =	sadd.s32 s25, s22  }
0x17: {  	s0 =	sadd.s32 $0x32E00, s0;
	[smem:$0x7F3] =	sst s18;
	s19 =	sadd.s32 $0x140, s8  }
0x18: {  	[smem:$0x7F9] =	sst s0;
	s0 =	simm.s32 $0x280;
	s20 =	sshrl.u32 s19, $0x3  }
0x19: {  	s21 =	sadd.s32 $0x190, s8;
	s24 =	sadd.s32 $0x1E0, s8;
	s11 =	sadd.s32 s20, s1  }
0x1a: {  	s22 =	sshrl.u32 s21, $0x3;
	s10 =	sadd.s32 s20, s16;
	[dreg:$0x5] =	wrdreg s11  }
0x1b: {  	s13 =	sadd.s32 $0x230, s8;
	s23 =	sadd.s32 s22, s1;
	[dreg:$0x6] =	wrdreg s10  }
0x1c: {  	s26 =	sshrl.u32 s24, $0x3;
	s25 =	sadd.s32 s22, s16;
	[dreg:$0x7] =	wrdreg s23  }
0x1d: {  	s18 =	sadd.s32 $0x280, s8;
	s12 =	sadd.s32 s26, s1;
	[dreg:$0x8] =	wrdreg s25  }
0x1e: {  	s15 =	sshrl.u32 s13, $0x3;
	s14 =	sadd.s32 s26, s16;
	[dreg:$0x9] =	wrdreg s12  }
0x1f: {  	s17 =	sadd.s32 s15, s1;
	s19 =	sadd.s32 s15, s16;
	[dreg:$0xa] =	wrdreg s14  }
0x20: {  	s20 =	sshrl.u32 s18, $0x3;
	s22 =	sadd.s32 $0x2D0, s8;
	[dreg:$0xb] =	wrdreg s17  }
0x21: {  	s26 =	sadd.s32 $0x320, s8;
	[dreg:$0xc] =	wrdreg s19;
	s21 =	sadd.s32 s20, s1  }
0x22: {  	s23 =	sadd.s32 s20, s16;
	s24 =	sshrl.u32 s22, $0x3;
	[dreg:$0xd] =	wrdreg s21  }
0x23: {  	s15 =	sadd.s32 $0x370, s8;
	[dreg:$0xe] =	wrdreg s23;
	s25 =	sadd.s32 s24, s1  }
0x24: {  	s13 =	sshrl.u32 s26, $0x3;
	s11 =	sadd.s32 s24, s16;
	[dreg:$0xf] =	wrdreg s25  }
0x25: {  	s18 =	sshrl.u32 s15, $0x3;
	s14 =	sadd.s32 s13, s1;
	[dreg:$0x10] =	wrdreg s11  }
0x26: {  	s20 =	sadd.s32 $0x410, s8;
	s17 =	sadd.s32 s13, s16;
	[dreg:$0x11] =	wrdreg s14  }
0x27: {  	s10 =	simm.s32 $0x50;
	s19 =	sadd.s32 s18, s1;
	[dreg:$0x12] =	wrdreg s17  }
0x28: {  	s21 =	sadd.s32 s18, s16;
	s22 =	sshrl.u32 s20, $0x3;
	[dreg:$0x13] =	wrdreg s19  }
0x29: {  	s24 =	sadd.s32 $0x460, s8;
	[dreg:$0x14] =	wrdreg s21;
	s23 =	sadd.s32 s22, s1  }
0x2a: {  	s13 =	sadd.s32 $0xF0, s8;
	s25 =	sadd.s32 s22, s16;
	[dreg:$0x15] =	wrdreg s23  }
0x2b: {  	s26 =	sshrl.u32 s24, $0x3;
	s24 =	smax.u32 s4, $0x1;
	[dreg:$0x16] =	wrdreg s25  }
0x2c: {  	s15 =	sshrl.u32 s13, $0x3;
	s12 =	sadd.s32 s26, s1;
	[smem:$0x7FB] =	sst s24  }
0x2d: {  	s17 =	sadd.s32 $0x4CE, s7;
	s14 =	sadd.s32 s26, s16;
	[dreg:$0x17] =	wrdreg s12  }
0x2e: {  	s7 =	sadd.s32 $0x4D8, s7;
	s18 =	sadd.s32 s15, s1;
	[dreg:$0x18] =	wrdreg s14  }
0x2f: {  	s4 =	simm.s32 $0x100;
	s19 =	sadd.s32 s16, s17;
	[dreg:$0x19] =	wrdreg s18  }
0x30: {  	s11 =	simm.s32 $0x400;
	s21 =	sadd.s32 s1, s17;
	[smem:$0x7F5] =	sst s19  }
0x31: {  	s13 =	simm.s32 $0x6;
	s20 =	sadd.s32 s15, s16;
	[smem:$0x7F6] =	sst s21  }
0x32: {  	s22 =	sadd.s32 s16, s7;
	s1 =	sadd.s32 s1, s7;
	[dreg:$0x1a] =	wrdreg s20  }
0x33: {  	s23 =	sadd.s32 $0x25080, s9;
	s25 =	sadd.s32 $0x3C0, s8;
	[smem:$0x7F7] =	sst s22  }
0x34: {  	s26 =	sadd.s32 $0x128400, s3;
	s7 =	simm.s32 $0x300;
	[smem:$0x7F8] =	sst s1  }
0x35: {  	s8 =	simm.s32 $0x1;
	s9 =	simm.s32 $0x5;
	[smem:$0x7FA] =	sst s23  }
0x36: {  	s15 =	simm.s32 $0x180;
	s16 =	simm.s32 $0x380;
	[smem:$0x7FC] =	sst s25  }
0x37: {  	s17 =	simm.s32 $0x3;
	s24 =	simm.s32 $0xB;
	[smem:$0x7FD] =	sst s26  }
0x38: {  	s12 =	simm.s32 $0x2;
	s14 =	simm.s32 $0x2C00;
	s18 =	simm.s32 $0x7  }
0x39: {  	s19 =	simm.s32 $0x5400;
	s20 =	simm.s32 $0x9;
	s21 =	simm.s32 $0x4  }
0x3a: {  	v0 =	vimm.f32 $1.000000000e+00;
	s22 =	simm.s32 $0x8;
	s23 =	simm.s32 $0xA;
	s25 =	simm.s32 $0x0  }
.LBB2_1:
0x3b: {  	[smem:$0x7EA] =	sst s25  }
0x3c: {  	s1 =	rddreg [dreg:$0x1c]  }
0x3d: {  	[tilespmem:s28], [sflag:$0xC] =	stream.linear.gather [hbm4b:s1+s5], $0x2780, $0x38;
	[tilespmem:$0x1DE00] =	vst v63  }
0x3e: {  	_ =	swait.ge [sflag:s29], $0x2780  }
0x3f: {  	s1 =	sld [smem:$0x7FD];
	_ =	sdelay $0x2  }
0x40: {  	[sflag:s29] =	ssyncset.done $0x0;
	s6 =	sshrl.u32 @p0 s1, $0x3;
	s1 =	rddreg [dreg:$0x1f]  }
0x41: {  	s25 =	simm.s32 @p0 $0x1FCC;
	[sflag:s29] =	ssyncadd.s32 $0xFFFFD880;
	[smem:$0x7EB] =	sst s6  }
0x42: {  	[spmem:s6], [sflag:s25] =	dma.local @p0 [hbm:s1], $0x2480  }
0x43: {  	s25 =	simm.s32 @p0 $0xC;
	s1 =	stileid.u32  }
0x44: {  	_ =	swait.ge @p0 [sflag:s25], $0x2480;
	s26 =	sshll.u32 @!p0 s1, $0x6  }
0x45: {  	[sflag:s25] =	ssyncset.done @p0 $0x0;
	s6 =	sor.u32 @!p0 $0x1C0C, s26;
	s1 =	rddreg [dreg:$0x1d]  }
0x46: {  	[sflag:s25] =	ssyncadd.s32 @p0 $0xFFFFDB80;
	s25 =	sshrl.u32 @!p0 s1, $0x3;
	s1 =	rddreg [dreg:$0x1e]  }
0x47: {  	[smem:$0x7EC] =	sst s6  }
0x48: {  	[smem:$0x7ED] =	sst s25  }
0x49: {  	[spmem:s25], [sflag:s6] =	dma.local @!p0 [hbm:s1], $0x2780  }
0x4a: {  	s25 =	simm.s32 @!p0 $0xC  }
0x4b: {  	_ =	swait.ge @!p0 [sflag:s25], $0x2780  }
0x4c: {  	[sflag:s25] =	ssyncset.done @!p0 $0x0  }
0x4d: {  	[sflag:s25] =	ssyncadd.s32 @!p0 $0xFFFFD880  }
0x4e: {  	[bflag:$0x0] =	sbarrier.arrive $0xFFFF  }
0x4f: {  	s6 =	sld [smem:$0x7EE];
	_ =	sdelay $0x1  }
0x50: {  	s25 =	sld [smem:$0x7EF]  }
0x51: {  	[tilespmem:s5], [sflag:$0x1] =	stream.linear.gather [hbm4b:s6+s5], $0x50, $0x38;
	[tilespmem:$0x1DE00] =	vst v63  }
0x52: {  	s26 =	sld [smem:$0x7F0]  }
0x53: {  	[tilespmem:s30], [sflag:$0x5] =	stream.linear.gather [hbm4b:s25+s5], $0x50, $0x38;
	[tilespmem:$0x1DE00] =	vst v63  }
0x54: {  	s6 =	sld [smem:$0x7F1]  }
0x55: {  	[tilespmem:s31], [sflag:$0x2] =	stream.linear.gather [hbm4b:s26+s5], $0x50, $0x38;
	[tilespmem:$0x1DE00] =	vst v63  }
0x56: {  	s25 =	sld [smem:$0x7F2]  }
0x57: {  	[tilespmem:s0], [sflag:$0x6] =	stream.linear.gather [hbm4b:s6+s5], $0x50, $0x38;
	[tilespmem:$0x1DE00] =	vst v63  }
0x58: {  	s26 =	sld [smem:$0x7F3]  }
0x59: {  	[tilespmem:s4], [sflag:$0x3] =	stream.linear.gather [hbm4b:s25+s5], $0x50, $0x38;
	[tilespmem:$0x1DE00] =	vst v63  }
0x5a: {  	_ = 	snop  }
0x5b: {  	[tilespmem:s7], [sflag:$0x7] =	stream.linear.gather [hbm4b:s26+s5], $0x50, $0x38;
	[tilespmem:$0x1DE00] =	vst v63  }
0x5c: {  	_ =	swait.ge [sflag:s8], $0x50  }
0x5d: {  	[sflag:s8] =	ssyncset.done $0x0  }
0x5e: {  	[sflag:s8] =	ssyncadd.s32 $0xFFFFFFB0  }
0x5f: {  	_ =	swait.ge [sflag:s9], $0x50  }
0x60: {  	[sflag:s9] =	ssyncset.done $0x0  }
0x61: {  	[sflag:s9] =	ssyncadd.s32 $0xFFFFFFB0  }
0x62: {  	[tilespmem:s11], [sflag:$0x9] =	stream.indirect.gather [hbm4b:s2+s10], $0x80, s5, s10, $0xb8;
	[tilespmem:$0x1DE00] =	vst v63  }
0x63: {  	_ =	swait.ge [sflag:s12], $0x50  }
0x64: {  	[sflag:s12] =	ssyncset.done $0x0  }
0x65: {  	[sflag:s12] =	ssyncadd.s32 $0xFFFFFFB0  }
0x66: {  	_ =	swait.ge [sflag:s13], $0x50  }
0x67: {  	[sflag:s13] =	ssyncset.done $0x0  }
0x68: {  	s26 =	simm.s32 $0x0;
	s25 =	sld [smem:$0x7FC];
	[sflag:s13] =	ssyncadd.s32 $0xFFFFFFB0  }
0x69: {  	[tilespmem:s14], [sflag:$0xA] =	stream.indirect.gather [hbm4b:s2+s10], $0x80, s31, s10, $0xb8;
	[tilespmem:$0x1DE00] =	vst v63  }
.LBB2_2:
0x6a: {  	s1 =	rddreg [dreg:$0x1a]  }
0x6b: {  	s6 =	rddreg [dreg:$0x19];
	s1 =	sadd.s32 s26, s1  }
0x6c: {  	[tilespmem:s15], [sflag:$0x4] =	stream.linear.gather [hbm4b:s1+s5], $0x50, $0x38;
	[tilespmem:$0x1DE00] =	vst v63  }
0x6d: {  	s6 =	sadd.s32 s26, s6  }
0x6e: {  	[tilespmem:s16], [sflag:$0x8] =	stream.linear.gather [hbm4b:s6+s5], $0x50, $0x38;
	[tilespmem:$0x1DE00] =	vst v63  }
0x6f: {  	_ =	swait.ge [sflag:s17], $0x50  }
0x70: {  	[sflag:s17] =	ssyncset.done $0x0  }
0x71: {  	[sflag:s17] =	ssyncadd.s32 $0xFFFFFFB0  }
0x72: {  	_ =	swait.ge [sflag:s18], $0x50  }
0x73: {  	[sflag:s18] =	ssyncset.done $0x0  }
0x74: {  	[sflag:s18] =	ssyncadd.s32 $0xFFFFFFB0  }
0x75: {  	[tilespmem:s19], [sflag:$0xB] =	stream.indirect.gather [hbm4b:s2+s10], $0x80, s4, s10, $0xb8;
	[tilespmem:$0x1DE00] =	vst v63  }
0x76: {  	v1 =	vld [tilespmem:$0x200];
	_ =	sdelay $0x7  }
0x77: {  	[tilespmem:v1+s28+$0x0] =	vst.idx.add.f32.msk $0xffff, v0  }
0x78: {  	v1 =	vld [tilespmem:$0x210];
	_ =	sdelay $0x7  }
0x79: {  	[tilespmem:v1+s28+$0x0] =	vst.idx.add.f32.msk $0xffff, v0  }
0x7a: {  	v1 =	vld [tilespmem:$0x220];
	_ =	sdelay $0x7  }
0x7b: {  	[tilespmem:v1+s28+$0x0] =	vst.idx.add.f32.msk $0xffff, v0  }
0x7c: {  	v1 =	vld [tilespmem:$0x230];
	_ =	sdelay $0x7  }
0x7d: {  	[tilespmem:v1+s28+$0x0] =	vst.idx.add.f32.msk $0xffff, v0  }
0x7e: {  	v1 =	vld [tilespmem:$0x240];
	_ =	sdelay $0x7  }
0x7f: {  	[tilespmem:v1+s28+$0x0] =	vst.idx.add.f32.msk $0xffff, v0  }
0x80: {  	_ =	swait.ge [sflag:s20], $0x2800  }
0x81: {  	[sflag:s20] =	ssyncset.done $0x0  }
0x82: {  	[sflag:s20] =	ssyncadd.s32 $0xFFFFD800  }
0x83: {  	[spmem:s3] =	stream.indirect.scatter.add.f32 [tilespmem:s11], [sflag:$0xC], $0x80, s30, s10, $0xb8;
	[tilespmem:$0x1DE00] =	vst v63  }
0x84: {  	_ =	swait.ge [sflag:s29], $0x2800  }
0x85: {  	s1 =	rddreg [dreg:$0x6];
	[sflag:s29] =	ssyncset.done $0x0  }
0x86: {  	s6 =	rddreg [dreg:$0x5];
	[sflag:s29] =	ssyncadd.s32 $0xFFFFD800;
	s1 =	sadd.s32 s26, s1  }
0x87: {  	[tilespmem:s5], [sflag:$0x1] =	stream.linear.gather [hbm4b:s1+s5], $0x50, $0x38;
	[tilespmem:$0x1DE00] =	vst v63  }
0x88: {  	s6 =	sadd.s32 s26, s6  }
0x89: {  	[tilespmem:s30], [sflag:$0x5] =	stream.linear.gather [hbm4b:s6+s5], $0x50, $0x38;
	[tilespmem:$0x1DE00] =	vst v63  }
0x8a: {  	_ =	swait.ge [sflag:s21], $0x50  }
0x8b: {  	[sflag:s21] =	ssyncset.done $0x0  }
0x8c: {  	[sflag:s21] =	ssyncadd.s32 $0xFFFFFFB0  }
0x8d: {  	_ =	swait.ge [sflag:s22], $0x50  }
0x8e: {  	[sflag:s22] =	ssyncset.done $0x0  }
0x8f: {  	[sflag:s22] =	ssyncadd.s32 $0xFFFFFFB0  }
0x90: {  	[tilespmem:s11], [sflag:$0x9] =	stream.indirect.gather [hbm4b:s2+s10], $0x80, s15, s10, $0xb8;
	[tilespmem:$0x1DE00] =	vst v63  }
0x91: {  	v1 =	vld [tilespmem:$0x280];
	_ =	sdelay $0x7  }
0x92: {  	[tilespmem:v1+s28+$0x0] =	vst.idx.add.f32.msk $0xffff, v0  }
0x93: {  	v1 =	vld [tilespmem:$0x290];
	_ =	sdelay $0x7  }
0x94: {  	[tilespmem:v1+s28+$0x0] =	vst.idx.add.f32.msk $0xffff, v0  }
0x95: {  	v1 =	vld [tilespmem:$0x2A0];
	_ =	sdelay $0x7  }
0x96: {  	[tilespmem:v1+s28+$0x0] =	vst.idx.add.f32.msk $0xffff, v0  }
0x97: {  	v1 =	vld [tilespmem:$0x2B0];
	_ =	sdelay $0x7  }
0x98: {  	[tilespmem:v1+s28+$0x0] =	vst.idx.add.f32.msk $0xffff, v0  }
0x99: {  	v1 =	vld [tilespmem:$0x2C0];
	_ =	sdelay $0x7  }
0x9a: {  	[tilespmem:v1+s28+$0x0] =	vst.idx.add.f32.msk $0xffff, v0  }
0x9b: {  	_ =	swait.ge [sflag:s23], $0x2800  }
0x9c: {  	[sflag:s23] =	ssyncset.done $0x0  }
0x9d: {  	[sflag:s23] =	ssyncadd.s32 $0xFFFFD800  }
0x9e: {  	[spmem:s3] =	stream.indirect.scatter.add.f32 [tilespmem:s14], [sflag:$0xC], $0x80, s0, s10, $0xb8;
	[tilespmem:$0x1DE00] =	vst v63  }
0x9f: {  	_ =	swait.ge [sflag:s29], $0x2800  }
0xa0: {  	s1 =	rddreg [dreg:$0x8];
	[sflag:s29] =	ssyncset.done $0x0  }
0xa1: {  	s6 =	rddreg [dreg:$0x7];
	[sflag:s29] =	ssyncadd.s32 $0xFFFFD800;
	s1 =	sadd.s32 s26, s1  }
0xa2: {  	[tilespmem:s31], [sflag:$0x2] =	stream.linear.gather [hbm4b:s1+s5], $0x50, $0x38;
	[tilespmem:$0x1DE00] =	vst v63  }
0xa3: {  	s6 =	sadd.s32 s26, s6  }
0xa4: {  	[tilespmem:s0], [sflag:$0x6] =	stream.linear.gather [hbm4b:s6+s5], $0x50, $0x38;
	[tilespmem:$0x1DE00] =	vst v63  }
0xa5: {  	_ =	swait.ge [sflag:s8], $0x50  }
0xa6: {  	[sflag:s8] =	ssyncset.done $0x0  }
0xa7: {  	[sflag:s8] =	ssyncadd.s32 $0xFFFFFFB0  }
0xa8: {  	_ =	swait.ge [sflag:s9], $0x50  }
0xa9: {  	[sflag:s9] =	ssyncset.done $0x0  }
0xaa: {  	[sflag:s9] =	ssyncadd.s32 $0xFFFFFFB0  }
0xab: {  	[tilespmem:s14], [sflag:$0xA] =	stream.indirect.gather [hbm4b:s2+s10], $0x80, s5, s10, $0xb8;
	[tilespmem:$0x1DE00] =	vst v63  }
0xac: {  	v1 =	vld [tilespmem:$0x300];
	_ =	sdelay $0x7  }
0xad: {  	[tilespmem:v1+s28+$0x0] =	vst.idx.add.f32.msk $0xffff, v0  }
0xae: {  	v1 =	vld [tilespmem:$0x310];
	_ =	sdelay $0x7  }
0xaf: {  	[tilespmem:v1+s28+$0x0] =	vst.idx.add.f32.msk $0xffff, v0  }
0xb0: {  	v1 =	vld [tilespmem:$0x320];
	_ =	sdelay $0x7  }
0xb1: {  	[tilespmem:v1+s28+$0x0] =	vst.idx.add.f32.msk $0xffff, v0  }
0xb2: {  	v1 =	vld [tilespmem:$0x330];
	_ =	sdelay $0x7  }
0xb3: {  	[tilespmem:v1+s28+$0x0] =	vst.idx.add.f32.msk $0xffff, v0  }
0xb4: {  	v1 =	vld [tilespmem:$0x340];
	_ =	sdelay $0x7  }
0xb5: {  	[tilespmem:v1+s28+$0x0] =	vst.idx.add.f32.msk $0xffff, v0  }
0xb6: {  	_ =	swait.ge [sflag:s24], $0x2800  }
0xb7: {  	[sflag:s24] =	ssyncset.done $0x0  }
0xb8: {  	[sflag:s24] =	ssyncadd.s32 $0xFFFFD800  }
0xb9: {  	[spmem:s3] =	stream.indirect.scatter.add.f32 [tilespmem:s19], [sflag:$0xC], $0x80, s7, s10, $0xb8;
	[tilespmem:$0x1DE00] =	vst v63  }
0xba: {  	_ =	swait.ge [sflag:s29], $0x2800  }
0xbb: {  	s1 =	rddreg [dreg:$0xa];
	[sflag:s29] =	ssyncset.done $0x0  }
0xbc: {  	s6 =	rddreg [dreg:$0x9];
	[sflag:s29] =	ssyncadd.s32 $0xFFFFD800;
	s1 =	sadd.s32 s26, s1  }
0xbd: {  	[tilespmem:s4], [sflag:$0x3] =	stream.linear.gather [hbm4b:s1+s5], $0x50, $0x38;
	[tilespmem:$0x1DE00] =	vst v63  }
0xbe: {  	s6 =	sadd.s32 s26, s6  }
0xbf: {  	[tilespmem:s7], [sflag:$0x7] =	stream.linear.gather [hbm4b:s6+s5], $0x50, $0x38;
	[tilespmem:$0x1DE00] =	vst v63  }
0xc0: {  	_ =	swait.ge [sflag:s12], $0x50  }
0xc1: {  	[sflag:s12] =	ssyncset.done $0x0  }
0xc2: {  	[sflag:s12] =	ssyncadd.s32 $0xFFFFFFB0  }
0xc3: {  	_ =	swait.ge [sflag:s13], $0x50  }
0xc4: {  	[sflag:s13] =	ssyncset.done $0x0  }
0xc5: {  	[sflag:s13] =	ssyncadd.s32 $0xFFFFFFB0  }
0xc6: {  	[tilespmem:s19], [sflag:$0xB] =	stream.indirect.gather [hbm4b:s2+s10], $0x80, s31, s10, $0xb8;
	[tilespmem:$0x1DE00] =	vst v63  }
0xc7: {  	v1 =	vld [tilespmem:$0x380];
	_ =	sdelay $0x7  }
0xc8: {  	[tilespmem:v1+s28+$0x0] =	vst.idx.add.f32.msk $0xffff, v0  }
0xc9: {  	v1 =	vld [tilespmem:$0x390];
	_ =	sdelay $0x7  }
0xca: {  	[tilespmem:v1+s28+$0x0] =	vst.idx.add.f32.msk $0xffff, v0  }
0xcb: {  	v1 =	vld [tilespmem:$0x3A0];
	_ =	sdelay $0x7  }
0xcc: {  	[tilespmem:v1+s28+$0x0] =	vst.idx.add.f32.msk $0xffff, v0  }
0xcd: {  	v1 =	vld [tilespmem:$0x3B0];
	_ =	sdelay $0x7  }
0xce: {  	[tilespmem:v1+s28+$0x0] =	vst.idx.add.f32.msk $0xffff, v0  }
0xcf: {  	v1 =	vld [tilespmem:$0x3C0];
	_ =	sdelay $0x7  }
0xd0: {  	[tilespmem:v1+s28+$0x0] =	vst.idx.add.f32.msk $0xffff, v0  }
0xd1: {  	_ =	swait.ge [sflag:s20], $0x2800  }
0xd2: {  	[sflag:s20] =	ssyncset.done $0x0  }
0xd3: {  	[sflag:s20] =	ssyncadd.s32 $0xFFFFD800  }
0xd4: {  	[spmem:s3] =	stream.indirect.scatter.add.f32 [tilespmem:s11], [sflag:$0xC], $0x80, s16, s10, $0xb8;
	[tilespmem:$0x1DE00] =	vst v63  }
0xd5: {  	_ =	swait.ge [sflag:s29], $0x2800  }
0xd6: {  	s1 =	rddreg [dreg:$0xc];
	[sflag:s29] =	ssyncset.done $0x0  }
0xd7: {  	s6 =	rddreg [dreg:$0xb];
	[sflag:s29] =	ssyncadd.s32 $0xFFFFD800;
	s1 =	sadd.s32 s26, s1  }
0xd8: {  	[tilespmem:s15], [sflag:$0x4] =	stream.linear.gather [hbm4b:s1+s5], $0x50, $0x38;
	[tilespmem:$0x1DE00] =	vst v63  }
0xd9: {  	s6 =	sadd.s32 s26, s6  }
0xda: {  	[tilespmem:s16], [sflag:$0x8] =	stream.linear.gather [hbm4b:s6+s5], $0x50, $0x38;
	[tilespmem:$0x1DE00] =	vst v63  }
0xdb: {  	_ =	swait.ge [sflag:s17], $0x50  }
0xdc: {  	[sflag:s17] =	ssyncset.done $0x0  }
0xdd: {  	[sflag:s17] =	ssyncadd.s32 $0xFFFFFFB0  }
0xde: {  	_ =	swait.ge [sflag:s18], $0x50  }
0xdf: {  	[sflag:s18] =	ssyncset.done $0x0  }
0xe0: {  	[sflag:s18] =	ssyncadd.s32 $0xFFFFFFB0  }
0xe1: {  	[tilespmem:s11], [sflag:$0x9] =	stream.indirect.gather [hbm4b:s2+s10], $0x80, s4, s10, $0xb8;
	[tilespmem:$0x1DE00] =	vst v63  }
0xe2: {  	v1 =	vld [tilespmem:$0x200];
	_ =	sdelay $0x7  }
0xe3: {  	[tilespmem:v1+s28+$0x0] =	vst.idx.add.f32.msk $0xffff, v0  }
0xe4: {  	v1 =	vld [tilespmem:$0x210];
	_ =	sdelay $0x7  }
0xe5: {  	[tilespmem:v1+s28+$0x0] =	vst.idx.add.f32.msk $0xffff, v0  }
0xe6: {  	v1 =	vld [tilespmem:$0x220];
	_ =	sdelay $0x7  }
0xe7: {  	[tilespmem:v1+s28+$0x0] =	vst.idx.add.f32.msk $0xffff, v0  }
0xe8: {  	v1 =	vld [tilespmem:$0x230];
	_ =	sdelay $0x7  }
0xe9: {  	[tilespmem:v1+s28+$0x0] =	vst.idx.add.f32.msk $0xffff, v0  }
0xea: {  	v1 =	vld [tilespmem:$0x240];
	_ =	sdelay $0x7  }
0xeb: {  	[tilespmem:v1+s28+$0x0] =	vst.idx.add.f32.msk $0xffff, v0  }
0xec: {  	_ =	swait.ge [sflag:s23], $0x2800  }
0xed: {  	[sflag:s23] =	ssyncset.done $0x0  }
0xee: {  	[sflag:s23] =	ssyncadd.s32 $0xFFFFD800  }
0xef: {  	[spmem:s3] =	stream.indirect.scatter.add.f32 [tilespmem:s14], [sflag:$0xC], $0x80, s30, s10, $0xb8;
	[tilespmem:$0x1DE00] =	vst v63  }
0xf0: {  	_ =	swait.ge [sflag:s29], $0x2800  }
0xf1: {  	s1 =	rddreg [dreg:$0xe];
	[sflag:s29] =	ssyncset.done $0x0  }
0xf2: {  	s6 =	rddreg [dreg:$0xd];
	[sflag:s29] =	ssyncadd.s32 $0xFFFFD800;
	s1 =	sadd.s32 s26, s1  }
0xf3: {  	[tilespmem:s5], [sflag:$0x1] =	stream.linear.gather [hbm4b:s1+s5], $0x50, $0x38;
	[tilespmem:$0x1DE00] =	vst v63  }
0xf4: {  	s6 =	sadd.s32 s26, s6  }
0xf5: {  	[tilespmem:s30], [sflag:$0x5] =	stream.linear.gather [hbm4b:s6+s5], $0x50, $0x38;
	[tilespmem:$0x1DE00] =	vst v63  }
0xf6: {  	_ =	swait.ge [sflag:s21], $0x50  }
0xf7: {  	[sflag:s21] =	ssyncset.done $0x0  }
0xf8: {  	[sflag:s21] =	ssyncadd.s32 $0xFFFFFFB0  }
0xf9: {  	_ =	swait.ge [sflag:s22], $0x50  }
0xfa: {  	[sflag:s22] =	ssyncset.done $0x0  }
0xfb: {  	[sflag:s22] =	ssyncadd.s32 $0xFFFFFFB0  }
0xfc: {  	[tilespmem:s14], [sflag:$0xA] =	stream.indirect.gather [hbm4b:s2+s10], $0x80, s15, s10, $0xb8;
	[tilespmem:$0x1DE00] =	vst v63  }
0xfd: {  	v1 =	vld [tilespmem:$0x280];
	_ =	sdelay $0x7  }
0xfe: {  	[tilespmem:v1+s28+$0x0] =	vst.idx.add.f32.msk $0xffff, v0  }
0xff: {  	v1 =	vld [tilespmem:$0x290];
	_ =	sdelay $0x7  }
0x100: {  	[tilespmem:v1+s28+$0x0] =	vst.idx.add.f32.msk $0xffff, v0  }
0x101: {  	v1 =	vld [tilespmem:$0x2A0];
	_ =	sdelay $0x7  }
0x102: {  	[tilespmem:v1+s28+$0x0] =	vst.idx.add.f32.msk $0xffff, v0  }
0x103: {  	v1 =	vld [tilespmem:$0x2B0];
	_ =	sdelay $0x7  }
0x104: {  	[tilespmem:v1+s28+$0x0] =	vst.idx.add.f32.msk $0xffff, v0  }
0x105: {  	v1 =	vld [tilespmem:$0x2C0];
	_ =	sdelay $0x7  }
0x106: {  	[tilespmem:v1+s28+$0x0] =	vst.idx.add.f32.msk $0xffff, v0  }
0x107: {  	_ =	swait.ge [sflag:s24], $0x2800  }
0x108: {  	[sflag:s24] =	ssyncset.done $0x0  }
0x109: {  	[sflag:s24] =	ssyncadd.s32 $0xFFFFD800  }
0x10a: {  	[spmem:s3] =	stream.indirect.scatter.add.f32 [tilespmem:s19], [sflag:$0xC], $0x80, s0, s10, $0xb8;
	[tilespmem:$0x1DE00] =	vst v63  }
0x10b: {  	_ =	swait.ge [sflag:s29], $0x2800  }
0x10c: {  	s1 =	rddreg [dreg:$0x10];
	[sflag:s29] =	ssyncset.done $0x0  }
0x10d: {  	s6 =	rddreg [dreg:$0xf];
	[sflag:s29] =	ssyncadd.s32 $0xFFFFD800;
	s1 =	sadd.s32 s26, s1  }
0x10e: {  	[tilespmem:s31], [sflag:$0x2] =	stream.linear.gather [hbm4b:s1+s5], $0x50, $0x38;
	[tilespmem:$0x1DE00] =	vst v63  }
0x10f: {  	s6 =	sadd.s32 s26, s6  }
0x110: {  	[tilespmem:s0], [sflag:$0x6] =	stream.linear.gather [hbm4b:s6+s5], $0x50, $0x38;
	[tilespmem:$0x1DE00] =	vst v63  }
0x111: {  	_ =	swait.ge [sflag:s8], $0x50  }
0x112: {  	[sflag:s8] =	ssyncset.done $0x0  }
0x113: {  	[sflag:s8] =	ssyncadd.s32 $0xFFFFFFB0  }
0x114: {  	_ =	swait.ge [sflag:s9], $0x50  }
0x115: {  	[sflag:s9] =	ssyncset.done $0x0  }
0x116: {  	[sflag:s9] =	ssyncadd.s32 $0xFFFFFFB0  }
0x117: {  	[tilespmem:s19], [sflag:$0xB] =	stream.indirect.gather [hbm4b:s2+s10], $0x80, s5, s10, $0xb8;
	[tilespmem:$0x1DE00] =	vst v63  }
0x118: {  	v1 =	vld [tilespmem:$0x300];
	_ =	sdelay $0x7  }
0x119: {  	[tilespmem:v1+s28+$0x0] =	vst.idx.add.f32.msk $0xffff, v0  }
0x11a: {  	v1 =	vld [tilespmem:$0x310];
	_ =	sdelay $0x7  }
0x11b: {  	[tilespmem:v1+s28+$0x0] =	vst.idx.add.f32.msk $0xffff, v0  }
0x11c: {  	v1 =	vld [tilespmem:$0x320];
	_ =	sdelay $0x7  }
0x11d: {  	[tilespmem:v1+s28+$0x0] =	vst.idx.add.f32.msk $0xffff, v0  }
0x11e: {  	v1 =	vld [tilespmem:$0x330];
	_ =	sdelay $0x7  }
0x11f: {  	[tilespmem:v1+s28+$0x0] =	vst.idx.add.f32.msk $0xffff, v0  }
0x120: {  	v1 =	vld [tilespmem:$0x340];
	_ =	sdelay $0x7  }
0x121: {  	[tilespmem:v1+s28+$0x0] =	vst.idx.add.f32.msk $0xffff, v0  }
0x122: {  	_ =	swait.ge [sflag:s20], $0x2800  }
0x123: {  	[sflag:s20] =	ssyncset.done $0x0  }
0x124: {  	[sflag:s20] =	ssyncadd.s32 $0xFFFFD800  }
0x125: {  	[spmem:s3] =	stream.indirect.scatter.add.f32 [tilespmem:s11], [sflag:$0xC], $0x80, s7, s10, $0xb8;
	[tilespmem:$0x1DE00] =	vst v63  }
0x126: {  	_ =	swait.ge [sflag:s29], $0x2800  }
0x127: {  	s1 =	rddreg [dreg:$0x12];
	[sflag:s29] =	ssyncset.done $0x0  }
0x128: {  	s6 =	rddreg [dreg:$0x11];
	[sflag:s29] =	ssyncadd.s32 $0xFFFFD800;
	s1 =	sadd.s32 s26, s1  }
0x129: {  	[tilespmem:s4], [sflag:$0x3] =	stream.linear.gather [hbm4b:s1+s5], $0x50, $0x38;
	[tilespmem:$0x1DE00] =	vst v63  }
0x12a: {  	s6 =	sadd.s32 s26, s6  }
0x12b: {  	[tilespmem:s7], [sflag:$0x7] =	stream.linear.gather [hbm4b:s6+s5], $0x50, $0x38;
	[tilespmem:$0x1DE00] =	vst v63  }
0x12c: {  	_ =	swait.ge [sflag:s12], $0x50  }
0x12d: {  	[sflag:s12] =	ssyncset.done $0x0  }
0x12e: {  	[sflag:s12] =	ssyncadd.s32 $0xFFFFFFB0  }
0x12f: {  	_ =	swait.ge [sflag:s13], $0x50  }
0x130: {  	[sflag:s13] =	ssyncset.done $0x0  }
0x131: {  	[sflag:s13] =	ssyncadd.s32 $0xFFFFFFB0  }
0x132: {  	[tilespmem:s11], [sflag:$0x9] =	stream.indirect.gather [hbm4b:s2+s10], $0x80, s31, s10, $0xb8;
	[tilespmem:$0x1DE00] =	vst v63  }
0x133: {  	v1 =	vld [tilespmem:$0x380];
	_ =	sdelay $0x7  }
0x134: {  	[tilespmem:v1+s28+$0x0] =	vst.idx.add.f32.msk $0xffff, v0  }
0x135: {  	v1 =	vld [tilespmem:$0x390];
	_ =	sdelay $0x7  }
0x136: {  	[tilespmem:v1+s28+$0x0] =	vst.idx.add.f32.msk $0xffff, v0  }
0x137: {  	v1 =	vld [tilespmem:$0x3A0];
	_ =	sdelay $0x7  }
0x138: {  	[tilespmem:v1+s28+$0x0] =	vst.idx.add.f32.msk $0xffff, v0  }
0x139: {  	v1 =	vld [tilespmem:$0x3B0];
	_ =	sdelay $0x7  }
0x13a: {  	[tilespmem:v1+s28+$0x0] =	vst.idx.add.f32.msk $0xffff, v0  }
0x13b: {  	v1 =	vld [tilespmem:$0x3C0];
	_ =	sdelay $0x7  }
0x13c: {  	[tilespmem:v1+s28+$0x0] =	vst.idx.add.f32.msk $0xffff, v0  }
0x13d: {  	_ =	swait.ge [sflag:s23], $0x2800  }
0x13e: {  	[sflag:s23] =	ssyncset.done $0x0  }
0x13f: {  	[sflag:s23] =	ssyncadd.s32 $0xFFFFD800  }
0x140: {  	[spmem:s3] =	stream.indirect.scatter.add.f32 [tilespmem:s14], [sflag:$0xC], $0x80, s16, s10, $0xb8;
	[tilespmem:$0x1DE00] =	vst v63  }
0x141: {  	_ =	swait.ge [sflag:s29], $0x2800  }
0x142: {  	s1 =	rddreg [dreg:$0x14];
	[sflag:s29] =	ssyncset.done $0x0  }
0x143: {  	s6 =	rddreg [dreg:$0x13];
	[sflag:s29] =	ssyncadd.s32 $0xFFFFD800;
	s1 =	sadd.s32 s26, s1  }
0x144: {  	[tilespmem:s15], [sflag:$0x4] =	stream.linear.gather [hbm4b:s1+s5], $0x50, $0x38;
	[tilespmem:$0x1DE00] =	vst v63  }
0x145: {  	s6 =	sadd.s32 s26, s6  }
0x146: {  	[tilespmem:s16], [sflag:$0x8] =	stream.linear.gather [hbm4b:s6+s5], $0x50, $0x38;
	[tilespmem:$0x1DE00] =	vst v63  }
0x147: {  	_ =	swait.ge [sflag:s17], $0x50  }
0x148: {  	[sflag:s17] =	ssyncset.done $0x0  }
0x149: {  	[sflag:s17] =	ssyncadd.s32 $0xFFFFFFB0  }
0x14a: {  	_ =	swait.ge [sflag:s18], $0x50  }
0x14b: {  	[sflag:s18] =	ssyncset.done $0x0  }
0x14c: {  	[sflag:s18] =	ssyncadd.s32 $0xFFFFFFB0  }
0x14d: {  	[tilespmem:s14], [sflag:$0xA] =	stream.indirect.gather [hbm4b:s2+s10], $0x80, s4, s10, $0xb8;
	[tilespmem:$0x1DE00] =	vst v63  }
0x14e: {  	v1 =	vld [tilespmem:$0x200];
	_ =	sdelay $0x7  }
0x14f: {  	[tilespmem:v1+s28+$0x0] =	vst.idx.add.f32.msk $0xffff, v0  }
0x150: {  	v1 =	vld [tilespmem:$0x210];
	_ =	sdelay $0x7  }
0x151: {  	[tilespmem:v1+s28+$0x0] =	vst.idx.add.f32.msk $0xffff, v0  }
0x152: {  	v1 =	vld [tilespmem:$0x220];
	_ =	sdelay $0x7  }
0x153: {  	[tilespmem:v1+s28+$0x0] =	vst.idx.add.f32.msk $0xffff, v0  }
0x154: {  	v1 =	vld [tilespmem:$0x230];
	_ =	sdelay $0x7  }
0x155: {  	[tilespmem:v1+s28+$0x0] =	vst.idx.add.f32.msk $0xffff, v0  }
0x156: {  	v1 =	vld [tilespmem:$0x240];
	_ =	sdelay $0x7  }
0x157: {  	[tilespmem:v1+s28+$0x0] =	vst.idx.add.f32.msk $0xffff, v0  }
0x158: {  	_ =	swait.ge [sflag:s24], $0x2800  }
0x159: {  	[sflag:s24] =	ssyncset.done $0x0  }
0x15a: {  	[sflag:s24] =	ssyncadd.s32 $0xFFFFD800  }
0x15b: {  	[spmem:s3] =	stream.indirect.scatter.add.f32 [tilespmem:s19], [sflag:$0xC], $0x80, s30, s10, $0xb8;
	[tilespmem:$0x1DE00] =	vst v63  }
0x15c: {  	_ =	swait.ge [sflag:s29], $0x2800  }
0x15d: {  	s1 =	sshrl.u32 s25, $0x3;
	[sflag:s29] =	ssyncset.done $0x0;
	s6 =	rddreg [dreg:$0x1b]  }
0x15e: {  	[sflag:s29] =	ssyncadd.s32 $0xFFFFD800;
	s6 =	sadd.s32 s6, s1  }
0x15f: {  	[tilespmem:s5], [sflag:$0x1] =	stream.linear.gather [hbm4b:s6+s5], $0x50, $0x38;
	[tilespmem:$0x1DE00] =	vst v63  }
0x160: {  	s6 =	rddreg [dreg:$0x1]  }
0x161: {  	s1 =	sadd.s32 s6, s1  }
0x162: {  	[tilespmem:s30], [sflag:$0x5] =	stream.linear.gather [hbm4b:s1+s5], $0x50, $0x38;
	[tilespmem:$0x1DE00] =	vst v63  }
0x163: {  	_ =	swait.ge [sflag:s21], $0x50  }
0x164: {  	[sflag:s21] =	ssyncset.done $0x0  }
0x165: {  	[sflag:s21] =	ssyncadd.s32 $0xFFFFFFB0  }
0x166: {  	_ =	swait.ge [sflag:s22], $0x50  }
0x167: {  	[sflag:s22] =	ssyncset.done $0x0  }
0x168: {  	[sflag:s22] =	ssyncadd.s32 $0xFFFFFFB0  }
0x169: {  	[tilespmem:s19], [sflag:$0xB] =	stream.indirect.gather [hbm4b:s2+s10], $0x80, s15, s10, $0xb8;
	[tilespmem:$0x1DE00] =	vst v63  }
0x16a: {  	v1 =	vld [tilespmem:$0x280];
	_ =	sdelay $0x7  }
0x16b: {  	[tilespmem:v1+s28+$0x0] =	vst.idx.add.f32.msk $0xffff, v0  }
0x16c: {  	v1 =	vld [tilespmem:$0x290];
	_ =	sdelay $0x7  }
0x16d: {  	[tilespmem:v1+s28+$0x0] =	vst.idx.add.f32.msk $0xffff, v0  }
0x16e: {  	v1 =	vld [tilespmem:$0x2A0];
	_ =	sdelay $0x7  }
0x16f: {  	[tilespmem:v1+s28+$0x0] =	vst.idx.add.f32.msk $0xffff, v0  }
0x170: {  	v1 =	vld [tilespmem:$0x2B0];
	_ =	sdelay $0x7  }
0x171: {  	[tilespmem:v1+s28+$0x0] =	vst.idx.add.f32.msk $0xffff, v0  }
0x172: {  	v1 =	vld [tilespmem:$0x2C0];
	_ =	sdelay $0x7  }
0x173: {  	[tilespmem:v1+s28+$0x0] =	vst.idx.add.f32.msk $0xffff, v0  }
0x174: {  	_ =	swait.ge [sflag:s20], $0x2800  }
0x175: {  	[sflag:s20] =	ssyncset.done $0x0  }
0x176: {  	[sflag:s20] =	ssyncadd.s32 $0xFFFFD800  }
0x177: {  	[spmem:s3] =	stream.indirect.scatter.add.f32 [tilespmem:s11], [sflag:$0xC], $0x80, s0, s10, $0xb8;
	[tilespmem:$0x1DE00] =	vst v63  }
0x178: {  	_ =	swait.ge [sflag:s29], $0x2800  }
0x179: {  	s1 =	rddreg [dreg:$0x16];
	[sflag:s29] =	ssyncset.done $0x0  }
0x17a: {  	s6 =	rddreg [dreg:$0x15];
	[sflag:s29] =	ssyncadd.s32 $0xFFFFD800;
	s1 =	sadd.s32 s26, s1  }
0x17b: {  	[tilespmem:s31], [sflag:$0x2] =	stream.linear.gather [hbm4b:s1+s5], $0x50, $0x38;
	[tilespmem:$0x1DE00] =	vst v63  }
0x17c: {  	s6 =	sadd.s32 s26, s6  }
0x17d: {  	[tilespmem:s0], [sflag:$0x6] =	stream.linear.gather [hbm4b:s6+s5], $0x50, $0x38;
	[tilespmem:$0x1DE00] =	vst v63  }
0x17e: {  	_ =	swait.ge [sflag:s8], $0x50  }
0x17f: {  	[sflag:s8] =	ssyncset.done $0x0  }
0x180: {  	[sflag:s8] =	ssyncadd.s32 $0xFFFFFFB0  }
0x181: {  	_ =	swait.ge [sflag:s9], $0x50  }
0x182: {  	[sflag:s9] =	ssyncset.done $0x0  }
0x183: {  	[sflag:s9] =	ssyncadd.s32 $0xFFFFFFB0  }
0x184: {  	[tilespmem:s11], [sflag:$0x9] =	stream.indirect.gather [hbm4b:s2+s10], $0x80, s5, s10, $0xb8;
	[tilespmem:$0x1DE00] =	vst v63  }
0x185: {  	v1 =	vld [tilespmem:$0x300];
	_ =	sdelay $0x7  }
0x186: {  	[tilespmem:v1+s28+$0x0] =	vst.idx.add.f32.msk $0xffff, v0  }
0x187: {  	v1 =	vld [tilespmem:$0x310];
	_ =	sdelay $0x7  }
0x188: {  	[tilespmem:v1+s28+$0x0] =	vst.idx.add.f32.msk $0xffff, v0  }
0x189: {  	v1 =	vld [tilespmem:$0x320];
	_ =	sdelay $0x7  }
0x18a: {  	[tilespmem:v1+s28+$0x0] =	vst.idx.add.f32.msk $0xffff, v0  }
0x18b: {  	v1 =	vld [tilespmem:$0x330];
	_ =	sdelay $0x7  }
0x18c: {  	[tilespmem:v1+s28+$0x0] =	vst.idx.add.f32.msk $0xffff, v0  }
0x18d: {  	v1 =	vld [tilespmem:$0x340];
	_ =	sdelay $0x7  }
0x18e: {  	[tilespmem:v1+s28+$0x0] =	vst.idx.add.f32.msk $0xffff, v0  }
0x18f: {  	_ =	swait.ge [sflag:s23], $0x2800  }
0x190: {  	[sflag:s23] =	ssyncset.done $0x0  }
0x191: {  	[sflag:s23] =	ssyncadd.s32 $0xFFFFD800  }
0x192: {  	[spmem:s3] =	stream.indirect.scatter.add.f32 [tilespmem:s14], [sflag:$0xC], $0x80, s7, s10, $0xb8;
	[tilespmem:$0x1DE00] =	vst v63  }
0x193: {  	_ =	swait.ge [sflag:s29], $0x2800  }
0x194: {  	s1 =	rddreg [dreg:$0x18];
	[sflag:s29] =	ssyncset.done $0x0  }
0x195: {  	s6 =	rddreg [dreg:$0x17];
	[sflag:s29] =	ssyncadd.s32 $0xFFFFD800;
	s1 =	sadd.s32 s26, s1  }
0x196: {  	[tilespmem:s4], [sflag:$0x3] =	stream.linear.gather [hbm4b:s1+s5], $0x50, $0x38;
	[tilespmem:$0x1DE00] =	vst v63  }
0x197: {  	s6 =	sadd.s32 s26, s6  }
0x198: {  	[tilespmem:s7], [sflag:$0x7] =	stream.linear.gather [hbm4b:s6+s5], $0x50, $0x38;
	[tilespmem:$0x1DE00] =	vst v63  }
0x199: {  	_ =	swait.ge [sflag:s12], $0x50  }
0x19a: {  	[sflag:s12] =	ssyncset.done $0x0  }
0x19b: {  	[sflag:s12] =	ssyncadd.s32 $0xFFFFFFB0  }
0x19c: {  	_ =	swait.ge [sflag:s13], $0x50  }
0x19d: {  	[sflag:s13] =	ssyncset.done $0x0  }
0x19e: {  	[sflag:s13] =	ssyncadd.s32 $0xFFFFFFB0  }
0x19f: {  	[tilespmem:s14], [sflag:$0xA] =	stream.indirect.gather [hbm4b:s2+s10], $0x80, s31, s10, $0xb8;
	[tilespmem:$0x1DE00] =	vst v63  }
0x1a0: {  	v1 =	vld [tilespmem:$0x380];
	_ =	sdelay $0x7  }
0x1a1: {  	[tilespmem:v1+s28+$0x0] =	vst.idx.add.f32.msk $0xffff, v0  }
0x1a2: {  	v1 =	vld [tilespmem:$0x390];
	_ =	sdelay $0x7  }
0x1a3: {  	[tilespmem:v1+s28+$0x0] =	vst.idx.add.f32.msk $0xffff, v0  }
0x1a4: {  	v1 =	vld [tilespmem:$0x3A0];
	_ =	sdelay $0x7  }
0x1a5: {  	[tilespmem:v1+s28+$0x0] =	vst.idx.add.f32.msk $0xffff, v0  }
0x1a6: {  	v1 =	vld [tilespmem:$0x3B0];
	_ =	sdelay $0x7  }
0x1a7: {  	[tilespmem:v1+s28+$0x0] =	vst.idx.add.f32.msk $0xffff, v0  }
0x1a8: {  	v1 =	vld [tilespmem:$0x3C0];
	_ =	sdelay $0x7  }
0x1a9: {  	[tilespmem:v1+s28+$0x0] =	vst.idx.add.f32.msk $0xffff, v0  }
0x1aa: {  	_ =	swait.ge [sflag:s24], $0x2800  }
0x1ab: {  	p1 =	sne.s32 s26, $0x438;
	[sflag:s24] =	ssyncset.done $0x0  }
.Ltmp0:
0x1ac: {  	[sflag:s24] =	ssyncadd.s32 $0xFFFFD800;
	(pc) =	sbr.rel @p1 .LBB2_2-.Ltmp0, $4  }
0x1ad: {  	[spmem:s3] =	stream.indirect.scatter.add.f32 [tilespmem:s19], [sflag:$0xC], $0x80, s16, s10, $0xb8;
	[tilespmem:$0x1DE00] =	vst v63  }
0x1ae: {  	_ =	swait.ge [sflag:s29], $0x2800  }
0x1af: {  	[sflag:s29] =	ssyncset.done $0x0  }
0x1b0: {  	s25 =	sadd.s32 $0x3C0, s25;
	s26 =	sadd.s32 $0x78, s26;
	[sflag:s29] =	ssyncadd.s32 $0xFFFFD800  }
0x1b1: {  	s1 =	sld [smem:$0x7F5];
	_ =	sdelay $0x1  }
0x1b2: {  	s26 =	sld [smem:$0x7F6]  }
0x1b3: {  	[tilespmem:s15], [sflag:$0x4] =	stream.linear.gather [hbm4b:s1+s5], $0x50, $0x38;
	[tilespmem:$0x1DE00] =	vst v63  }
0x1b4: {  	_ = 	snop  }
0x1b5: {  	[tilespmem:s16], [sflag:$0x8] =	stream.linear.gather [hbm4b:s26+s5], $0x50, $0x38;
	[tilespmem:$0x1DE00] =	vst v63  }
0x1b6: {  	_ =	swait.ge [sflag:s17], $0x50  }
0x1b7: {  	[sflag:s17] =	ssyncset.done $0x0  }
0x1b8: {  	[sflag:s17] =	ssyncadd.s32 $0xFFFFFFB0  }
0x1b9: {  	_ =	swait.ge [sflag:s18], $0x50  }
0x1ba: {  	[sflag:s18] =	ssyncset.done $0x0  }
0x1bb: {  	[sflag:s18] =	ssyncadd.s32 $0xFFFFFFB0  }
0x1bc: {  	[tilespmem:s19], [sflag:$0xB] =	stream.indirect.gather [hbm4b:s2+s10], $0x80, s4, s10, $0xb8;
	[tilespmem:$0x1DE00] =	vst v63  }
0x1bd: {  	v1 =	vld [tilespmem:$0x200];
	_ =	sdelay $0x7  }
0x1be: {  	[tilespmem:v1+s28+$0x0] =	vst.idx.add.f32.msk $0xffff, v0  }
0x1bf: {  	v1 =	vld [tilespmem:$0x210];
	_ =	sdelay $0x7  }
0x1c0: {  	[tilespmem:v1+s28+$0x0] =	vst.idx.add.f32.msk $0xffff, v0  }
0x1c1: {  	v1 =	vld [tilespmem:$0x220];
	_ =	sdelay $0x7  }
0x1c2: {  	[tilespmem:v1+s28+$0x0] =	vst.idx.add.f32.msk $0xffff, v0  }
0x1c3: {  	v1 =	vld [tilespmem:$0x230];
	_ =	sdelay $0x7  }
0x1c4: {  	[tilespmem:v1+s28+$0x0] =	vst.idx.add.f32.msk $0xffff, v0  }
0x1c5: {  	v1 =	vld [tilespmem:$0x240];
	_ =	sdelay $0x7  }
0x1c6: {  	[tilespmem:v1+s28+$0x0] =	vst.idx.add.f32.msk $0xffff, v0  }
0x1c7: {  	_ =	swait.ge [sflag:s20], $0x2800  }
0x1c8: {  	[sflag:s20] =	ssyncset.done $0x0  }
0x1c9: {  	[sflag:s20] =	ssyncadd.s32 $0xFFFFD800  }
0x1ca: {  	[spmem:s3] =	stream.indirect.scatter.add.f32 [tilespmem:s11], [sflag:$0xC], $0x80, s30, s10, $0xb8;
	[tilespmem:$0x1DE00] =	vst v63  }
0x1cb: {  	_ =	swait.ge [sflag:s29], $0x2800  }
0x1cc: {  	s6 =	sld [smem:$0x7F7]  }
0x1cd: {  	[sflag:s29] =	ssyncset.done $0x0  }
0x1ce: {  	s25 =	sld [smem:$0x7F8];
	[sflag:s29] =	ssyncadd.s32 $0xFFFFD800  }
0x1cf: {  	[tilespmem:s5], [sflag:$0x1] =	stream.linear.gather [hbm4b:s6+s5], $0x50, $0x38;
	[tilespmem:$0x1DE00] =	vst v63  }
0x1d0: {  	_ = 	snop  }
0x1d1: {  	[tilespmem:s30], [sflag:$0x5] =	stream.linear.gather [hbm4b:s25+s5], $0x50, $0x38;
	[tilespmem:$0x1DE00] =	vst v63  }
0x1d2: {  	_ =	swait.ge [sflag:s21], $0x50  }
0x1d3: {  	[sflag:s21] =	ssyncset.done $0x0  }
0x1d4: {  	[sflag:s21] =	ssyncadd.s32 $0xFFFFFFB0  }
0x1d5: {  	_ =	swait.ge [sflag:s22], $0x50  }
0x1d6: {  	[sflag:s22] =	ssyncset.done $0x0  }
0x1d7: {  	[sflag:s22] =	ssyncadd.s32 $0xFFFFFFB0  }
0x1d8: {  	[tilespmem:s11], [sflag:$0x9] =	stream.indirect.gather [hbm4b:s2+s10], $0x80, s15, s10, $0xb8;
	[tilespmem:$0x1DE00] =	vst v63  }
0x1d9: {  	v1 =	vld [tilespmem:$0x280];
	_ =	sdelay $0x7  }
0x1da: {  	[tilespmem:v1+s28+$0x0] =	vst.idx.add.f32.msk $0xffff, v0  }
0x1db: {  	v1 =	vld [tilespmem:$0x290];
	_ =	sdelay $0x7  }
0x1dc: {  	[tilespmem:v1+s28+$0x0] =	vst.idx.add.f32.msk $0xffff, v0  }
0x1dd: {  	v1 =	vld [tilespmem:$0x2A0];
	_ =	sdelay $0x7  }
0x1de: {  	[tilespmem:v1+s28+$0x0] =	vst.idx.add.f32.msk $0xffff, v0  }
0x1df: {  	v1 =	vld [tilespmem:$0x2B0];
	_ =	sdelay $0x7  }
0x1e0: {  	[tilespmem:v1+s28+$0x0] =	vst.idx.add.f32.msk $0xffff, v0  }
0x1e1: {  	v1 =	vld [tilespmem:$0x2C0];
	_ =	sdelay $0x7  }
0x1e2: {  	[tilespmem:v1+s28+$0x0] =	vst.idx.add.f32.msk $0xffff, v0  }
0x1e3: {  	_ =	swait.ge [sflag:s23], $0x2800  }
0x1e4: {  	[sflag:s23] =	ssyncset.done $0x0  }
0x1e5: {  	[sflag:s23] =	ssyncadd.s32 $0xFFFFD800  }
0x1e6: {  	[spmem:s3] =	stream.indirect.scatter.add.f32 [tilespmem:s14], [sflag:$0xC], $0x80, s0, s10, $0xb8;
	[tilespmem:$0x1DE00] =	vst v63  }
0x1e7: {  	_ =	swait.ge [sflag:s29], $0x2800  }
0x1e8: {  	[sflag:s29] =	ssyncset.done $0x0  }
0x1e9: {  	[sflag:s29] =	ssyncadd.s32 $0xFFFFD800  }
0x1ea: {  	_ =	swait.ge [sflag:s8], $0x50  }
0x1eb: {  	[sflag:s8] =	ssyncset.done $0x0  }
0x1ec: {  	[sflag:s8] =	ssyncadd.s32 $0xFFFFFFB0  }
0x1ed: {  	_ =	swait.ge [sflag:s9], $0x50  }
0x1ee: {  	[sflag:s9] =	ssyncset.done $0x0  }
0x1ef: {  	[sflag:s9] =	ssyncadd.s32 $0xFFFFFFB0  }
0x1f0: {  	[tilespmem:s14], [sflag:$0xA] =	stream.indirect.gather [hbm4b:s2+s10], $0x80, s5, s10, $0xb8;
	[tilespmem:$0x1DE00] =	vst v63  }
0x1f1: {  	v1 =	vld [tilespmem:$0x300];
	_ =	sdelay $0x7  }
0x1f2: {  	[tilespmem:v1+s28+$0x0] =	vst.idx.add.f32.msk $0xffff, v0  }
0x1f3: {  	v1 =	vld [tilespmem:$0x310];
	_ =	sdelay $0x7  }
0x1f4: {  	[tilespmem:v1+s28+$0x0] =	vst.idx.add.f32.msk $0xffff, v0  }
0x1f5: {  	v1 =	vld [tilespmem:$0x320];
	_ =	sdelay $0x7  }
0x1f6: {  	[tilespmem:v1+s28+$0x0] =	vst.idx.add.f32.msk $0xffff, v0  }
0x1f7: {  	v1 =	vld [tilespmem:$0x330];
	_ =	sdelay $0x7  }
0x1f8: {  	[tilespmem:v1+s28+$0x0] =	vst.idx.add.f32.msk $0xffff, v0  }
0x1f9: {  	v1 =	vld [tilespmem:$0x340];
	_ =	sdelay $0x7  }
0x1fa: {  	[tilespmem:v1+s28+$0x0] =	vst.idx.add.f32.msk $0xffff, v0  }
0x1fb: {  	_ =	swait.ge [sflag:s24], $0x2800  }
0x1fc: {  	[sflag:s24] =	ssyncset.done $0x0  }
0x1fd: {  	[sflag:s24] =	ssyncadd.s32 $0xFFFFD800  }
0x1fe: {  	[spmem:s3] =	stream.indirect.scatter.add.f32 [tilespmem:s19], [sflag:$0xC], $0x80, s7, s10, $0xb8;
	[tilespmem:$0x1DE00] =	vst v63  }
0x1ff: {  	_ =	swait.ge [sflag:s29], $0x2800  }
0x200: {  	[sflag:s29] =	ssyncset.done $0x0  }
0x201: {  	[sflag:s29] =	ssyncadd.s32 $0xFFFFD800  }
0x202: {  	v1 =	vld [tilespmem:$0x380];
	_ =	sdelay $0x7  }
0x203: {  	[tilespmem:v1+s28+$0x0] =	vst.idx.add.f32.msk $0xffff, v0  }
0x204: {  	v1 =	vld [tilespmem:$0x390];
	_ =	sdelay $0x7  }
0x205: {  	[tilespmem:v1+s28+$0x0] =	vst.idx.add.f32.msk $0xffff, v0  }
0x206: {  	v1 =	vld [tilespmem:$0x3A0];
	_ =	sdelay $0x7  }
0x207: {  	[tilespmem:v1+s28+$0x0] =	vst.idx.add.f32.msk $0xffff, v0  }
0x208: {  	v1 =	vld [tilespmem:$0x3B0];
	_ =	sdelay $0x7  }
0x209: {  	[tilespmem:v1+s28+$0x0] =	vst.idx.add.f32.msk $0xffff, v0  }
0x20a: {  	v1 =	vld [tilespmem:$0x3C0];
	_ =	sdelay $0x7  }
0x20b: {  	[tilespmem:v1+s28+$0x0] =	vst.idx.add.f32.msk $0xffff, v0  }
0x20c: {  	_ =	swait.ge [sflag:s20], $0x2800  }
0x20d: {  	[sflag:s20] =	ssyncset.done $0x0  }
0x20e: {  	[sflag:s20] =	ssyncadd.s32 $0xFFFFD800  }
0x20f: {  	[spmem:s3] =	stream.indirect.scatter.add.f32 [tilespmem:s11], [sflag:$0xC], $0x80, s16, s10, $0xb8;
	[tilespmem:$0x1DE00] =	vst v63  }
0x210: {  	_ =	swait.ge [sflag:s29], $0x2800  }
0x211: {  	[sflag:s29] =	ssyncset.done $0x0  }
0x212: {  	[sflag:s29] =	ssyncadd.s32 $0xFFFFD800  }
0x213: {  	v1 =	vld [tilespmem:$0x200];
	_ =	sdelay $0x7  }
0x214: {  	[tilespmem:v1+s28+$0x0] =	vst.idx.add.f32.msk $0xffff, v0  }
0x215: {  	v1 =	vld [tilespmem:$0x210];
	_ =	sdelay $0x7  }
0x216: {  	[tilespmem:v1+s28+$0x0] =	vst.idx.add.f32.msk $0xffff, v0  }
0x217: {  	v1 =	vld [tilespmem:$0x220];
	_ =	sdelay $0x7  }
0x218: {  	[tilespmem:v1+s28+$0x0] =	vst.idx.add.f32.msk $0xffff, v0  }
0x219: {  	v1 =	vld [tilespmem:$0x230];
	_ =	sdelay $0x7  }
0x21a: {  	[tilespmem:v1+s28+$0x0] =	vst.idx.add.f32.msk $0xffff, v0  }
0x21b: {  	v1 =	vld [tilespmem:$0x240];
	_ =	sdelay $0x7  }
0x21c: {  	[tilespmem:v1+s28+$0x0] =	vst.idx.add.f32.msk $0xffff, v0  }
0x21d: {  	_ =	swait.ge [sflag:s23], $0x2800  }
0x21e: {  	[sflag:s23] =	ssyncset.done $0x0  }
0x21f: {  	[sflag:s23] =	ssyncadd.s32 $0xFFFFD800  }
0x220: {  	[spmem:s3] =	stream.indirect.scatter.add.f32 [tilespmem:s14], [sflag:$0xC], $0x80, s30, s10, $0xb8;
	[tilespmem:$0x1DE00] =	vst v63  }
0x221: {  	_ =	swait.ge [sflag:s29], $0x2800  }
0x222: {  	s26 =	sld [smem:$0x7F9]  }
0x223: {  	[sflag:s29] =	ssyncset.done $0x0  }
0x224: {  	[sflag:s29] =	ssyncadd.s32 $0xFFFFD800  }
0x225: {  	[hbm4b:s26+s5] =	stream.linear.scatter [tilespmem:s28], [sflag:$0xC], $0x2710, $0x38;
	[tilespmem:$0x1DE00] =	vst v63  }
0x226: {  	_ =	swait.ge [sflag:s29], $0x2710  }
0x227: {  	[sflag:s29] =	ssyncset.done $0x0  }
0x228: {  	[sflag:s29] =	ssyncadd.s32 $0xFFFFD8F0  }
0x229: {  	[bflag:$0x0] =	sbarrier.arrive $0xFFFF  }
0x22a: {  	s6 =	sld [smem:$0x7FA]  }
0x22b: {  	s25 =	sld [smem:$0x7EB];
	_ =	sdelay $0x1  }
0x22c: {  	s1 =	simm.s32 @p0 $0x1FCC  }
0x22d: {  	[hbm:s6], [sflag:s1] =	dma.local @p0 [spmem:s25], $0x2080  }
0x22e: {  	s1 =	simm.s32 @p0 $0xC  }
0x22f: {  	_ =	swait.ge @p0 [sflag:s1], $0x2080  }
0x230: {  	s6 =	sld [smem:$0x7EC]  }
0x231: {  	[sflag:s1] =	ssyncset.done @p0 $0x0;
	s25 =	sld [smem:$0x7ED]  }
0x232: {  	[sflag:s1] =	ssyncadd.s32 @p0 $0xFFFFDF80;
	s1 =	sld [smem:$0x7F4];
	_ =	sdelay $0x2  }
0x233: {  	[hbm:s1], [sflag:s6] =	dma.local @!p0 [spmem:s25], $0x2780  }
0x234: {  	s1 =	simm.s32 @!p0 $0xC  }
0x235: {  	_ =	swait.ge @!p0 [sflag:s1], $0x2780  }
0x236: {  	s6 =	sld [smem:$0x7EA]  }
0x237: {  	s26 =	sld [smem:$0x7FB];
	_ =	sdelay $0x1  }
0x238: {  	s25 =	sadd.s32 $0x1, s6  }
0x239: {  	p1 =	sne.s32 s25, s26  }
.Ltmp1:
0x23a: {  	_ = 	snop;
	(pc) =	sbr.rel @p1 .LBB2_1-.Ltmp1, $3  }
0x23b: {  	_ =	sdelay $0x1  }
0x23c: {  	[sflag:s1] =	ssyncset.done @!p0 $0x0  }
0x23d: {  	[sflag:s1] =	ssyncadd.s32 @!p0 $0xFFFFD880  }
0x23e: {  	_ =	sfence.sel $0x180000  }
0x23f: {  	[bflag:$0x0] =	sbarrier.arrive $0xFFFF  }
0x240: {  	_ =	strace $0x90000047  }
0x241: {  	s0 =	stileid.u32;
	[bflag:$0x2] =	sbarrier.arrive $0xFFFF  }
0x242: {  	p0 =	sne.s32 s0, $0x0;
	s0 =	rddreg [dreg:$0x4]  }
0x243: {  	s0 =	sadd.s32 @!p0 $0x100000, s0  }
0x244: {  	[sflag:s0] =	ssyncadd.tile.s32 @!p0 $0x1;
	_ =	shalt  }
.Lfunc_end2:
_tile_overlayer_lowered:
.L_overlay_start_2:
0x245: {  	(tag) =	ssettag $0x2  }
0x246: {  	s0 =	rddreg [dreg:$0x0];
	s2 =	stileid.u32  }
0x247: {  	s1 =	rddreg [dreg:$0x1];
	p0 =	sne.s32 s2, $0x0  }
0x248: {  	s3 =	rddreg [dreg:$0x2];
	[bflag:$0x3] =	sbarrier.arrive $0xFFFF;
	s2 =	simm.s32 @!p0 $0x1C0C  }
0x249: {  	[timem:s3], [sflag:s2] =	dma.local @!p0 [hbm:s0], s1  }
0x24a: {  	s0 =	simm.s32 @!p0 $0xC  }
0x24b: {  	_ =	swait.ge @!p0 [sflag:s0], s1  }
0x24c: {  	s1 =	ssub.s32 @!p0 $0x0, s1;
	[sflag:s0] =	ssyncset.done @!p0 $0x0  }
0x24d: {  	[sflag:s0] =	ssyncadd.s32 @!p0 s1  }
0x24e: {  	[bflag:$0x3] =	sbarrier.arrive $0xFFFF  }
0x24f: {  	_ =	shalt  }

</sc_bundles>
